<compile_context>
chip_gen: v7x
topology: tpu7x:2x2x1
jax: 0.10.2.dev20260603
libtpu: 0.0.44.dev20260713+nightly
codegen_flags: <defaults>
</compile_context>

<pallas_src>
import functools
import math

import jax
import jax.numpy as jnp
from jax import lax
from jax.experimental import pallas as pl
from jax.experimental.pallas import tpu as pltpu
from jax.experimental.pallas import tpu_sc as plsc

N = 10000
E = 160000
D = 128
T = 4
R = 8
H = 8
HD = 16

NS = 16
CE = 40
NCHUNK = E // CE
NP = 10240
RPT = NP // NS
ZR = 40
NZ = RPT // ZR


BN = 1000
NB = N // BN




def _proj_body(nt_ref, x_ref, Wk_ref, bk_ref, Wq_ref, bq_ref, Wv_ref, bv_ref,
               Ak_ref, Av_ref, q_out, k_out, v_out):
    xb = x_ref[...]
    nt = nt_ref[...]

    def per_type(W_ref, b_ref):
        acc = jnp.dot(xb, W_ref[0], preferred_element_type=jnp.float32)
        acc = acc + b_ref[0][None, :]
        for t in range(1, T):
            cand = jnp.dot(xb, W_ref[t], preferred_element_type=jnp.float32)
            cand = cand + b_ref[t][None, :]
            acc = jnp.where(nt == t, cand, acc)
        return acc

    kn = per_type(Wk_ref, bk_ref)
    qn = per_type(Wq_ref, bq_ref)
    vn = per_type(Wv_ref, bv_ref)
    q_out[...] = qn
    for r in range(R):
        k_out[r] = jnp.dot(kn, Ak_ref[r], preferred_element_type=jnp.float32)
        v_out[r] = jnp.dot(vn, Av_ref[r], preferred_element_type=jnp.float32)


_proj_call = pl.pallas_call(
    _proj_body,
    grid=(NB,),
    in_specs=[
        pl.BlockSpec((BN, 1), lambda i: (i, 0)),
        pl.BlockSpec((BN, D), lambda i: (i, 0)),
        pl.BlockSpec((T, D, D), lambda i: (0, 0, 0)),
        pl.BlockSpec((T, D), lambda i: (0, 0)),
        pl.BlockSpec((T, D, D), lambda i: (0, 0, 0)),
        pl.BlockSpec((T, D), lambda i: (0, 0)),
        pl.BlockSpec((T, D, D), lambda i: (0, 0, 0)),
        pl.BlockSpec((T, D), lambda i: (0, 0)),
        pl.BlockSpec((R, D, D), lambda i: (0, 0, 0)),
        pl.BlockSpec((R, D, D), lambda i: (0, 0, 0)),
    ],
    out_specs=[
        pl.BlockSpec((BN, D), lambda i: (i, 0)),
        pl.BlockSpec((R, BN, D), lambda i: (0, i, 0)),
        pl.BlockSpec((R, BN, D), lambda i: (0, i, 0)),
    ],
    out_shape=[
        jax.ShapeDtypeStruct((N, D), jnp.float32),
        jax.ShapeDtypeStruct((R, N, D), jnp.float32),
        jax.ShapeDtypeStruct((R, N, D), jnp.float32),
    ],
)




def _edge_body(dst_hbm, kvi_hbm, q_hbm, k_hbm, v_hbm,
               msg_out, den_out, ex_out,
               dsti, kvi, qr, kr, vr, msgr, ex128, exr, acc_sh, sem):
    sid = lax.axis_index("s")
    r0 = sid * RPT
    zero16 = jnp.zeros((16,), jnp.float32)
    lanes = lax.iota(jnp.int32, 16)
    lane_eq = [lanes == h for h in range(H)]
    nch = (NCHUNK - 1 - sid) // NS + 1

    @pl.loop(0, CE)
    def zrow(i):
        for j in range(D // 16):
            msgr[i, pl.ds(j * 16, 16)] = zero16
            ex128[i, pl.ds(j * 16, 16)] = zero16

    @pl.loop(0, NZ)
    def zcopy(j):
        off = r0 + j * ZR
        pltpu.sync_copy(msgr.at[pl.ds(0, ZR)], acc_sh.at[pl.ds(off, ZR)])

    plsc.subcore_barrier()

    @pl.loop(0, nch)
    def chunk_body(i):
        base = (sid + i * NS) * CE
        pltpu.sync_copy(dst_hbm.at[pl.ds(base, CE)], dsti)
        pltpu.sync_copy(kvi_hbm.at[pl.ds(base, CE)], kvi)
        cq = pltpu.async_copy(q_hbm.at[dsti], qr, sem)
        ck = pltpu.async_copy(k_hbm.at[kvi], kr, sem)
        cv = pltpu.async_copy(v_hbm.at[kvi], vr, sem)
        cq.wait()
        ck.wait()
        cv.wait()

        @pl.loop(0, CE)
        def edge_body(e):
            ex_row = zero16
            for h in range(H):
                sl = pl.ds(h * HD, HD)
                pp = qr[e, sl] * kr[e, sl]
                ex_bc = jnp.exp(jnp.broadcast_to(jnp.sum(pp), (16,)))
                msgr[e, sl] = vr[e, sl] * ex_bc
                ex_row = jnp.where(lane_eq[h], ex_bc, ex_row)
            exr[pl.ds(e * 16, 16)] = ex_row

        pltpu.sync_copy(msgr, acc_sh.at[dsti], add=True)
        pltpu.sync_copy(exr, ex_out.at[pl.ds(base * 16, CE * 16)])

    plsc.subcore_barrier()

    @pl.loop(0, NZ)
    def dcopy(j):
        off = r0 + j * ZR
        pltpu.sync_copy(acc_sh.at[pl.ds(off, ZR)], msgr.at[pl.ds(0, ZR)])
        pltpu.sync_copy(msgr.at[pl.ds(0, ZR)], msg_out.at[pl.ds(off, ZR)])

    plsc.subcore_barrier()

    @pl.loop(0, CE)
    def zrow2(i):
        for j in range(D // 16):
            msgr[i, pl.ds(j * 16, 16)] = zero16

    @pl.loop(0, NZ)
    def zcopy2(j):
        off = r0 + j * ZR
        pltpu.sync_copy(msgr.at[pl.ds(0, ZR)], acc_sh.at[pl.ds(off, ZR)])

    plsc.subcore_barrier()

    @pl.loop(0, nch)
    def chunk_body2(i):
        base = (sid + i * NS) * CE
        pltpu.sync_copy(dst_hbm.at[pl.ds(base, CE)], dsti)
        pltpu.sync_copy(ex_out.at[pl.ds(base * 16, CE * 16)], exr)

        @pl.loop(0, CE)
        def fill(e):
            ex128[e, pl.ds(0, 16)] = exr[pl.ds(e * 16, 16)]

        pltpu.sync_copy(ex128, acc_sh.at[dsti], add=True)

    plsc.subcore_barrier()

    @pl.loop(0, NZ)
    def dcopy2(j):
        off = r0 + j * ZR
        pltpu.sync_copy(acc_sh.at[pl.ds(off, ZR)], msgr.at[pl.ds(0, ZR)])
        pltpu.sync_copy(msgr.at[pl.ds(0, ZR)], den_out.at[pl.ds(off, ZR)])


@functools.cache
def _make_edge_call():
    return pl.kernel(
        _edge_body,
        out_type=[
            jax.ShapeDtypeStruct((NP, D), jnp.float32),
            jax.ShapeDtypeStruct((NP, D), jnp.float32),
            jax.ShapeDtypeStruct((E * 16,), jnp.float32),
        ],
        mesh=plsc.VectorSubcoreMesh(core_axis_name="c", subcore_axis_name="s",
                                    num_cores=1, num_subcores=NS),
        compiler_params=pltpu.CompilerParams(needs_layout_passes=False),
        scratch_types=[
            pltpu.VMEM((CE,), jnp.int32),
            pltpu.VMEM((CE,), jnp.int32),
            pltpu.VMEM((CE, D), jnp.float32),
            pltpu.VMEM((CE, D), jnp.float32),
            pltpu.VMEM((CE, D), jnp.float32),
            pltpu.VMEM((CE, D), jnp.float32),
            pltpu.VMEM((CE, D), jnp.float32),
            pltpu.VMEM((CE * 16,), jnp.float32),
            pltpu.VMEM_SHARED((NP, D), jnp.float32),
            pltpu.SemaphoreType.DMA,
        ],
    )




def _update_body(nt_ref, x_ref, agg_ref, den_ref, Wa_ref, ba_ref, g_ref,
                 b_ref, sig_ref, exp_ref, o_ref):
    xb = x_ref[...]
    nt = nt_ref[...]
    agg = agg_ref[...]
    den16 = den_ref[...]
    den_b = jnp.dot(den16, exp_ref[...], preferred_element_type=jnp.float32)
    agg = agg / (den_b + 1e-16)
    hh = 0.5 * agg * (1.0 + lax.erf(agg * 0.7071067811865476))

    a_sel = jnp.dot(hh, Wa_ref[0], preferred_element_type=jnp.float32)
    a_sel = a_sel + ba_ref[0][None, :]
    for t in range(1, T):
        cand = jnp.dot(hh, Wa_ref[t], preferred_element_type=jnp.float32)
        cand = cand + ba_ref[t][None, :]
        a_sel = jnp.where(nt == t, cand, a_sel)

    def sel_rows(tab_ref):
        acc = jnp.broadcast_to(tab_ref[0][None, :], xb.shape)
        for t in range(1, T):
            acc = jnp.where(nt == t,
                            jnp.broadcast_to(tab_ref[t][None, :], xb.shape),
                            acc)
        return acc

    sk = sel_rows(sig_ref)
    gsel = sel_rows(g_ref)
    bsel = sel_rows(b_ref)
    pre = a_sel * sk + xb * (1.0 - sk)
    mu = jnp.mean(pre, axis=1, keepdims=True)
    cen = pre - mu
    var = jnp.mean(cen * cen, axis=1, keepdims=True)
    o_ref[...] = cen * lax.rsqrt(var + 1e-5) * gsel + bsel


_update_call = pl.pallas_call(
    _update_body,
    grid=(NB,),
    in_specs=[
        pl.BlockSpec((BN, 1), lambda i: (i, 0)),
        pl.BlockSpec((BN, D), lambda i: (i, 0)),
        pl.BlockSpec((BN, D), lambda i: (i, 0)),
        pl.BlockSpec((BN, 16), lambda i: (i, 0)),
        pl.BlockSpec((T, D, D), lambda i: (0, 0, 0)),
        pl.BlockSpec((T, D), lambda i: (0, 0)),
        pl.BlockSpec((T, D), lambda i: (0, 0)),
        pl.BlockSpec((T, D), lambda i: (0, 0)),
        pl.BlockSpec((T, D), lambda i: (0, 0)),
        pl.BlockSpec((16, D), lambda i: (0, 0)),
    ],
    out_specs=pl.BlockSpec((BN, D), lambda i: (i, 0)),
    out_shape=jax.ShapeDtypeStruct((N, D), jnp.float32),
)




def kernel(x, node_types, edge_index, edge_types, Wk, bk, Wq, bq, Wv, bv,
           Wa, ba, ln_g, ln_b, rel_pri, rel_att, rel_msg, skip_weights):
    f32 = jnp.float32
    nt3 = node_types.astype(jnp.int32).reshape(N, 1)
    scale = math.sqrt(HD)
    eye_h = jnp.eye(H, dtype=f32)
    Ak = jnp.einsum('rhdf,hk->rhdkf',
                    rel_att * (rel_pri / scale)[:, :, None, None],
                    eye_h).reshape(R, D, D)
    Av = jnp.einsum('rhdf,hk->rhdkf', rel_msg, eye_h).reshape(R, D, D)

    q_node, K_all, V_all = _proj_call(nt3, x, Wk, bk, Wq, bq, Wv, bv, Ak, Av)
    K_flat = K_all.reshape(R * N, D)
    V_flat = V_all.reshape(R * N, D)

    src = edge_index[0].astype(jnp.int32)
    dst = edge_index[1].astype(jnp.int32)
    kvidx = edge_types.astype(jnp.int32) * N + src

    agg_f, den_f, _ = _make_edge_call()(dst, kvidx, q_node, K_flat, V_flat)
    agg_p = agg_f[:N]
    den_p = den_f[:N, :16]

    e8 = jnp.repeat(jnp.eye(H, dtype=f32), HD, axis=1)
    expand = jnp.concatenate([e8, jnp.zeros((16 - H, D), f32)], axis=0)
    sigb = jnp.broadcast_to(jax.nn.sigmoid(skip_weights)[:, None], (T, D))

    return _update_call(nt3, x, agg_p, den_p, Wa, ba, ln_g, ln_b, sigb,
                        expand)

# --- scband reference (transcript-rebuilt; emitter-appended) ---
"""Pipeline reference for scband-general-graph-conv-64132451664292 (READ-ONLY COPY).

The authoritative reference and input builder live on the scoring server;
editing this copy changes nothing except your own understanding.
"""

import math
import jax
import jax.numpy as jnp
import numpy as np

N = 10000
E = 160000
IN_DIM = 128
OUT_DIM = 128
T = 4
R = 8
H = 8
HD = OUT_DIM // H


def _per_type_linear(x, W, b, node_types):
    # apply all T linears, then select each node's own type
    all_t = jnp.einsum('ni,tio->tno', x, W) + b[:, None, :]
    return all_t[node_types, jnp.arange(x.shape[0])]


def _forward(x, node_types, edge_index, edge_types, Wk, bk, Wq, bq, Wv, bv, Wa, ba, ln_g, ln_b, rel_pri, rel_att, rel_msg, skip_weights):
    src = edge_index[0]
    dst = edge_index[1]
    k_node = _per_type_linear(x, Wk, bk, node_types)
    q_node = _per_type_linear(x, Wq, bq, node_types)
    v_node = _per_type_linear(x, Wv, bv, node_types)
    k_e = k_node[src].reshape(E, H, HD)
    q_e = q_node[dst].reshape(E, H, HD)
    v_e = v_node[src].reshape(E, H, HD)
    k_t = jnp.zeros((E, H, HD), x.dtype)
    v_t = jnp.zeros((E, H, HD), x.dtype)
    for r in range(R):
        m = (edge_types == r).astype(x.dtype)[:, None, None]
        k_t = k_t + m * jnp.einsum('ehd,hdf->ehf', k_e, rel_att[r])
        v_t = v_t + m * jnp.einsum('ehd,hdf->ehf', v_e, rel_msg[r])
    scale = math.sqrt(HD)
    att = (q_e * k_t).sum(axis=-1) * rel_pri[edge_types] / scale
    # segment softmax over destination nodes (torch_geometric softmax)
    seg_max = jax.ops.segment_max(att, dst, num_segments=N)
    seg_max = jnp.where(jnp.isfinite(seg_max), seg_max, 0.0)
    ex = jnp.exp(att - seg_max[dst])
    denom = jax.ops.segment_sum(ex, dst, num_segments=N)
    alpha = ex / (denom[dst] + 1e-16)
    msg = (v_t * alpha[:, :, None]).reshape(E, OUT_DIM)
    agg = jax.ops.segment_sum(msg, dst, num_segments=N)
    # update step
    h = jax.nn.gelu(agg, approximate=False)
    a_sel = _per_type_linear(h, Wa, ba, node_types)  # dropout = identity (eval mode)
    skip = jax.nn.sigmoid(skip_weights)[node_types][:, None]
    pre = a_sel * skip + x * (1.0 - skip)
    g = ln_g[node_types]
    bta = ln_b[node_types]
    mu = jnp.mean(pre, axis=-1, keepdims=True)
    var = jnp.mean((pre - mu) ** 2, axis=-1, keepdims=True)
    out = (pre - mu) / jnp.sqrt(var + 1e-5) * g + bta
    return out


def setup_inputs(seed: int = 0):
    key = jax.random.key(seed)
    ks = jax.random.split(key, 16)
    x = jax.random.normal(ks[0], (N, IN_DIM), jnp.float32)
    node_types = jax.random.randint(ks[1], (N,), 0, T)
    edge_index = jax.random.randint(ks[2], (2, E), 0, N)
    edge_types = jax.random.randint(ks[3], (E,), 0, R)
    lb = 1.0 / math.sqrt(IN_DIM)
    Wk = jax.random.uniform(ks[4], (T, IN_DIM, OUT_DIM), jnp.float32, -lb, lb)
    bk = jax.random.uniform(ks[5], (T, OUT_DIM), jnp.float32, -lb, lb)
    Wq = jax.random.uniform(ks[6], (T, IN_DIM, OUT_DIM), jnp.float32, -lb, lb)
    bq = jax.random.uniform(ks[7], (T, OUT_DIM), jnp.float32, -lb, lb)
    Wv = jax.random.uniform(ks[8], (T, IN_DIM, OUT_DIM), jnp.float32, -lb, lb)
    bv = jax.random.uniform(ks[9], (T, OUT_DIM), jnp.float32, -lb, lb)
    lb2 = 1.0 / math.sqrt(OUT_DIM)
    Wa = jax.random.uniform(ks[10], (T, OUT_DIM, OUT_DIM), jnp.float32, -lb2, lb2)
    ba = jax.random.uniform(ks[11], (T, OUT_DIM), jnp.float32, -lb2, lb2)
    gl = math.sqrt(6.0 / (HD + HD))
    rel_att = jax.random.uniform(ks[12], (R, H, HD, HD), jnp.float32, -gl, gl)
    rel_msg = jax.random.uniform(ks[13], (R, H, HD, HD), jnp.float32, -gl, gl)
    rel_pri = jnp.ones((R, H), jnp.float32)
    skip_weights = jnp.ones((T,), jnp.float32)
    ln_g = jnp.ones((T, OUT_DIM), jnp.float32)
    ln_b = jnp.zeros((T, OUT_DIM), jnp.float32)
    return {'x': x, 'node_types': node_types, 'edge_index': edge_index, 'edge_types': edge_types, 'Wk': Wk, 'bk': bk, 'Wq': Wq, 'bq': bq, 'Wv': Wv, 'bv': bv, 'Wa': Wa, 'ba': ba, 'ln_g': ln_g, 'ln_b': ln_b, 'rel_pri': rel_pri, 'rel_att': rel_att, 'rel_msg': rel_msg, 'skip_weights': skip_weights}


def reference(x, node_types, edge_index, edge_types, Wk, bk, Wq, bq, Wv, bv, Wa, ba, ln_g, ln_b, rel_pri, rel_att, rel_msg, skip_weights):
    return _forward(x, node_types, edge_index, edge_types, Wk, bk, Wq, bq, Wv, bv, Wa, ba, ln_g, ln_b, rel_pri, rel_att, rel_msg, skip_weights)

if __name__ == "__main__":
    import jax
    _d = setup_inputs()
    print(jax.jit(kernel)(*tuple(_d.values())))

</pallas_src>

<mosaic_0001>
#map = affine_map<(d0, d1) -> (0)>
#map1 = affine_map<(d0, d1) -> (0, 0)>
module attributes {stable_mosaic.version = 14 : i64} {
  func.func @_edge_body(%arg0: i32, %arg1: i32, %arg2: memref<160000xi32, #tpu.memory_space<hbm>>, %arg3: memref<160000xi32, #tpu.memory_space<hbm>>, %arg4: memref<10000x128xf32, #tpu.memory_space<hbm>>, %arg5: memref<80000x128xf32, #tpu.memory_space<hbm>>, %arg6: memref<80000x128xf32, #tpu.memory_space<hbm>>, %arg7: memref<10240x128xf32, #tpu.memory_space<hbm>>, %arg8: memref<10240x128xf32, #tpu.memory_space<hbm>>, %arg9: memref<2560000xf32, #tpu.memory_space<hbm>>, %arg10: memref<40xi32, #tpu.memory_space<vmem>>, %arg11: memref<40xi32, #tpu.memory_space<vmem>>, %arg12: memref<40x128xf32, #tpu.memory_space<vmem>>, %arg13: memref<40x128xf32, #tpu.memory_space<vmem>>, %arg14: memref<40x128xf32, #tpu.memory_space<vmem>>, %arg15: memref<40x128xf32, #tpu.memory_space<vmem>>, %arg16: memref<40x128xf32, #tpu.memory_space<vmem>>, %arg17: memref<640xf32, #tpu.memory_space<vmem>>, %arg18: memref<10240x128xf32, #tpu.memory_space<vmem_shared>>, %arg19: memref<!tpu.dma_semaphore, #tpu.memory_space<semaphore_mem>>) attributes {dimension_semantics = [#tpu.dimension_semantics<core_parallel>, #tpu.dimension_semantics<subcore_parallel>], iteration_bounds = array<i64: 1, 16>, scalar_prefetch = 0 : i64, scratch_operands = 10 : i64, tpu.core_type = #tpu.core_type<sc_vector_subcore>, window_params = [{transform_indices = #map}, {transform_indices = #map}, {transform_indices = #map1}, {transform_indices = #map1}, {transform_indices = #map1}, {transform_indices = #map1}, {transform_indices = #map1}, {transform_indices = #map}]} {
    %mul3A = arith.constant 640 : i32
    %mul3A_0 = arith.muli %arg1, %mul3A : i32
    %broadcast_in_dim3A = arith.constant 0.000000e+00 : f32
    %broadcast_in_dim3A_1 = vector.broadcast %broadcast_in_dim3A : f32 to vector<16xf32>
    %iota3A = tpu.iota {dimensions = array<i32: 0>} : vector<16xi32>
    %eq3A = arith.constant 0 : i32
    %eq3A_2 = vector.broadcast %eq3A : i32 to vector<16xi32>
    %eq3A_3 = arith.cmpi eq, %iota3A, %eq3A_2 : vector<16xi32>
    %eq3A_4 = arith.constant 1 : i32
    %eq3A_5 = vector.broadcast %eq3A_4 : i32 to vector<16xi32>
    %eq3A_6 = arith.cmpi eq, %iota3A, %eq3A_5 : vector<16xi32>
    %eq3A_7 = arith.constant 2 : i32
    %eq3A_8 = vector.broadcast %eq3A_7 : i32 to vector<16xi32>
    %eq3A_9 = arith.cmpi eq, %iota3A, %eq3A_8 : vector<16xi32>
    %eq3A_10 = arith.constant 3 : i32
    %eq3A_11 = vector.broadcast %eq3A_10 : i32 to vector<16xi32>
    %eq3A_12 = arith.cmpi eq, %iota3A, %eq3A_11 : vector<16xi32>
    %eq3A_13 = arith.constant 4 : i32
    %eq3A_14 = vector.broadcast %eq3A_13 : i32 to vector<16xi32>
    %eq3A_15 = arith.cmpi eq, %iota3A, %eq3A_14 : vector<16xi32>
    %eq3A_16 = arith.constant 5 : i32
    %eq3A_17 = vector.broadcast %eq3A_16 : i32 to vector<16xi32>
    %eq3A_18 = arith.cmpi eq, %iota3A, %eq3A_17 : vector<16xi32>
    %eq3A_19 = arith.constant 6 : i32
    %eq3A_20 = vector.broadcast %eq3A_19 : i32 to vector<16xi32>
    %eq3A_21 = arith.cmpi eq, %iota3A, %eq3A_20 : vector<16xi32>
    %eq3A_22 = arith.constant 7 : i32
    %eq3A_23 = vector.broadcast %eq3A_22 : i32 to vector<16xi32>
    %eq3A_24 = arith.cmpi eq, %iota3A, %eq3A_23 : vector<16xi32>
    %sub3A = arith.constant 3999 : i32
    %sub3A_25 = arith.subi %sub3A, %arg1 : i32
    %jit3A = arith.constant 16 : i32
    %div3A = arith.divsi %sub3A_25, %jit3A : i32
    %sign3A = arith.constant 0 : i32
    %sign3A_26 = arith.cmpi sgt, %sub3A_25, %sign3A : i32
    %sign3A_27 = arith.extui %sign3A_26 : i1 to i32
    %sign3A_28 = arith.constant 0 : i32
    %sign3A_29 = arith.cmpi slt, %sub3A_25, %sign3A_28 : i32
    %sign3A_30 = arith.extui %sign3A_29 : i1 to i32
    %sign3A_31 = arith.subi %sign3A_27, %sign3A_30 : i32
    %sign3A_32 = arith.constant 0 : i32
    %sign3A_33 = arith.cmpi sgt, %jit3A, %sign3A_32 : i32
    %sign3A_34 = arith.extui %sign3A_33 : i1 to i32
    %sign3A_35 = arith.constant 0 : i32
    %sign3A_36 = arith.cmpi slt, %jit3A, %sign3A_35 : i32
    %sign3A_37 = arith.extui %sign3A_36 : i1 to i32
    %sign3A_38 = arith.subi %sign3A_34, %sign3A_37 : i32
    %ne3A = arith.cmpi ne, %sign3A_31, %sign3A_38 : i32
    %rem3A = arith.remsi %sub3A_25, %jit3A : i32
    %ne3A_39 = arith.constant 0 : i32
    %ne3A_40 = arith.cmpi ne, %rem3A, %ne3A_39 : i32
    %and3A = arith.andi %ne3A, %ne3A_40 : i1
    %sub3A_41 = arith.constant 1 : i32
    %sub3A_42 = arith.subi %div3A, %sub3A_41 : i32
    %select_n3A = arith.select %and3A, %sub3A_42, %div3A : i32
    %add3A = arith.constant 1 : i32
    %add3A_43 = arith.addi %select_n3A, %add3A : i32
    %scan3A = arith.constant 0 : i32
    %scan3A_44 = arith.constant 40 : i32
    %scan3A_45 = arith.addi %scan3A, %scan3A_44 : i32
    %scan3A_46 = arith.constant 1 : i32
    scf.for %scan3A_114 = %scan3A to %scan3A_45 step %scan3A_46  : i32 {
      %mul3A_115 = arith.constant 1 : i32
      %mul3A_116 = arith.muli %scan3A_114, %mul3A_115 : i32
      %add3A_117 = arith.constant 0 : i32
      %add3A_118 = arith.addi %add3A_117, %mul3A_116 : i32
      %swap3A = arith.index_cast %add3A_118 : i32 to index
      %swap3A_119 = arith.constant 0 : index
      %swap3A_120 = tpu.vector_load %arg15[%swap3A, %swap3A_119] {strides = array<i32>} : memref<40x128xf32, #tpu.memory_space<vmem>>, vector<16xf32>,
      tpu.vector_store %arg15[%swap3A, %swap3A_119], %broadcast_in_dim3A_1 {strides = array<i32>} : memref<40x128xf32, #tpu.memory_space<vmem>>, vector<16xf32>,
      %swap3A_121 = arith.index_cast %add3A_118 : i32 to index
      %swap3A_122 = arith.constant 0 : index
      %swap3A_123 = tpu.vector_load %arg16[%swap3A_121, %swap3A_122] {strides = array<i32>} : memref<40x128xf32, #tpu.memory_space<vmem>>, vector<16xf32>,
      tpu.vector_store %arg16[%swap3A_121, %swap3A_122], %broadcast_in_dim3A_1 {strides = array<i32>} : memref<40x128xf32, #tpu.memory_space<vmem>>, vector<16xf32>,
      %swap3A_124 = arith.index_cast %add3A_118 : i32 to index
      %swap3A_125 = arith.constant 16 : index
      %swap3A_126 = tpu.vector_load %arg15[%swap3A_124, %swap3A_125] {strides = array<i32>} : memref<40x128xf32, #tpu.memory_space<vmem>>, vector<16xf32>,
      tpu.vector_store %arg15[%swap3A_124, %swap3A_125], %broadcast_in_dim3A_1 {strides = array<i32>} : memref<40x128xf32, #tpu.memory_space<vmem>>, vector<16xf32>,
      %swap3A_127 = arith.index_cast %add3A_118 : i32 to index
      %swap3A_128 = arith.constant 16 : index
      %swap3A_129 = tpu.vector_load %arg16[%swap3A_127, %swap3A_128] {strides = array<i32>} : memref<40x128xf32, #tpu.memory_space<vmem>>, vector<16xf32>,
      tpu.vector_store %arg16[%swap3A_127, %swap3A_128], %broadcast_in_dim3A_1 {strides = array<i32>} : memref<40x128xf32, #tpu.memory_space<vmem>>, vector<16xf32>,
      %swap3A_130 = arith.index_cast %add3A_118 : i32 to index
      %swap3A_131 = arith.constant 32 : index
      %swap3A_132 = tpu.vector_load %arg15[%swap3A_130, %swap3A_131] {strides = array<i32>} : memref<40x128xf32, #tpu.memory_space<vmem>>, vector<16xf32>,
      tpu.vector_store %arg15[%swap3A_130, %swap3A_131], %broadcast_in_dim3A_1 {strides = array<i32>} : memref<40x128xf32, #tpu.memory_space<vmem>>, vector<16xf32>,
      %swap3A_133 = arith.index_cast %add3A_118 : i32 to index
      %swap3A_134 = arith.constant 32 : index
      %swap3A_135 = tpu.vector_load %arg16[%swap3A_133, %swap3A_134] {strides = array<i32>} : memref<40x128xf32, #tpu.memory_space<vmem>>, vector<16xf32>,
      tpu.vector_store %arg16[%swap3A_133, %swap3A_134], %broadcast_in_dim3A_1 {strides = array<i32>} : memref<40x128xf32, #tpu.memory_space<vmem>>, vector<16xf32>,
      %swap3A_136 = arith.index_cast %add3A_118 : i32 to index
      %swap3A_137 = arith.constant 48 : index
      %swap3A_138 = tpu.vector_load %arg15[%swap3A_136, %swap3A_137] {strides = array<i32>} : memref<40x128xf32, #tpu.memory_space<vmem>>, vector<16xf32>,
      tpu.vector_store %arg15[%swap3A_136, %swap3A_137], %broadcast_in_dim3A_1 {strides = array<i32>} : memref<40x128xf32, #tpu.memory_space<vmem>>, vector<16xf32>,
      %swap3A_139 = arith.index_cast %add3A_118 : i32 to index
      %swap3A_140 = arith.constant 48 : index
      %swap3A_141 = tpu.vector_load %arg16[%swap3A_139, %swap3A_140] {strides = array<i32>} : memref<40x128xf32, #tpu.memory_space<vmem>>, vector<16xf32>,
      tpu.vector_store %arg16[%swap3A_139, %swap3A_140], %broadcast_in_dim3A_1 {strides = array<i32>} : memref<40x128xf32, #tpu.memory_space<vmem>>, vector<16xf32>,
      %swap3A_142 = arith.index_cast %add3A_118 : i32 to index
      %swap3A_143 = arith.constant 64 : index
      %swap3A_144 = tpu.vector_load %arg15[%swap3A_142, %swap3A_143] {strides = array<i32>} : memref<40x128xf32, #tpu.memory_space<vmem>>, vector<16xf32>,
      tpu.vector_store %arg15[%swap3A_142, %swap3A_143], %broadcast_in_dim3A_1 {strides = array<i32>} : memref<40x128xf32, #tpu.memory_space<vmem>>, vector<16xf32>,
      %swap3A_145 = arith.index_cast %add3A_118 : i32 to index
      %swap3A_146 = arith.constant 64 : index
      %swap3A_147 = tpu.vector_load %arg16[%swap3A_145, %swap3A_146] {strides = array<i32>} : memref<40x128xf32, #tpu.memory_space<vmem>>, vector<16xf32>,
      tpu.vector_store %arg16[%swap3A_145, %swap3A_146], %broadcast_in_dim3A_1 {strides = array<i32>} : memref<40x128xf32, #tpu.memory_space<vmem>>, vector<16xf32>,
      %swap3A_148 = arith.index_cast %add3A_118 : i32 to index
      %swap3A_149 = arith.constant 80 : index
      %swap3A_150 = tpu.vector_load %arg15[%swap3A_148, %swap3A_149] {strides = array<i32>} : memref<40x128xf32, #tpu.memory_space<vmem>>, vector<16xf32>,
      tpu.vector_store %arg15[%swap3A_148, %swap3A_149], %broadcast_in_dim3A_1 {strides = array<i32>} : memref<40x128xf32, #tpu.memory_space<vmem>>, vector<16xf32>,
      %swap3A_151 = arith.index_cast %add3A_118 : i32 to index
      %swap3A_152 = arith.constant 80 : index
      %swap3A_153 = tpu.vector_load %arg16[%swap3A_151, %swap3A_152] {strides = array<i32>} : memref<40x128xf32, #tpu.memory_space<vmem>>, vector<16xf32>,
      tpu.vector_store %arg16[%swap3A_151, %swap3A_152], %broadcast_in_dim3A_1 {strides = array<i32>} : memref<40x128xf32, #tpu.memory_space<vmem>>, vector<16xf32>,
      %swap3A_154 = arith.index_cast %add3A_118 : i32 to index
      %swap3A_155 = arith.constant 96 : index
      %swap3A_156 = tpu.vector_load %arg15[%swap3A_154, %swap3A_155] {strides = array<i32>} : memref<40x128xf32, #tpu.memory_space<vmem>>, vector<16xf32>,
      tpu.vector_store %arg15[%swap3A_154, %swap3A_155], %broadcast_in_dim3A_1 {strides = array<i32>} : memref<40x128xf32, #tpu.memory_space<vmem>>, vector<16xf32>,
      %swap3A_157 = arith.index_cast %add3A_118 : i32 to index
      %swap3A_158 = arith.constant 96 : index
      %swap3A_159 = tpu.vector_load %arg16[%swap3A_157, %swap3A_158] {strides = array<i32>} : memref<40x128xf32, #tpu.memory_space<vmem>>, vector<16xf32>,
      tpu.vector_store %arg16[%swap3A_157, %swap3A_158], %broadcast_in_dim3A_1 {strides = array<i32>} : memref<40x128xf32, #tpu.memory_space<vmem>>, vector<16xf32>,
      %swap3A_160 = arith.index_cast %add3A_118 : i32 to index
      %swap3A_161 = arith.constant 112 : index
      %swap3A_162 = tpu.vector_load %arg15[%swap3A_160, %swap3A_161] {strides = array<i32>} : memref<40x128xf32, #tpu.memory_space<vmem>>, vector<16xf32>,
      tpu.vector_store %arg15[%swap3A_160, %swap3A_161], %broadcast_in_dim3A_1 {strides = array<i32>} : memref<40x128xf32, #tpu.memory_space<vmem>>, vector<16xf32>,
      %swap3A_163 = arith.index_cast %add3A_118 : i32 to index
      %swap3A_164 = arith.constant 112 : index
      %swap3A_165 = tpu.vector_load %arg16[%swap3A_163, %swap3A_164] {strides = array<i32>} : memref<40x128xf32, #tpu.memory_space<vmem>>, vector<16xf32>,
      tpu.vector_store %arg16[%swap3A_163, %swap3A_164], %broadcast_in_dim3A_1 {strides = array<i32>} : memref<40x128xf32, #tpu.memory_space<vmem>>, vector<16xf32>,
    }
    %scan3A_47 = arith.constant 40 : i32
    %scan3A_48 = arith.constant 0 : i32
    %scan3A_49 = arith.constant 16 : i32
    %scan3A_50 = arith.addi %scan3A_48, %scan3A_49 : i32
    %scan3A_51 = arith.constant 1 : i32
    scf.for %scan3A_114 = %scan3A_48 to %scan3A_50 step %scan3A_51  : i32 {
      %mul3A_115 = arith.constant 1 : i32
      %mul3A_116 = arith.muli %scan3A_114, %mul3A_115 : i32
      %add3A_117 = arith.constant 0 : i32
      %add3A_118 = arith.addi %add3A_117, %mul3A_116 : i32
      %mul3A_119 = arith.constant 40 : i32
      %mul3A_120 = arith.muli %add3A_118, %mul3A_119 : i32
      %add3A_121 = arith.addi %mul3A_0, %mul3A_120 : i32
      "tpu.region"() ({
        %run_scoped3A = tpu.sem_alloc : memref<!tpu.dma_semaphore, #tpu.memory_space<semaphore_mem>>
        %dma_start3A = arith.constant 0 : i32
        %dma_start3A_122 = arith.constant 0 : i32
        %dma_start3A_123 = tpu.memref_slice %arg15[%dma_start3A, %dma_start3A_122] : memref<40x128xf32, #tpu.memory_space<vmem>> -> memref<40x128xf32, #tpu.memory_space<vmem>>
        %dma_start3A_124 = arith.constant 0 : i32
        %dma_start3A_125 = tpu.memref_slice %arg18[%add3A_121, %dma_start3A_124] : memref<10240x128xf32, #tpu.memory_space<vmem_shared>> -> memref<40x128xf32, #tpu.memory_space<vmem_shared>>
        %dma_start3A_126 = arith.constant 0 : i32
        %dma_start3A_127 = tpu.memref_slice %arg18[%add3A_121, %dma_start3A_126] : memref<10240x128xf32, #tpu.memory_space<vmem_shared>> -> memref<40x128xf32, #tpu.memory_space<vmem_shared>>
        %dma_start3A_128 = arith.constant 0 : i32
        %dma_start3A_129 = arith.constant 0 : i32
        %dma_start3A_130 = tpu.memref_slice %arg15[%dma_start3A_128, %dma_start3A_129] : memref<40x128xf32, #tpu.memory_space<vmem>> -> memref<40x128xf32, #tpu.memory_space<vmem>>
        tpu.enqueue_dma source(%dma_start3A_130 : memref<40x128xf32, #tpu.memory_space<vmem>>) target(%dma_start3A_127 : memref<40x128xf32, #tpu.memory_space<vmem_shared>>) target_semaphore(%run_scoped3A : memref<!tpu.dma_semaphore, #tpu.memory_space<semaphore_mem>>)
        %dma_wait3A = arith.constant 0 : i32
        %dma_wait3A_131 = arith.constant 0 : i32
        %dma_wait3A_132 = tpu.memref_slice %arg15[%dma_wait3A, %dma_wait3A_131] : memref<40x128xf32, #tpu.memory_space<vmem>> -> memref<40x128xf32, #tpu.memory_space<vmem>>
        %dma_wait3A_133 = arith.constant 0 : i32
        %dma_wait3A_134 = tpu.memref_slice %arg18[%add3A_121, %dma_wait3A_133] : memref<10240x128xf32, #tpu.memory_space<vmem_shared>> -> memref<40x128xf32, #tpu.memory_space<vmem_shared>>
        %dma_wait3A_135 = arith.constant 0 : i32
        %dma_wait3A_136 = tpu.memref_slice %arg18[%add3A_121, %dma_wait3A_135] : memref<10240x128xf32, #tpu.memory_space<vmem_shared>> -> memref<40x128xf32, #tpu.memory_space<vmem_shared>>
        %dma_wait3A_137 = arith.constant 0 : i32
        %dma_wait3A_138 = arith.constant 0 : i32
        %dma_wait3A_139 = tpu.memref_slice %arg15[%dma_wait3A_137, %dma_wait3A_138] : memref<40x128xf32, #tpu.memory_space<vmem>> -> memref<40x128xf32, #tpu.memory_space<vmem>>
        tpu.wait_dma2 semaphore(%run_scoped3A : memref<!tpu.dma_semaphore, #tpu.memory_space<semaphore_mem>>) src(%dma_wait3A_139 : memref<40x128xf32, #tpu.memory_space<vmem>>) dst(%dma_wait3A_136 : memref<40x128xf32, #tpu.memory_space<vmem_shared>>)
        tpu.yield
      }) : () -> ()
    }
    %scan3A_52 = arith.constant 16 : i32
    %barrier3A = arith.constant 0 : index
    tpu.barrier barrier_id(%barrier3A)
    %sub3A_53 = arith.constant 0 : i32
    %sub3A_54 = arith.subi %add3A_43, %sub3A_53 : i32
    %sub3A_55 = arith.constant 1 : i32
    %sub3A_56 = arith.constant 1 : i32
    %sub3A_57 = arith.subi %sub3A_55, %sub3A_56 : i32
    %add3A_58 = arith.addi %sub3A_54, %sub3A_57 : i32
    %div3A_59 = arith.constant 1 : i32
    %div3A_60 = arith.divsi %add3A_58, %div3A_59 : i32
    %while3A = arith.constant 1 : i32
    %while3A_61 = arith.constant 0 : i32
    %while3A_62 = arith.constant 0 : i32
    %while3A_63 = arith.subi %div3A_60, %while3A_62 : i32
    %while3A_64 = arith.addi %while3A_62, %while3A_63 : i32
    %while3A_65 = arith.constant 1 : i32
    %while3A_66 = arith.divsi %while3A_63, %while3A_65 : i32
    %while3A_67 = arith.muli %while3A_66, %while3A_65 : i32
    %while3A_68 = arith.addi %while3A_62, %while3A_67 : i32
    %while3A_69 = arith.constant 1 : i32
    scf.for %while3A_114 = %while3A_62 to %while3A_68 step %while3A_69  : i32 {
      %mul3A_115 = arith.muli %while3A_114, %while3A : i32
      %add3A_116 = arith.addi %while3A_61, %mul3A_115 : i32
      %mul3A_117 = arith.constant 16 : i32
      %mul3A_118 = arith.muli %add3A_116, %mul3A_117 : i32
      %add3A_119 = arith.addi %arg1, %mul3A_118 : i32
      %mul3A_120 = arith.constant 40 : i32
      %mul3A_121 = arith.muli %add3A_119, %mul3A_120 : i32
      "tpu.region"() ({
        %run_scoped3A = tpu.sem_alloc : memref<!tpu.dma_semaphore, #tpu.memory_space<semaphore_mem>>
        %dma_start3A_145 = tpu.memref_slice %arg2[%mul3A_121] : memref<160000xi32, #tpu.memory_space<hbm>> -> memref<40xi32, #tpu.memory_space<hbm>>
        %dma_start3A_146 = tpu.memref_slice %arg2[%mul3A_121] : memref<160000xi32, #tpu.memory_space<hbm>> -> memref<40xi32, #tpu.memory_space<hbm>>
        tpu.enqueue_dma source(%dma_start3A_146 : memref<40xi32, #tpu.memory_space<hbm>>) target(%arg10 : memref<40xi32, #tpu.memory_space<vmem>>) target_semaphore(%run_scoped3A : memref<!tpu.dma_semaphore, #tpu.memory_space<semaphore_mem>>)
        %dma_wait3A_147 = tpu.memref_slice %arg2[%mul3A_121] : memref<160000xi32, #tpu.memory_space<hbm>> -> memref<40xi32, #tpu.memory_space<hbm>>
        %dma_wait3A_148 = tpu.memref_slice %arg2[%mul3A_121] : memref<160000xi32, #tpu.memory_space<hbm>> -> memref<40xi32, #tpu.memory_space<hbm>>
        tpu.wait_dma2 semaphore(%run_scoped3A : memref<!tpu.dma_semaphore, #tpu.memory_space<semaphore_mem>>) src(%dma_wait3A_148 : memref<40xi32, #tpu.memory_space<hbm>>) dst(%arg10 : memref<40xi32, #tpu.memory_space<vmem>>)
        tpu.yield
      }) : () -> ()
      "tpu.region"() ({
        %run_scoped3A = tpu.sem_alloc : memref<!tpu.dma_semaphore, #tpu.memory_space<semaphore_mem>>
        %dma_start3A_145 = tpu.memref_slice %arg3[%mul3A_121] : memref<160000xi32, #tpu.memory_space<hbm>> -> memref<40xi32, #tpu.memory_space<hbm>>
        %dma_start3A_146 = tpu.memref_slice %arg3[%mul3A_121] : memref<160000xi32, #tpu.memory_space<hbm>> -> memref<40xi32, #tpu.memory_space<hbm>>
        tpu.enqueue_dma source(%dma_start3A_146 : memref<40xi32, #tpu.memory_space<hbm>>) target(%arg11 : memref<40xi32, #tpu.memory_space<vmem>>) target_semaphore(%run_scoped3A : memref<!tpu.dma_semaphore, #tpu.memory_space<semaphore_mem>>)
        %dma_wait3A_147 = tpu.memref_slice %arg3[%mul3A_121] : memref<160000xi32, #tpu.memory_space<hbm>> -> memref<40xi32, #tpu.memory_space<hbm>>
        %dma_wait3A_148 = tpu.memref_slice %arg3[%mul3A_121] : memref<160000xi32, #tpu.memory_space<hbm>> -> memref<40xi32, #tpu.memory_space<hbm>>
        tpu.wait_dma2 semaphore(%run_scoped3A : memref<!tpu.dma_semaphore, #tpu.memory_space<semaphore_mem>>) src(%dma_wait3A_148 : memref<40xi32, #tpu.memory_space<hbm>>) dst(%arg11 : memref<40xi32, #tpu.memory_space<vmem>>)
        tpu.yield
      }) : () -> ()
      %dma_start3A = arith.constant 0 : i32
      %dma_start3A_122 = arith.constant 0 : i32
      %dma_start3A_123 = tpu.memref_slice %arg4[%dma_start3A, %dma_start3A_122] : memref<10000x128xf32, #tpu.memory_space<hbm>> -> memref<10000x128xf32, #tpu.memory_space<hbm>>
      tpu.enqueue_indirect_dma source(%dma_start3A_123 : memref<10000x128xf32, #tpu.memory_space<hbm>>) target(%arg12 : memref<40x128xf32, #tpu.memory_space<vmem>>) offsets(%arg10 : memref<40xi32, #tpu.memory_space<vmem>>) semaphore(%arg19 : memref<!tpu.dma_semaphore, #tpu.memory_space<semaphore_mem>>)
      %dma_start3A_124 = arith.constant 0 : i32
      %dma_start3A_125 = arith.constant 0 : i32
      %dma_start3A_126 = tpu.memref_slice %arg5[%dma_start3A_124, %dma_start3A_125] : memref<80000x128xf32, #tpu.memory_space<hbm>> -> memref<80000x128xf32, #tpu.memory_space<hbm>>
      tpu.enqueue_indirect_dma source(%dma_start3A_126 : memref<80000x128xf32, #tpu.memory_space<hbm>>) target(%arg13 : memref<40x128xf32, #tpu.memory_space<vmem>>) offsets(%arg11 : memref<40xi32, #tpu.memory_space<vmem>>) semaphore(%arg19 : memref<!tpu.dma_semaphore, #tpu.memory_space<semaphore_mem>>)
      %dma_start3A_127 = arith.constant 0 : i32
      %dma_start3A_128 = arith.constant 0 : i32
      %dma_start3A_129 = tpu.memref_slice %arg6[%dma_start3A_127, %dma_start3A_128] : memref<80000x128xf32, #tpu.memory_space<hbm>> -> memref<80000x128xf32, #tpu.memory_space<hbm>>
      tpu.enqueue_indirect_dma source(%dma_start3A_129 : memref<80000x128xf32, #tpu.memory_space<hbm>>) target(%arg14 : memref<40x128xf32, #tpu.memory_space<vmem>>) offsets(%arg11 : memref<40xi32, #tpu.memory_space<vmem>>) semaphore(%arg19 : memref<!tpu.dma_semaphore, #tpu.memory_space<semaphore_mem>>)
      %dma_wait3A = arith.constant 0 : i32
      %dma_wait3A_130 = arith.constant 0 : i32
      %dma_wait3A_131 = tpu.memref_slice %arg4[%dma_wait3A, %dma_wait3A_130] : memref<10000x128xf32, #tpu.memory_space<hbm>> -> memref<10000x128xf32, #tpu.memory_space<hbm>>
      tpu.wait_indirect_dma semaphore(%arg19 : memref<!tpu.dma_semaphore, #tpu.memory_space<semaphore_mem>>) src(%dma_wait3A_131 : memref<10000x128xf32, #tpu.memory_space<hbm>>) dst(%arg12 : memref<40x128xf32, #tpu.memory_space<vmem>>)
      %dma_wait3A_132 = arith.constant 0 : i32
      %dma_wait3A_133 = arith.constant 0 : i32
      %dma_wait3A_134 = tpu.memref_slice %arg5[%dma_wait3A_132, %dma_wait3A_133] : memref<80000x128xf32, #tpu.memory_space<hbm>> -> memref<80000x128xf32, #tpu.memory_space<hbm>>
      tpu.wait_indirect_dma semaphore(%arg19 : memref<!tpu.dma_semaphore, #tpu.memory_space<semaphore_mem>>) src(%dma_wait3A_134 : memref<80000x128xf32, #tpu.memory_space<hbm>>) dst(%arg13 : memref<40x128xf32, #tpu.memory_space<vmem>>)
      %dma_wait3A_135 = arith.constant 0 : i32
      %dma_wait3A_136 = arith.constant 0 : i32
      %dma_wait3A_137 = tpu.memref_slice %arg6[%dma_wait3A_135, %dma_wait3A_136] : memref<80000x128xf32, #tpu.memory_space<hbm>> -> memref<80000x128xf32, #tpu.memory_space<hbm>>
      tpu.wait_indirect_dma semaphore(%arg19 : memref<!tpu.dma_semaphore, #tpu.memory_space<semaphore_mem>>) src(%dma_wait3A_137 : memref<80000x128xf32, #tpu.memory_space<hbm>>) dst(%arg14 : memref<40x128xf32, #tpu.memory_space<vmem>>)
      %scan3A_138 = arith.constant 0 : i32
      %scan3A_139 = arith.constant 40 : i32
      %scan3A_140 = arith.addi %scan3A_138, %scan3A_139 : i32
      %scan3A_141 = arith.constant 1 : i32
      scf.for %scan3A_145 = %scan3A_138 to %scan3A_140 step %scan3A_141  : i32 {
        %mul3A_146 = arith.constant 1 : i32
        %mul3A_147 = arith.muli %scan3A_145, %mul3A_146 : i32
        %add3A_148 = arith.constant 0 : i32
        %add3A_149 = arith.addi %add3A_148, %mul3A_147 : i32
        %get3A = arith.index_cast %add3A_149 : i32 to index
        %get3A_150 = arith.constant 0 : index
        %get3A_151 = tpu.vector_load %arg12[%get3A, %get3A_150] {strides = array<i32>} : memref<40x128xf32, #tpu.memory_space<vmem>>, vector<16xf32>,
        %get3A_152 = arith.index_cast %add3A_149 : i32 to index
        %get3A_153 = arith.constant 0 : index
        %get3A_154 = tpu.vector_load %arg13[%get3A_152, %get3A_153] {strides = array<i32>} : memref<40x128xf32, #tpu.memory_space<vmem>>, vector<16xf32>,
        %mul3A_155 = arith.mulf %get3A_151, %get3A_154 : vector<16xf32>
        %reduce_sum3A = arith.constant true
        %reduce_sum3A_156 = vector.broadcast %reduce_sum3A : i1 to vector<16xi1>
        %reduce_sum3A_157 = tpu.scan <sum>, %mul3A_155 masked %reduce_sum3A_156 : vector<16xf32>, vector<16xi1> -> vector<16xf32>
        %reduce_sum3A_158 = vector.extract %reduce_sum3A_157[15] : f32 from vector<16xf32>
        %broadcast_in_dim3A_159 = vector.broadcast %reduce_sum3A_158 : f32 to vector<16xf32>
        %exp3A = math.exp %broadcast_in_dim3A_159 : vector<16xf32>
        %get3A_160 = arith.index_cast %add3A_149 : i32 to index
        %get3A_161 = arith.constant 0 : index
        %get3A_162 = tpu.vector_load %arg14[%get3A_160, %get3A_161] {strides = array<i32>} : memref<40x128xf32, #tpu.memory_space<vmem>>, vector<16xf32>,
        %mul3A_163 = arith.mulf %get3A_162, %exp3A : vector<16xf32>
        %swap3A = arith.index_cast %add3A_149 : i32 to index
        %swap3A_164 = arith.constant 0 : index
        %swap3A_165 = tpu.vector_load %arg15[%swap3A, %swap3A_164] {strides = array<i32>} : memref<40x128xf32, #tpu.memory_space<vmem>>, vector<16xf32>,
        tpu.vector_store %arg15[%swap3A, %swap3A_164], %mul3A_163 {strides = array<i32>} : memref<40x128xf32, #tpu.memory_space<vmem>>, vector<16xf32>,
        %select_n3A_166 = arith.select %eq3A_3, %exp3A, %broadcast_in_dim3A_1 : vector<16xi1>, vector<16xf32>
        %get3A_167 = arith.index_cast %add3A_149 : i32 to index
        %get3A_168 = arith.constant 16 : index
        %get3A_169 = tpu.vector_load %arg12[%get3A_167, %get3A_168] {strides = array<i32>} : memref<40x128xf32, #tpu.memory_space<vmem>>, vector<16xf32>,
        %get3A_170 = arith.index_cast %add3A_149 : i32 to index
        %get3A_171 = arith.constant 16 : index
        %get3A_172 = tpu.vector_load %arg13[%get3A_170, %get3A_171] {strides = array<i32>} : memref<40x128xf32, #tpu.memory_space<vmem>>, vector<16xf32>,
        %mul3A_173 = arith.mulf %get3A_169, %get3A_172 : vector<16xf32>
        %reduce_sum3A_174 = arith.constant true
        %reduce_sum3A_175 = vector.broadcast %reduce_sum3A_174 : i1 to vector<16xi1>
        %reduce_sum3A_176 = tpu.scan <sum>, %mul3A_173 masked %reduce_sum3A_175 : vector<16xf32>, vector<16xi1> -> vector<16xf32>
        %reduce_sum3A_177 = vector.extract %reduce_sum3A_176[15] : f32 from vector<16xf32>
        %broadcast_in_dim3A_178 = vector.broadcast %reduce_sum3A_177 : f32 to vector<16xf32>
        %exp3A_179 = math.exp %broadcast_in_dim3A_178 : vector<16xf32>
        %get3A_180 = arith.index_cast %add3A_149 : i32 to index
        %get3A_181 = arith.constant 16 : index
        %get3A_182 = tpu.vector_load %arg14[%get3A_180, %get3A_181] {strides = array<i32>} : memref<40x128xf32, #tpu.memory_space<vmem>>, vector<16xf32>,
        %mul3A_183 = arith.mulf %get3A_182, %exp3A_179 : vector<16xf32>
        %swap3A_184 = arith.index_cast %add3A_149 : i32 to index
        %swap3A_185 = arith.constant 16 : index
        %swap3A_186 = tpu.vector_load %arg15[%swap3A_184, %swap3A_185] {strides = array<i32>} : memref<40x128xf32, #tpu.memory_space<vmem>>, vector<16xf32>,
        tpu.vector_store %arg15[%swap3A_184, %swap3A_185], %mul3A_183 {strides = array<i32>} : memref<40x128xf32, #tpu.memory_space<vmem>>, vector<16xf32>,
        %select_n3A_187 = arith.select %eq3A_6, %exp3A_179, %select_n3A_166 : vector<16xi1>, vector<16xf32>
        %get3A_188 = arith.index_cast %add3A_149 : i32 to index
        %get3A_189 = arith.constant 32 : index
        %get3A_190 = tpu.vector_load %arg12[%get3A_188, %get3A_189] {strides = array<i32>} : memref<40x128xf32, #tpu.memory_space<vmem>>, vector<16xf32>,
        %get3A_191 = arith.index_cast %add3A_149 : i32 to index
        %get3A_192 = arith.constant 32 : index
        %get3A_193 = tpu.vector_load %arg13[%get3A_191, %get3A_192] {strides = array<i32>} : memref<40x128xf32, #tpu.memory_space<vmem>>, vector<16xf32>,
        %mul3A_194 = arith.mulf %get3A_190, %get3A_193 : vector<16xf32>
        %reduce_sum3A_195 = arith.constant true
        %reduce_sum3A_196 = vector.broadcast %reduce_sum3A_195 : i1 to vector<16xi1>
        %reduce_sum3A_197 = tpu.scan <sum>, %mul3A_194 masked %reduce_sum3A_196 : vector<16xf32>, vector<16xi1> -> vector<16xf32>
        %reduce_sum3A_198 = vector.extract %reduce_sum3A_197[15] : f32 from vector<16xf32>
        %broadcast_in_dim3A_199 = vector.broadcast %reduce_sum3A_198 : f32 to vector<16xf32>
        %exp3A_200 = math.exp %broadcast_in_dim3A_199 : vector<16xf32>
        %get3A_201 = arith.index_cast %add3A_149 : i32 to index
        %get3A_202 = arith.constant 32 : index
        %get3A_203 = tpu.vector_load %arg14[%get3A_201, %get3A_202] {strides = array<i32>} : memref<40x128xf32, #tpu.memory_space<vmem>>, vector<16xf32>,
        %mul3A_204 = arith.mulf %get3A_203, %exp3A_200 : vector<16xf32>
        %swap3A_205 = arith.index_cast %add3A_149 : i32 to index
        %swap3A_206 = arith.constant 32 : index
        %swap3A_207 = tpu.vector_load %arg15[%swap3A_205, %swap3A_206] {strides = array<i32>} : memref<40x128xf32, #tpu.memory_space<vmem>>, vector<16xf32>,
        tpu.vector_store %arg15[%swap3A_205, %swap3A_206], %mul3A_204 {strides = array<i32>} : memref<40x128xf32, #tpu.memory_space<vmem>>, vector<16xf32>,
        %select_n3A_208 = arith.select %eq3A_9, %exp3A_200, %select_n3A_187 : vector<16xi1>, vector<16xf32>
        %get3A_209 = arith.index_cast %add3A_149 : i32 to index
        %get3A_210 = arith.constant 48 : index
        %get3A_211 = tpu.vector_load %arg12[%get3A_209, %get3A_210] {strides = array<i32>} : memref<40x128xf32, #tpu.memory_space<vmem>>, vector<16xf32>,
        %get3A_212 = arith.index_cast %add3A_149 : i32 to index
        %get3A_213 = arith.constant 48 : index
        %get3A_214 = tpu.vector_load %arg13[%get3A_212, %get3A_213] {strides = array<i32>} : memref<40x128xf32, #tpu.memory_space<vmem>>, vector<16xf32>,
        %mul3A_215 = arith.mulf %get3A_211, %get3A_214 : vector<16xf32>
        %reduce_sum3A_216 = arith.constant true
        %reduce_sum3A_217 = vector.broadcast %reduce_sum3A_216 : i1 to vector<16xi1>
        %reduce_sum3A_218 = tpu.scan <sum>, %mul3A_215 masked %reduce_sum3A_217 : vector<16xf32>, vector<16xi1> -> vector<16xf32>
        %reduce_sum3A_219 = vector.extract %reduce_sum3A_218[15] : f32 from vector<16xf32>
        %broadcast_in_dim3A_220 = vector.broadcast %reduce_sum3A_219 : f32 to vector<16xf32>
        %exp3A_221 = math.exp %broadcast_in_dim3A_220 : vector<16xf32>
        %get3A_222 = arith.index_cast %add3A_149 : i32 to index
        %get3A_223 = arith.constant 48 : index
        %get3A_224 = tpu.vector_load %arg14[%get3A_222, %get3A_223] {strides = array<i32>} : memref<40x128xf32, #tpu.memory_space<vmem>>, vector<16xf32>,
        %mul3A_225 = arith.mulf %get3A_224, %exp3A_221 : vector<16xf32>
        %swap3A_226 = arith.index_cast %add3A_149 : i32 to index
        %swap3A_227 = arith.constant 48 : index
        %swap3A_228 = tpu.vector_load %arg15[%swap3A_226, %swap3A_227] {strides = array<i32>} : memref<40x128xf32, #tpu.memory_space<vmem>>, vector<16xf32>,
        tpu.vector_store %arg15[%swap3A_226, %swap3A_227], %mul3A_225 {strides = array<i32>} : memref<40x128xf32, #tpu.memory_space<vmem>>, vector<16xf32>,
        %select_n3A_229 = arith.select %eq3A_12, %exp3A_221, %select_n3A_208 : vector<16xi1>, vector<16xf32>
        %get3A_230 = arith.index_cast %add3A_149 : i32 to index
        %get3A_231 = arith.constant 64 : index
        %get3A_232 = tpu.vector_load %arg12[%get3A_230, %get3A_231] {strides = array<i32>} : memref<40x128xf32, #tpu.memory_space<vmem>>, vector<16xf32>,
        %get3A_233 = arith.index_cast %add3A_149 : i32 to index
        %get3A_234 = arith.constant 64 : index
        %get3A_235 = tpu.vector_load %arg13[%get3A_233, %get3A_234] {strides = array<i32>} : memref<40x128xf32, #tpu.memory_space<vmem>>, vector<16xf32>,
        %mul3A_236 = arith.mulf %get3A_232, %get3A_235 : vector<16xf32>
        %reduce_sum3A_237 = arith.constant true
        %reduce_sum3A_238 = vector.broadcast %reduce_sum3A_237 : i1 to vector<16xi1>
        %reduce_sum3A_239 = tpu.scan <sum>, %mul3A_236 masked %reduce_sum3A_238 : vector<16xf32>, vector<16xi1> -> vector<16xf32>
        %reduce_sum3A_240 = vector.extract %reduce_sum3A_239[15] : f32 from vector<16xf32>
        %broadcast_in_dim3A_241 = vector.broadcast %reduce_sum3A_240 : f32 to vector<16xf32>
        %exp3A_242 = math.exp %broadcast_in_dim3A_241 : vector<16xf32>
        %get3A_243 = arith.index_cast %add3A_149 : i32 to index
        %get3A_244 = arith.constant 64 : index
        %get3A_245 = tpu.vector_load %arg14[%get3A_243, %get3A_244] {strides = array<i32>} : memref<40x128xf32, #tpu.memory_space<vmem>>, vector<16xf32>,
        %mul3A_246 = arith.mulf %get3A_245, %exp3A_242 : vector<16xf32>
        %swap3A_247 = arith.index_cast %add3A_149 : i32 to index
        %swap3A_248 = arith.constant 64 : index
        %swap3A_249 = tpu.vector_load %arg15[%swap3A_247, %swap3A_248] {strides = array<i32>} : memref<40x128xf32, #tpu.memory_space<vmem>>, vector<16xf32>,
        tpu.vector_store %arg15[%swap3A_247, %swap3A_248], %mul3A_246 {strides = array<i32>} : memref<40x128xf32, #tpu.memory_space<vmem>>, vector<16xf32>,
        %select_n3A_250 = arith.select %eq3A_15, %exp3A_242, %select_n3A_229 : vector<16xi1>, vector<16xf32>
        %get3A_251 = arith.index_cast %add3A_149 : i32 to index
        %get3A_252 = arith.constant 80 : index
        %get3A_253 = tpu.vector_load %arg12[%get3A_251, %get3A_252] {strides = array<i32>} : memref<40x128xf32, #tpu.memory_space<vmem>>, vector<16xf32>,
        %get3A_254 = arith.index_cast %add3A_149 : i32 to index
        %get3A_255 = arith.constant 80 : index
        %get3A_256 = tpu.vector_load %arg13[%get3A_254, %get3A_255] {strides = array<i32>} : memref<40x128xf32, #tpu.memory_space<vmem>>, vector<16xf32>,
        %mul3A_257 = arith.mulf %get3A_253, %get3A_256 : vector<16xf32>
        %reduce_sum3A_258 = arith.constant true
        %reduce_sum3A_259 = vector.broadcast %reduce_sum3A_258 : i1 to vector<16xi1>
        %reduce_sum3A_260 = tpu.scan <sum>, %mul3A_257 masked %reduce_sum3A_259 : vector<16xf32>, vector<16xi1> -> vector<16xf32>
        %reduce_sum3A_261 = vector.extract %reduce_sum3A_260[15] : f32 from vector<16xf32>
        %broadcast_in_dim3A_262 = vector.broadcast %reduce_sum3A_261 : f32 to vector<16xf32>
        %exp3A_263 = math.exp %broadcast_in_dim3A_262 : vector<16xf32>
        %get3A_264 = arith.index_cast %add3A_149 : i32 to index
        %get3A_265 = arith.constant 80 : index
        %get3A_266 = tpu.vector_load %arg14[%get3A_264, %get3A_265] {strides = array<i32>} : memref<40x128xf32, #tpu.memory_space<vmem>>, vector<16xf32>,
        %mul3A_267 = arith.mulf %get3A_266, %exp3A_263 : vector<16xf32>
        %swap3A_268 = arith.index_cast %add3A_149 : i32 to index
        %swap3A_269 = arith.constant 80 : index
        %swap3A_270 = tpu.vector_load %arg15[%swap3A_268, %swap3A_269] {strides = array<i32>} : memref<40x128xf32, #tpu.memory_space<vmem>>, vector<16xf32>,
        tpu.vector_store %arg15[%swap3A_268, %swap3A_269], %mul3A_267 {strides = array<i32>} : memref<40x128xf32, #tpu.memory_space<vmem>>, vector<16xf32>,
        %select_n3A_271 = arith.select %eq3A_18, %exp3A_263, %select_n3A_250 : vector<16xi1>, vector<16xf32>
        %get3A_272 = arith.index_cast %add3A_149 : i32 to index
        %get3A_273 = arith.constant 96 : index
        %get3A_274 = tpu.vector_load %arg12[%get3A_272, %get3A_273] {strides = array<i32>} : memref<40x128xf32, #tpu.memory_space<vmem>>, vector<16xf32>,
        %get3A_275 = arith.index_cast %add3A_149 : i32 to index
        %get3A_276 = arith.constant 96 : index
        %get3A_277 = tpu.vector_load %arg13[%get3A_275, %get3A_276] {strides = array<i32>} : memref<40x128xf32, #tpu.memory_space<vmem>>, vector<16xf32>,
        %mul3A_278 = arith.mulf %get3A_274, %get3A_277 : vector<16xf32>
        %reduce_sum3A_279 = arith.constant true
        %reduce_sum3A_280 = vector.broadcast %reduce_sum3A_279 : i1 to vector<16xi1>
        %reduce_sum3A_281 = tpu.scan <sum>, %mul3A_278 masked %reduce_sum3A_280 : vector<16xf32>, vector<16xi1> -> vector<16xf32>
        %reduce_sum3A_282 = vector.extract %reduce_sum3A_281[15] : f32 from vector<16xf32>
        %broadcast_in_dim3A_283 = vector.broadcast %reduce_sum3A_282 : f32 to vector<16xf32>
        %exp3A_284 = math.exp %broadcast_in_dim3A_283 : vector<16xf32>
        %get3A_285 = arith.index_cast %add3A_149 : i32 to index
        %get3A_286 = arith.constant 96 : index
        %get3A_287 = tpu.vector_load %arg14[%get3A_285, %get3A_286] {strides = array<i32>} : memref<40x128xf32, #tpu.memory_space<vmem>>, vector<16xf32>,
        %mul3A_288 = arith.mulf %get3A_287, %exp3A_284 : vector<16xf32>
        %swap3A_289 = arith.index_cast %add3A_149 : i32 to index
        %swap3A_290 = arith.constant 96 : index
        %swap3A_291 = tpu.vector_load %arg15[%swap3A_289, %swap3A_290] {strides = array<i32>} : memref<40x128xf32, #tpu.memory_space<vmem>>, vector<16xf32>,
        tpu.vector_store %arg15[%swap3A_289, %swap3A_290], %mul3A_288 {strides = array<i32>} : memref<40x128xf32, #tpu.memory_space<vmem>>, vector<16xf32>,
        %select_n3A_292 = arith.select %eq3A_21, %exp3A_284, %select_n3A_271 : vector<16xi1>, vector<16xf32>
        %get3A_293 = arith.index_cast %add3A_149 : i32 to index
        %get3A_294 = arith.constant 112 : index
        %get3A_295 = tpu.vector_load %arg12[%get3A_293, %get3A_294] {strides = array<i32>} : memref<40x128xf32, #tpu.memory_space<vmem>>, vector<16xf32>,
        %get3A_296 = arith.index_cast %add3A_149 : i32 to index
        %get3A_297 = arith.constant 112 : index
        %get3A_298 = tpu.vector_load %arg13[%get3A_296, %get3A_297] {strides = array<i32>} : memref<40x128xf32, #tpu.memory_space<vmem>>, vector<16xf32>,
        %mul3A_299 = arith.mulf %get3A_295, %get3A_298 : vector<16xf32>
        %reduce_sum3A_300 = arith.constant true
        %reduce_sum3A_301 = vector.broadcast %reduce_sum3A_300 : i1 to vector<16xi1>
        %reduce_sum3A_302 = tpu.scan <sum>, %mul3A_299 masked %reduce_sum3A_301 : vector<16xf32>, vector<16xi1> -> vector<16xf32>
        %reduce_sum3A_303 = vector.extract %reduce_sum3A_302[15] : f32 from vector<16xf32>
        %broadcast_in_dim3A_304 = vector.broadcast %reduce_sum3A_303 : f32 to vector<16xf32>
        %exp3A_305 = math.exp %broadcast_in_dim3A_304 : vector<16xf32>
        %get3A_306 = arith.index_cast %add3A_149 : i32 to index
        %get3A_307 = arith.constant 112 : index
        %get3A_308 = tpu.vector_load %arg14[%get3A_306, %get3A_307] {strides = array<i32>} : memref<40x128xf32, #tpu.memory_space<vmem>>, vector<16xf32>,
        %mul3A_309 = arith.mulf %get3A_308, %exp3A_305 : vector<16xf32>
        %swap3A_310 = arith.index_cast %add3A_149 : i32 to index
        %swap3A_311 = arith.constant 112 : index
        %swap3A_312 = tpu.vector_load %arg15[%swap3A_310, %swap3A_311] {strides = array<i32>} : memref<40x128xf32, #tpu.memory_space<vmem>>, vector<16xf32>,
        tpu.vector_store %arg15[%swap3A_310, %swap3A_311], %mul3A_309 {strides = array<i32>} : memref<40x128xf32, #tpu.memory_space<vmem>>, vector<16xf32>,
        %select_n3A_313 = arith.select %eq3A_24, %exp3A_305, %select_n3A_292 : vector<16xi1>, vector<16xf32>
        %mul3A_314 = arith.constant 16 : i32
        %mul3A_315 = arith.muli %add3A_149, %mul3A_314 : i32
        %swap3A_316 = arith.index_cast %mul3A_315 : i32 to index
        %swap3A_317 = tpu.vector_load %arg17[%swap3A_316] {strides = array<i32>} : memref<640xf32, #tpu.memory_space<vmem>>, vector<16xf32>,
        tpu.vector_store %arg17[%swap3A_316], %select_n3A_313 {strides = array<i32>} : memref<640xf32, #tpu.memory_space<vmem>>, vector<16xf32>,
      }
      %scan3A_142 = arith.constant 40 : i32
      "tpu.region"() ({
        %run_scoped3A = tpu.sem_alloc : memref<!tpu.dma_semaphore, #tpu.memory_space<semaphore_mem>>
        %dma_start3A_145 = arith.constant 0 : i32
        %dma_start3A_146 = arith.constant 0 : i32
        %dma_start3A_147 = tpu.memref_slice %arg18[%dma_start3A_145, %dma_start3A_146] : memref<10240x128xf32, #tpu.memory_space<vmem_shared>> -> memref<10240x128xf32, #tpu.memory_space<vmem_shared>>
        tpu.enqueue_indirect_dma source(%arg15 : memref<40x128xf32, #tpu.memory_space<vmem>>) target(%dma_start3A_147 : memref<10240x128xf32, #tpu.memory_space<vmem_shared>>) offsets(%arg10 : memref<40xi32, #tpu.memory_space<vmem>>) semaphore(%run_scoped3A : memref<!tpu.dma_semaphore, #tpu.memory_space<semaphore_mem>>) {add = true}
        %dma_wait3A_148 = arith.constant 0 : i32
        %dma_wait3A_149 = arith.constant 0 : i32
        %dma_wait3A_150 = tpu.memref_slice %arg18[%dma_wait3A_148, %dma_wait3A_149] : memref<10240x128xf32, #tpu.memory_space<vmem_shared>> -> memref<10240x128xf32, #tpu.memory_space<vmem_shared>>
        tpu.wait_indirect_dma semaphore(%run_scoped3A : memref<!tpu.dma_semaphore, #tpu.memory_space<semaphore_mem>>) src(%arg15 : memref<40x128xf32, #tpu.memory_space<vmem>>) dst(%dma_wait3A_150 : memref<10240x128xf32, #tpu.memory_space<vmem_shared>>)
        tpu.yield
      }) : () -> ()
      %mul3A_143 = arith.constant 16 : i32
      %mul3A_144 = arith.muli %mul3A_121, %mul3A_143 : i32
      "tpu.region"() ({
        %run_scoped3A = tpu.sem_alloc : memref<!tpu.dma_semaphore, #tpu.memory_space<semaphore_mem>>
        %dma_start3A_145 = tpu.memref_slice %arg9[%mul3A_144] : memref<2560000xf32, #tpu.memory_space<hbm>> -> memref<640xf32, #tpu.memory_space<hbm>>
        %dma_start3A_146 = tpu.memref_slice %arg9[%mul3A_144] : memref<2560000xf32, #tpu.memory_space<hbm>> -> memref<640xf32, #tpu.memory_space<hbm>>
        tpu.enqueue_dma source(%arg17 : memref<640xf32, #tpu.memory_space<vmem>>) target(%dma_start3A_146 : memref<640xf32, #tpu.memory_space<hbm>>) target_semaphore(%run_scoped3A : memref<!tpu.dma_semaphore, #tpu.memory_space<semaphore_mem>>)
        %dma_wait3A_147 = tpu.memref_slice %arg9[%mul3A_144] : memref<2560000xf32, #tpu.memory_space<hbm>> -> memref<640xf32, #tpu.memory_space<hbm>>
        %dma_wait3A_148 = tpu.memref_slice %arg9[%mul3A_144] : memref<2560000xf32, #tpu.memory_space<hbm>> -> memref<640xf32, #tpu.memory_space<hbm>>
        tpu.wait_dma2 semaphore(%run_scoped3A : memref<!tpu.dma_semaphore, #tpu.memory_space<semaphore_mem>>) src(%arg17 : memref<640xf32, #tpu.memory_space<vmem>>) dst(%dma_wait3A_148 : memref<640xf32, #tpu.memory_space<hbm>>)
        tpu.yield
      }) : () -> ()
    }
    %while3A_70 = arith.constant 1 : i32
    scf.for %while3A_114 = %while3A_68 to %while3A_64 step %while3A_70  : i32 {
      %mul3A_115 = arith.muli %while3A_114, %while3A : i32
      %add3A_116 = arith.addi %while3A_61, %mul3A_115 : i32
      %mul3A_117 = arith.constant 16 : i32
      %mul3A_118 = arith.muli %add3A_116, %mul3A_117 : i32
      %add3A_119 = arith.addi %arg1, %mul3A_118 : i32
      %mul3A_120 = arith.constant 40 : i32
      %mul3A_121 = arith.muli %add3A_119, %mul3A_120 : i32
      "tpu.region"() ({
        %run_scoped3A = tpu.sem_alloc : memref<!tpu.dma_semaphore, #tpu.memory_space<semaphore_mem>>
        %dma_start3A_145 = tpu.memref_slice %arg2[%mul3A_121] : memref<160000xi32, #tpu.memory_space<hbm>> -> memref<40xi32, #tpu.memory_space<hbm>>
        %dma_start3A_146 = tpu.memref_slice %arg2[%mul3A_121] : memref<160000xi32, #tpu.memory_space<hbm>> -> memref<40xi32, #tpu.memory_space<hbm>>
        tpu.enqueue_dma source(%dma_start3A_146 : memref<40xi32, #tpu.memory_space<hbm>>) target(%arg10 : memref<40xi32, #tpu.memory_space<vmem>>) target_semaphore(%run_scoped3A : memref<!tpu.dma_semaphore, #tpu.memory_space<semaphore_mem>>)
        %dma_wait3A_147 = tpu.memref_slice %arg2[%mul3A_121] : memref<160000xi32, #tpu.memory_space<hbm>> -> memref<40xi32, #tpu.memory_space<hbm>>
        %dma_wait3A_148 = tpu.memref_slice %arg2[%mul3A_121] : memref<160000xi32, #tpu.memory_space<hbm>> -> memref<40xi32, #tpu.memory_space<hbm>>
        tpu.wait_dma2 semaphore(%run_scoped3A : memref<!tpu.dma_semaphore, #tpu.memory_space<semaphore_mem>>) src(%dma_wait3A_148 : memref<40xi32, #tpu.memory_space<hbm>>) dst(%arg10 : memref<40xi32, #tpu.memory_space<vmem>>)
        tpu.yield
      }) : () -> ()
      "tpu.region"() ({
        %run_scoped3A = tpu.sem_alloc : memref<!tpu.dma_semaphore, #tpu.memory_space<semaphore_mem>>
        %dma_start3A_145 = tpu.memref_slice %arg3[%mul3A_121] : memref<160000xi32, #tpu.memory_space<hbm>> -> memref<40xi32, #tpu.memory_space<hbm>>
        %dma_start3A_146 = tpu.memref_slice %arg3[%mul3A_121] : memref<160000xi32, #tpu.memory_space<hbm>> -> memref<40xi32, #tpu.memory_space<hbm>>
        tpu.enqueue_dma source(%dma_start3A_146 : memref<40xi32, #tpu.memory_space<hbm>>) target(%arg11 : memref<40xi32, #tpu.memory_space<vmem>>) target_semaphore(%run_scoped3A : memref<!tpu.dma_semaphore, #tpu.memory_space<semaphore_mem>>)
        %dma_wait3A_147 = tpu.memref_slice %arg3[%mul3A_121] : memref<160000xi32, #tpu.memory_space<hbm>> -> memref<40xi32, #tpu.memory_space<hbm>>
        %dma_wait3A_148 = tpu.memref_slice %arg3[%mul3A_121] : memref<160000xi32, #tpu.memory_space<hbm>> -> memref<40xi32, #tpu.memory_space<hbm>>
        tpu.wait_dma2 semaphore(%run_scoped3A : memref<!tpu.dma_semaphore, #tpu.memory_space<semaphore_mem>>) src(%dma_wait3A_148 : memref<40xi32, #tpu.memory_space<hbm>>) dst(%arg11 : memref<40xi32, #tpu.memory_space<vmem>>)
        tpu.yield
      }) : () -> ()
      %dma_start3A = arith.constant 0 : i32
      %dma_start3A_122 = arith.constant 0 : i32
      %dma_start3A_123 = tpu.memref_slice %arg4[%dma_start3A, %dma_start3A_122] : memref<10000x128xf32, #tpu.memory_space<hbm>> -> memref<10000x128xf32, #tpu.memory_space<hbm>>
      tpu.enqueue_indirect_dma source(%dma_start3A_123 : memref<10000x128xf32, #tpu.memory_space<hbm>>) target(%arg12 : memref<40x128xf32, #tpu.memory_space<vmem>>) offsets(%arg10 : memref<40xi32, #tpu.memory_space<vmem>>) semaphore(%arg19 : memref<!tpu.dma_semaphore, #tpu.memory_space<semaphore_mem>>)
      %dma_start3A_124 = arith.constant 0 : i32
      %dma_start3A_125 = arith.constant 0 : i32
      %dma_start3A_126 = tpu.memref_slice %arg5[%dma_start3A_124, %dma_start3A_125] : memref<80000x128xf32, #tpu.memory_space<hbm>> -> memref<80000x128xf32, #tpu.memory_space<hbm>>
      tpu.enqueue_indirect_dma source(%dma_start3A_126 : memref<80000x128xf32, #tpu.memory_space<hbm>>) target(%arg13 : memref<40x128xf32, #tpu.memory_space<vmem>>) offsets(%arg11 : memref<40xi32, #tpu.memory_space<vmem>>) semaphore(%arg19 : memref<!tpu.dma_semaphore, #tpu.memory_space<semaphore_mem>>)
      %dma_start3A_127 = arith.constant 0 : i32
      %dma_start3A_128 = arith.constant 0 : i32
      %dma_start3A_129 = tpu.memref_slice %arg6[%dma_start3A_127, %dma_start3A_128] : memref<80000x128xf32, #tpu.memory_space<hbm>> -> memref<80000x128xf32, #tpu.memory_space<hbm>>
      tpu.enqueue_indirect_dma source(%dma_start3A_129 : memref<80000x128xf32, #tpu.memory_space<hbm>>) target(%arg14 : memref<40x128xf32, #tpu.memory_space<vmem>>) offsets(%arg11 : memref<40xi32, #tpu.memory_space<vmem>>) semaphore(%arg19 : memref<!tpu.dma_semaphore, #tpu.memory_space<semaphore_mem>>)
      %dma_wait3A = arith.constant 0 : i32
      %dma_wait3A_130 = arith.constant 0 : i32
      %dma_wait3A_131 = tpu.memref_slice %arg4[%dma_wait3A, %dma_wait3A_130] : memref<10000x128xf32, #tpu.memory_space<hbm>> -> memref<10000x128xf32, #tpu.memory_space<hbm>>
      tpu.wait_indirect_dma semaphore(%arg19 : memref<!tpu.dma_semaphore, #tpu.memory_space<semaphore_mem>>) src(%dma_wait3A_131 : memref<10000x128xf32, #tpu.memory_space<hbm>>) dst(%arg12 : memref<40x128xf32, #tpu.memory_space<vmem>>)
      %dma_wait3A_132 = arith.constant 0 : i32
      %dma_wait3A_133 = arith.constant 0 : i32
      %dma_wait3A_134 = tpu.memref_slice %arg5[%dma_wait3A_132, %dma_wait3A_133] : memref<80000x128xf32, #tpu.memory_space<hbm>> -> memref<80000x128xf32, #tpu.memory_space<hbm>>
      tpu.wait_indirect_dma semaphore(%arg19 : memref<!tpu.dma_semaphore, #tpu.memory_space<semaphore_mem>>) src(%dma_wait3A_134 : memref<80000x128xf32, #tpu.memory_space<hbm>>) dst(%arg13 : memref<40x128xf32, #tpu.memory_space<vmem>>)
      %dma_wait3A_135 = arith.constant 0 : i32
      %dma_wait3A_136 = arith.constant 0 : i32
      %dma_wait3A_137 = tpu.memref_slice %arg6[%dma_wait3A_135, %dma_wait3A_136] : memref<80000x128xf32, #tpu.memory_space<hbm>> -> memref<80000x128xf32, #tpu.memory_space<hbm>>
      tpu.wait_indirect_dma semaphore(%arg19 : memref<!tpu.dma_semaphore, #tpu.memory_space<semaphore_mem>>) src(%dma_wait3A_137 : memref<80000x128xf32, #tpu.memory_space<hbm>>) dst(%arg14 : memref<40x128xf32, #tpu.memory_space<vmem>>)
      %scan3A_138 = arith.constant 0 : i32
      %scan3A_139 = arith.constant 40 : i32
      %scan3A_140 = arith.addi %scan3A_138, %scan3A_139 : i32
      %scan3A_141 = arith.constant 1 : i32
      scf.for %scan3A_145 = %scan3A_138 to %scan3A_140 step %scan3A_141  : i32 {
        %mul3A_146 = arith.constant 1 : i32
        %mul3A_147 = arith.muli %scan3A_145, %mul3A_146 : i32
        %add3A_148 = arith.constant 0 : i32
        %add3A_149 = arith.addi %add3A_148, %mul3A_147 : i32
        %get3A = arith.index_cast %add3A_149 : i32 to index
        %get3A_150 = arith.constant 0 : index
        %get3A_151 = tpu.vector_load %arg12[%get3A, %get3A_150] {strides = array<i32>} : memref<40x128xf32, #tpu.memory_space<vmem>>, vector<16xf32>,
        %get3A_152 = arith.index_cast %add3A_149 : i32 to index
        %get3A_153 = arith.constant 0 : index
        %get3A_154 = tpu.vector_load %arg13[%get3A_152, %get3A_153] {strides = array<i32>} : memref<40x128xf32, #tpu.memory_space<vmem>>, vector<16xf32>,
        %mul3A_155 = arith.mulf %get3A_151, %get3A_154 : vector<16xf32>
        %reduce_sum3A = arith.constant true
        %reduce_sum3A_156 = vector.broadcast %reduce_sum3A : i1 to vector<16xi1>
        %reduce_sum3A_157 = tpu.scan <sum>, %mul3A_155 masked %reduce_sum3A_156 : vector<16xf32>, vector<16xi1> -> vector<16xf32>
        %reduce_sum3A_158 = vector.extract %reduce_sum3A_157[15] : f32 from vector<16xf32>
        %broadcast_in_dim3A_159 = vector.broadcast %reduce_sum3A_158 : f32 to vector<16xf32>
        %exp3A = math.exp %broadcast_in_dim3A_159 : vector<16xf32>
        %get3A_160 = arith.index_cast %add3A_149 : i32 to index
        %get3A_161 = arith.constant 0 : index
        %get3A_162 = tpu.vector_load %arg14[%get3A_160, %get3A_161] {strides = array<i32>} : memref<40x128xf32, #tpu.memory_space<vmem>>, vector<16xf32>,
        %mul3A_163 = arith.mulf %get3A_162, %exp3A : vector<16xf32>
        %swap3A = arith.index_cast %add3A_149 : i32 to index
        %swap3A_164 = arith.constant 0 : index
        %swap3A_165 = tpu.vector_load %arg15[%swap3A, %swap3A_164] {strides = array<i32>} : memref<40x128xf32, #tpu.memory_space<vmem>>, vector<16xf32>,
        tpu.vector_store %arg15[%swap3A, %swap3A_164], %mul3A_163 {strides = array<i32>} : memref<40x128xf32, #tpu.memory_space<vmem>>, vector<16xf32>,
        %select_n3A_166 = arith.select %eq3A_3, %exp3A, %broadcast_in_dim3A_1 : vector<16xi1>, vector<16xf32>
        %get3A_167 = arith.index_cast %add3A_149 : i32 to index
        %get3A_168 = arith.constant 16 : index
        %get3A_169 = tpu.vector_load %arg12[%get3A_167, %get3A_168] {strides = array<i32>} : memref<40x128xf32, #tpu.memory_space<vmem>>, vector<16xf32>,
        %get3A_170 = arith.index_cast %add3A_149 : i32 to index
        %get3A_171 = arith.constant 16 : index
        %get3A_172 = tpu.vector_load %arg13[%get3A_170, %get3A_171] {strides = array<i32>} : memref<40x128xf32, #tpu.memory_space<vmem>>, vector<16xf32>,
        %mul3A_173 = arith.mulf %get3A_169, %get3A_172 : vector<16xf32>
        %reduce_sum3A_174 = arith.constant true
        %reduce_sum3A_175 = vector.broadcast %reduce_sum3A_174 : i1 to vector<16xi1>
        %reduce_sum3A_176 = tpu.scan <sum>, %mul3A_173 masked %reduce_sum3A_175 : vector<16xf32>, vector<16xi1> -> vector<16xf32>
        %reduce_sum3A_177 = vector.extract %reduce_sum3A_176[15] : f32 from vector<16xf32>
        %broadcast_in_dim3A_178 = vector.broadcast %reduce_sum3A_177 : f32 to vector<16xf32>
        %exp3A_179 = math.exp %broadcast_in_dim3A_178 : vector<16xf32>
        %get3A_180 = arith.index_cast %add3A_149 : i32 to index
        %get3A_181 = arith.constant 16 : index
        %get3A_182 = tpu.vector_load %arg14[%get3A_180, %get3A_181] {strides = array<i32>} : memref<40x128xf32, #tpu.memory_space<vmem>>, vector<16xf32>,
        %mul3A_183 = arith.mulf %get3A_182, %exp3A_179 : vector<16xf32>
        %swap3A_184 = arith.index_cast %add3A_149 : i32 to index
        %swap3A_185 = arith.constant 16 : index
        %swap3A_186 = tpu.vector_load %arg15[%swap3A_184, %swap3A_185] {strides = array<i32>} : memref<40x128xf32, #tpu.memory_space<vmem>>, vector<16xf32>,
        tpu.vector_store %arg15[%swap3A_184, %swap3A_185], %mul3A_183 {strides = array<i32>} : memref<40x128xf32, #tpu.memory_space<vmem>>, vector<16xf32>,
        %select_n3A_187 = arith.select %eq3A_6, %exp3A_179, %select_n3A_166 : vector<16xi1>, vector<16xf32>
        %get3A_188 = arith.index_cast %add3A_149 : i32 to index
        %get3A_189 = arith.constant 32 : index
        %get3A_190 = tpu.vector_load %arg12[%get3A_188, %get3A_189] {strides = array<i32>} : memref<40x128xf32, #tpu.memory_space<vmem>>, vector<16xf32>,
        %get3A_191 = arith.index_cast %add3A_149 : i32 to index
        %get3A_192 = arith.constant 32 : index
        %get3A_193 = tpu.vector_load %arg13[%get3A_191, %get3A_192] {strides = array<i32>} : memref<40x128xf32, #tpu.memory_space<vmem>>, vector<16xf32>,
        %mul3A_194 = arith.mulf %get3A_190, %get3A_193 : vector<16xf32>
        %reduce_sum3A_195 = arith.constant true
        %reduce_sum3A_196 = vector.broadcast %reduce_sum3A_195 : i1 to vector<16xi1>
        %reduce_sum3A_197 = tpu.scan <sum>, %mul3A_194 masked %reduce_sum3A_196 : vector<16xf32>, vector<16xi1> -> vector<16xf32>
        %reduce_sum3A_198 = vector.extract %reduce_sum3A_197[15] : f32 from vector<16xf32>
        %broadcast_in_dim3A_199 = vector.broadcast %reduce_sum3A_198 : f32 to vector<16xf32>
        %exp3A_200 = math.exp %broadcast_in_dim3A_199 : vector<16xf32>
        %get3A_201 = arith.index_cast %add3A_149 : i32 to index
        %get3A_202 = arith.constant 32 : index
        %get3A_203 = tpu.vector_load %arg14[%get3A_201, %get3A_202] {strides = array<i32>} : memref<40x128xf32, #tpu.memory_space<vmem>>, vector<16xf32>,
        %mul3A_204 = arith.mulf %get3A_203, %exp3A_200 : vector<16xf32>
        %swap3A_205 = arith.index_cast %add3A_149 : i32 to index
        %swap3A_206 = arith.constant 32 : index
        %swap3A_207 = tpu.vector_load %arg15[%swap3A_205, %swap3A_206] {strides = array<i32>} : memref<40x128xf32, #tpu.memory_space<vmem>>, vector<16xf32>,
        tpu.vector_store %arg15[%swap3A_205, %swap3A_206], %mul3A_204 {strides = array<i32>} : memref<40x128xf32, #tpu.memory_space<vmem>>, vector<16xf32>,
        %select_n3A_208 = arith.select %eq3A_9, %exp3A_200, %select_n3A_187 : vector<16xi1>, vector<16xf32>
        %get3A_209 = arith.index_cast %add3A_149 : i32 to index
        %get3A_210 = arith.constant 48 : index
        %get3A_211 = tpu.vector_load %arg12[%get3A_209, %get3A_210] {strides = array<i32>} : memref<40x128xf32, #tpu.memory_space<vmem>>, vector<16xf32>,
        %get3A_212 = arith.index_cast %add3A_149 : i32 to index
        %get3A_213 = arith.constant 48 : index
        %get3A_214 = tpu.vector_load %arg13[%get3A_212, %get3A_213] {strides = array<i32>} : memref<40x128xf32, #tpu.memory_space<vmem>>, vector<16xf32>,
        %mul3A_215 = arith.mulf %get3A_211, %get3A_214 : vector<16xf32>
        %reduce_sum3A_216 = arith.constant true
        %reduce_sum3A_217 = vector.broadcast %reduce_sum3A_216 : i1 to vector<16xi1>
        %reduce_sum3A_218 = tpu.scan <sum>, %mul3A_215 masked %reduce_sum3A_217 : vector<16xf32>, vector<16xi1> -> vector<16xf32>
        %reduce_sum3A_219 = vector.extract %reduce_sum3A_218[15] : f32 from vector<16xf32>
        %broadcast_in_dim3A_220 = vector.broadcast %reduce_sum3A_219 : f32 to vector<16xf32>
        %exp3A_221 = math.exp %broadcast_in_dim3A_220 : vector<16xf32>
        %get3A_222 = arith.index_cast %add3A_149 : i32 to index
        %get3A_223 = arith.constant 48 : index
        %get3A_224 = tpu.vector_load %arg14[%get3A_222, %get3A_223] {strides = array<i32>} : memref<40x128xf32, #tpu.memory_space<vmem>>, vector<16xf32>,
        %mul3A_225 = arith.mulf %get3A_224, %exp3A_221 : vector<16xf32>
        %swap3A_226 = arith.index_cast %add3A_149 : i32 to index
        %swap3A_227 = arith.constant 48 : index
        %swap3A_228 = tpu.vector_load %arg15[%swap3A_226, %swap3A_227] {strides = array<i32>} : memref<40x128xf32, #tpu.memory_space<vmem>>, vector<16xf32>,
        tpu.vector_store %arg15[%swap3A_226, %swap3A_227], %mul3A_225 {strides = array<i32>} : memref<40x128xf32, #tpu.memory_space<vmem>>, vector<16xf32>,
        %select_n3A_229 = arith.select %eq3A_12, %exp3A_221, %select_n3A_208 : vector<16xi1>, vector<16xf32>
        %get3A_230 = arith.index_cast %add3A_149 : i32 to index
        %get3A_231 = arith.constant 64 : index
        %get3A_232 = tpu.vector_load %arg12[%get3A_230, %get3A_231] {strides = array<i32>} : memref<40x128xf32, #tpu.memory_space<vmem>>, vector<16xf32>,
        %get3A_233 = arith.index_cast %add3A_149 : i32 to index
        %get3A_234 = arith.constant 64 : index
        %get3A_235 = tpu.vector_load %arg13[%get3A_233, %get3A_234] {strides = array<i32>} : memref<40x128xf32, #tpu.memory_space<vmem>>, vector<16xf32>,
        %mul3A_236 = arith.mulf %get3A_232, %get3A_235 : vector<16xf32>
        %reduce_sum3A_237 = arith.constant true
        %reduce_sum3A_238 = vector.broadcast %reduce_sum3A_237 : i1 to vector<16xi1>
        %reduce_sum3A_239 = tpu.scan <sum>, %mul3A_236 masked %reduce_sum3A_238 : vector<16xf32>, vector<16xi1> -> vector<16xf32>
        %reduce_sum3A_240 = vector.extract %reduce_sum3A_239[15] : f32 from vector<16xf32>
        %broadcast_in_dim3A_241 = vector.broadcast %reduce_sum3A_240 : f32 to vector<16xf32>
        %exp3A_242 = math.exp %broadcast_in_dim3A_241 : vector<16xf32>
        %get3A_243 = arith.index_cast %add3A_149 : i32 to index
        %get3A_244 = arith.constant 64 : index
        %get3A_245 = tpu.vector_load %arg14[%get3A_243, %get3A_244] {strides = array<i32>} : memref<40x128xf32, #tpu.memory_space<vmem>>, vector<16xf32>,
        %mul3A_246 = arith.mulf %get3A_245, %exp3A_242 : vector<16xf32>
        %swap3A_247 = arith.index_cast %add3A_149 : i32 to index
        %swap3A_248 = arith.constant 64 : index
        %swap3A_249 = tpu.vector_load %arg15[%swap3A_247, %swap3A_248] {strides = array<i32>} : memref<40x128xf32, #tpu.memory_space<vmem>>, vector<16xf32>,
        tpu.vector_store %arg15[%swap3A_247, %swap3A_248], %mul3A_246 {strides = array<i32>} : memref<40x128xf32, #tpu.memory_space<vmem>>, vector<16xf32>,
        %select_n3A_250 = arith.select %eq3A_15, %exp3A_242, %select_n3A_229 : vector<16xi1>, vector<16xf32>
        %get3A_251 = arith.index_cast %add3A_149 : i32 to index
        %get3A_252 = arith.constant 80 : index
        %get3A_253 = tpu.vector_load %arg12[%get3A_251, %get3A_252] {strides = array<i32>} : memref<40x128xf32, #tpu.memory_space<vmem>>, vector<16xf32>,
        %get3A_254 = arith.index_cast %add3A_149 : i32 to index
        %get3A_255 = arith.constant 80 : index
        %get3A_256 = tpu.vector_load %arg13[%get3A_254, %get3A_255] {strides = array<i32>} : memref<40x128xf32, #tpu.memory_space<vmem>>, vector<16xf32>,
        %mul3A_257 = arith.mulf %get3A_253, %get3A_256 : vector<16xf32>
        %reduce_sum3A_258 = arith.constant true
        %reduce_sum3A_259 = vector.broadcast %reduce_sum3A_258 : i1 to vector<16xi1>
        %reduce_sum3A_260 = tpu.scan <sum>, %mul3A_257 masked %reduce_sum3A_259 : vector<16xf32>, vector<16xi1> -> vector<16xf32>
        %reduce_sum3A_261 = vector.extract %reduce_sum3A_260[15] : f32 from vector<16xf32>
        %broadcast_in_dim3A_262 = vector.broadcast %reduce_sum3A_261 : f32 to vector<16xf32>
        %exp3A_263 = math.exp %broadcast_in_dim3A_262 : vector<16xf32>
        %get3A_264 = arith.index_cast %add3A_149 : i32 to index
        %get3A_265 = arith.constant 80 : index
        %get3A_266 = tpu.vector_load %arg14[%get3A_264, %get3A_265] {strides = array<i32>} : memref<40x128xf32, #tpu.memory_space<vmem>>, vector<16xf32>,
        %mul3A_267 = arith.mulf %get3A_266, %exp3A_263 : vector<16xf32>
        %swap3A_268 = arith.index_cast %add3A_149 : i32 to index
        %swap3A_269 = arith.constant 80 : index
        %swap3A_270 = tpu.vector_load %arg15[%swap3A_268, %swap3A_269] {strides = array<i32>} : memref<40x128xf32, #tpu.memory_space<vmem>>, vector<16xf32>,
        tpu.vector_store %arg15[%swap3A_268, %swap3A_269], %mul3A_267 {strides = array<i32>} : memref<40x128xf32, #tpu.memory_space<vmem>>, vector<16xf32>,
        %select_n3A_271 = arith.select %eq3A_18, %exp3A_263, %select_n3A_250 : vector<16xi1>, vector<16xf32>
        %get3A_272 = arith.index_cast %add3A_149 : i32 to index
        %get3A_273 = arith.constant 96 : index
        %get3A_274 = tpu.vector_load %arg12[%get3A_272, %get3A_273] {strides = array<i32>} : memref<40x128xf32, #tpu.memory_space<vmem>>, vector<16xf32>,
        %get3A_275 = arith.index_cast %add3A_149 : i32 to index
        %get3A_276 = arith.constant 96 : index
        %get3A_277 = tpu.vector_load %arg13[%get3A_275, %get3A_276] {strides = array<i32>} : memref<40x128xf32, #tpu.memory_space<vmem>>, vector<16xf32>,
        %mul3A_278 = arith.mulf %get3A_274, %get3A_277 : vector<16xf32>
        %reduce_sum3A_279 = arith.constant true
        %reduce_sum3A_280 = vector.broadcast %reduce_sum3A_279 : i1 to vector<16xi1>
        %reduce_sum3A_281 = tpu.scan <sum>, %mul3A_278 masked %reduce_sum3A_280 : vector<16xf32>, vector<16xi1> -> vector<16xf32>
        %reduce_sum3A_282 = vector.extract %reduce_sum3A_281[15] : f32 from vector<16xf32>
        %broadcast_in_dim3A_283 = vector.broadcast %reduce_sum3A_282 : f32 to vector<16xf32>
        %exp3A_284 = math.exp %broadcast_in_dim3A_283 : vector<16xf32>
        %get3A_285 = arith.index_cast %add3A_149 : i32 to index
        %get3A_286 = arith.constant 96 : index
        %get3A_287 = tpu.vector_load %arg14[%get3A_285, %get3A_286] {strides = array<i32>} : memref<40x128xf32, #tpu.memory_space<vmem>>, vector<16xf32>,
        %mul3A_288 = arith.mulf %get3A_287, %exp3A_284 : vector<16xf32>
        %swap3A_289 = arith.index_cast %add3A_149 : i32 to index
        %swap3A_290 = arith.constant 96 : index
        %swap3A_291 = tpu.vector_load %arg15[%swap3A_289, %swap3A_290] {strides = array<i32>} : memref<40x128xf32, #tpu.memory_space<vmem>>, vector<16xf32>,
        tpu.vector_store %arg15[%swap3A_289, %swap3A_290], %mul3A_288 {strides = array<i32>} : memref<40x128xf32, #tpu.memory_space<vmem>>, vector<16xf32>,
        %select_n3A_292 = arith.select %eq3A_21, %exp3A_284, %select_n3A_271 : vector<16xi1>, vector<16xf32>
        %get3A_293 = arith.index_cast %add3A_149 : i32 to index
        %get3A_294 = arith.constant 112 : index
        %get3A_295 = tpu.vector_load %arg12[%get3A_293, %get3A_294] {strides = array<i32>} : memref<40x128xf32, #tpu.memory_space<vmem>>, vector<16xf32>,
        %get3A_296 = arith.index_cast %add3A_149 : i32 to index
        %get3A_297 = arith.constant 112 : index
        %get3A_298 = tpu.vector_load %arg13[%get3A_296, %get3A_297] {strides = array<i32>} : memref<40x128xf32, #tpu.memory_space<vmem>>, vector<16xf32>,
        %mul3A_299 = arith.mulf %get3A_295, %get3A_298 : vector<16xf32>
        %reduce_sum3A_300 = arith.constant true
        %reduce_sum3A_301 = vector.broadcast %reduce_sum3A_300 : i1 to vector<16xi1>
        %reduce_sum3A_302 = tpu.scan <sum>, %mul3A_299 masked %reduce_sum3A_301 : vector<16xf32>, vector<16xi1> -> vector<16xf32>
        %reduce_sum3A_303 = vector.extract %reduce_sum3A_302[15] : f32 from vector<16xf32>
        %broadcast_in_dim3A_304 = vector.broadcast %reduce_sum3A_303 : f32 to vector<16xf32>
        %exp3A_305 = math.exp %broadcast_in_dim3A_304 : vector<16xf32>
        %get3A_306 = arith.index_cast %add3A_149 : i32 to index
        %get3A_307 = arith.constant 112 : index
        %get3A_308 = tpu.vector_load %arg14[%get3A_306, %get3A_307] {strides = array<i32>} : memref<40x128xf32, #tpu.memory_space<vmem>>, vector<16xf32>,
        %mul3A_309 = arith.mulf %get3A_308, %exp3A_305 : vector<16xf32>
        %swap3A_310 = arith.index_cast %add3A_149 : i32 to index
        %swap3A_311 = arith.constant 112 : index
        %swap3A_312 = tpu.vector_load %arg15[%swap3A_310, %swap3A_311] {strides = array<i32>} : memref<40x128xf32, #tpu.memory_space<vmem>>, vector<16xf32>,
        tpu.vector_store %arg15[%swap3A_310, %swap3A_311], %mul3A_309 {strides = array<i32>} : memref<40x128xf32, #tpu.memory_space<vmem>>, vector<16xf32>,
        %select_n3A_313 = arith.select %eq3A_24, %exp3A_305, %select_n3A_292 : vector<16xi1>, vector<16xf32>
        %mul3A_314 = arith.constant 16 : i32
        %mul3A_315 = arith.muli %add3A_149, %mul3A_314 : i32
        %swap3A_316 = arith.index_cast %mul3A_315 : i32 to index
        %swap3A_317 = tpu.vector_load %arg17[%swap3A_316] {strides = array<i32>} : memref<640xf32, #tpu.memory_space<vmem>>, vector<16xf32>,
        tpu.vector_store %arg17[%swap3A_316], %select_n3A_313 {strides = array<i32>} : memref<640xf32, #tpu.memory_space<vmem>>, vector<16xf32>,
      }
      %scan3A_142 = arith.constant 40 : i32
      "tpu.region"() ({
        %run_scoped3A = tpu.sem_alloc : memref<!tpu.dma_semaphore, #tpu.memory_space<semaphore_mem>>
        %dma_start3A_145 = arith.constant 0 : i32
        %dma_start3A_146 = arith.constant 0 : i32
        %dma_start3A_147 = tpu.memref_slice %arg18[%dma_start3A_145, %dma_start3A_146] : memref<10240x128xf32, #tpu.memory_space<vmem_shared>> -> memref<10240x128xf32, #tpu.memory_space<vmem_shared>>
        tpu.enqueue_indirect_dma source(%arg15 : memref<40x128xf32, #tpu.memory_space<vmem>>) target(%dma_start3A_147 : memref<10240x128xf32, #tpu.memory_space<vmem_shared>>) offsets(%arg10 : memref<40xi32, #tpu.memory_space<vmem>>) semaphore(%run_scoped3A : memref<!tpu.dma_semaphore, #tpu.memory_space<semaphore_mem>>) {add = true}
        %dma_wait3A_148 = arith.constant 0 : i32
        %dma_wait3A_149 = arith.constant 0 : i32
        %dma_wait3A_150 = tpu.memref_slice %arg18[%dma_wait3A_148, %dma_wait3A_149] : memref<10240x128xf32, #tpu.memory_space<vmem_shared>> -> memref<10240x128xf32, #tpu.memory_space<vmem_shared>>
        tpu.wait_indirect_dma semaphore(%run_scoped3A : memref<!tpu.dma_semaphore, #tpu.memory_space<semaphore_mem>>) src(%arg15 : memref<40x128xf32, #tpu.memory_space<vmem>>) dst(%dma_wait3A_150 : memref<10240x128xf32, #tpu.memory_space<vmem_shared>>)
        tpu.yield
      }) : () -> ()
      %mul3A_143 = arith.constant 16 : i32
      %mul3A_144 = arith.muli %mul3A_121, %mul3A_143 : i32
      "tpu.region"() ({
        %run_scoped3A = tpu.sem_alloc : memref<!tpu.dma_semaphore, #tpu.memory_space<semaphore_mem>>
        %dma_start3A_145 = tpu.memref_slice %arg9[%mul3A_144] : memref<2560000xf32, #tpu.memory_space<hbm>> -> memref<640xf32, #tpu.memory_space<hbm>>
        %dma_start3A_146 = tpu.memref_slice %arg9[%mul3A_144] : memref<2560000xf32, #tpu.memory_space<hbm>> -> memref<640xf32, #tpu.memory_space<hbm>>
        tpu.enqueue_dma source(%arg17 : memref<640xf32, #tpu.memory_space<vmem>>) target(%dma_start3A_146 : memref<640xf32, #tpu.memory_space<hbm>>) target_semaphore(%run_scoped3A : memref<!tpu.dma_semaphore, #tpu.memory_space<semaphore_mem>>)
        %dma_wait3A_147 = tpu.memref_slice %arg9[%mul3A_144] : memref<2560000xf32, #tpu.memory_space<hbm>> -> memref<640xf32, #tpu.memory_space<hbm>>
        %dma_wait3A_148 = tpu.memref_slice %arg9[%mul3A_144] : memref<2560000xf32, #tpu.memory_space<hbm>> -> memref<640xf32, #tpu.memory_space<hbm>>
        tpu.wait_dma2 semaphore(%run_scoped3A : memref<!tpu.dma_semaphore, #tpu.memory_space<semaphore_mem>>) src(%arg17 : memref<640xf32, #tpu.memory_space<vmem>>) dst(%dma_wait3A_148 : memref<640xf32, #tpu.memory_space<hbm>>)
        tpu.yield
      }) : () -> ()
    }
    %barrier3A_71 = arith.constant 0 : index
    tpu.barrier barrier_id(%barrier3A_71)
    %scan3A_72 = arith.constant 0 : i32
    %scan3A_73 = arith.constant 16 : i32
    %scan3A_74 = arith.addi %scan3A_72, %scan3A_73 : i32
    %scan3A_75 = arith.constant 1 : i32
    scf.for %scan3A_114 = %scan3A_72 to %scan3A_74 step %scan3A_75  : i32 {
      %mul3A_115 = arith.constant 1 : i32
      %mul3A_116 = arith.muli %scan3A_114, %mul3A_115 : i32
      %add3A_117 = arith.constant 0 : i32
      %add3A_118 = arith.addi %add3A_117, %mul3A_116 : i32
      %mul3A_119 = arith.constant 40 : i32
      %mul3A_120 = arith.muli %add3A_118, %mul3A_119 : i32
      %add3A_121 = arith.addi %mul3A_0, %mul3A_120 : i32
      "tpu.region"() ({
        %run_scoped3A = tpu.sem_alloc : memref<!tpu.dma_semaphore, #tpu.memory_space<semaphore_mem>>
        %dma_start3A = arith.constant 0 : i32
        %dma_start3A_122 = arith.constant 0 : i32
        %dma_start3A_123 = tpu.memref_slice %arg15[%dma_start3A, %dma_start3A_122] : memref<40x128xf32, #tpu.memory_space<vmem>> -> memref<40x128xf32, #tpu.memory_space<vmem>>
        %dma_start3A_124 = arith.constant 0 : i32
        %dma_start3A_125 = tpu.memref_slice %arg18[%add3A_121, %dma_start3A_124] : memref<10240x128xf32, #tpu.memory_space<vmem_shared>> -> memref<40x128xf32, #tpu.memory_space<vmem_shared>>
        %dma_start3A_126 = arith.constant 0 : i32
        %dma_start3A_127 = arith.constant 0 : i32
        %dma_start3A_128 = tpu.memref_slice %arg15[%dma_start3A_126, %dma_start3A_127] : memref<40x128xf32, #tpu.memory_space<vmem>> -> memref<40x128xf32, #tpu.memory_space<vmem>>
        %dma_start3A_129 = arith.constant 0 : i32
        %dma_start3A_130 = tpu.memref_slice %arg18[%add3A_121, %dma_start3A_129] : memref<10240x128xf32, #tpu.memory_space<vmem_shared>> -> memref<40x128xf32, #tpu.memory_space<vmem_shared>>
        tpu.enqueue_dma source(%dma_start3A_130 : memref<40x128xf32, #tpu.memory_space<vmem_shared>>) target(%dma_start3A_128 : memref<40x128xf32, #tpu.memory_space<vmem>>) target_semaphore(%run_scoped3A : memref<!tpu.dma_semaphore, #tpu.memory_space<semaphore_mem>>)
        %dma_wait3A = arith.constant 0 : i32
        %dma_wait3A_131 = arith.constant 0 : i32
        %dma_wait3A_132 = tpu.memref_slice %arg15[%dma_wait3A, %dma_wait3A_131] : memref<40x128xf32, #tpu.memory_space<vmem>> -> memref<40x128xf32, #tpu.memory_space<vmem>>
        %dma_wait3A_133 = arith.constant 0 : i32
        %dma_wait3A_134 = tpu.memref_slice %arg18[%add3A_121, %dma_wait3A_133] : memref<10240x128xf32, #tpu.memory_space<vmem_shared>> -> memref<40x128xf32, #tpu.memory_space<vmem_shared>>
        %dma_wait3A_135 = arith.constant 0 : i32
        %dma_wait3A_136 = arith.constant 0 : i32
        %dma_wait3A_137 = tpu.memref_slice %arg15[%dma_wait3A_135, %dma_wait3A_136] : memref<40x128xf32, #tpu.memory_space<vmem>> -> memref<40x128xf32, #tpu.memory_space<vmem>>
        %dma_wait3A_138 = arith.constant 0 : i32
        %dma_wait3A_139 = tpu.memref_slice %arg18[%add3A_121, %dma_wait3A_138] : memref<10240x128xf32, #tpu.memory_space<vmem_shared>> -> memref<40x128xf32, #tpu.memory_space<vmem_shared>>
        tpu.wait_dma2 semaphore(%run_scoped3A : memref<!tpu.dma_semaphore, #tpu.memory_space<semaphore_mem>>) src(%dma_wait3A_139 : memref<40x128xf32, #tpu.memory_space<vmem_shared>>) dst(%dma_wait3A_137 : memref<40x128xf32, #tpu.memory_space<vmem>>)
        tpu.yield
      }) : () -> ()
      "tpu.region"() ({
        %run_scoped3A = tpu.sem_alloc : memref<!tpu.dma_semaphore, #tpu.memory_space<semaphore_mem>>
        %dma_start3A = arith.constant 0 : i32
        %dma_start3A_122 = arith.constant 0 : i32
        %dma_start3A_123 = tpu.memref_slice %arg15[%dma_start3A, %dma_start3A_122] : memref<40x128xf32, #tpu.memory_space<vmem>> -> memref<40x128xf32, #tpu.memory_space<vmem>>
        %dma_start3A_124 = arith.constant 0 : i32
        %dma_start3A_125 = tpu.memref_slice %arg7[%add3A_121, %dma_start3A_124] : memref<10240x128xf32, #tpu.memory_space<hbm>> -> memref<40x128xf32, #tpu.memory_space<hbm>>
        %dma_start3A_126 = arith.constant 0 : i32
        %dma_start3A_127 = tpu.memref_slice %arg7[%add3A_121, %dma_start3A_126] : memref<10240x128xf32, #tpu.memory_space<hbm>> -> memref<40x128xf32, #tpu.memory_space<hbm>>
        %dma_start3A_128 = arith.constant 0 : i32
        %dma_start3A_129 = arith.constant 0 : i32
        %dma_start3A_130 = tpu.memref_slice %arg15[%dma_start3A_128, %dma_start3A_129] : memref<40x128xf32, #tpu.memory_space<vmem>> -> memref<40x128xf32, #tpu.memory_space<vmem>>
        tpu.enqueue_dma source(%dma_start3A_130 : memref<40x128xf32, #tpu.memory_space<vmem>>) target(%dma_start3A_127 : memref<40x128xf32, #tpu.memory_space<hbm>>) target_semaphore(%run_scoped3A : memref<!tpu.dma_semaphore, #tpu.memory_space<semaphore_mem>>)
        %dma_wait3A = arith.constant 0 : i32
        %dma_wait3A_131 = arith.constant 0 : i32
        %dma_wait3A_132 = tpu.memref_slice %arg15[%dma_wait3A, %dma_wait3A_131] : memref<40x128xf32, #tpu.memory_space<vmem>> -> memref<40x128xf32, #tpu.memory_space<vmem>>
        %dma_wait3A_133 = arith.constant 0 : i32
        %dma_wait3A_134 = tpu.memref_slice %arg7[%add3A_121, %dma_wait3A_133] : memref<10240x128xf32, #tpu.memory_space<hbm>> -> memref<40x128xf32, #tpu.memory_space<hbm>>
        %dma_wait3A_135 = arith.constant 0 : i32
        %dma_wait3A_136 = tpu.memref_slice %arg7[%add3A_121, %dma_wait3A_135] : memref<10240x128xf32, #tpu.memory_space<hbm>> -> memref<40x128xf32, #tpu.memory_space<hbm>>
        %dma_wait3A_137 = arith.constant 0 : i32
        %dma_wait3A_138 = arith.constant 0 : i32
        %dma_wait3A_139 = tpu.memref_slice %arg15[%dma_wait3A_137, %dma_wait3A_138] : memref<40x128xf32, #tpu.memory_space<vmem>> -> memref<40x128xf32, #tpu.memory_space<vmem>>
        tpu.wait_dma2 semaphore(%run_scoped3A : memref<!tpu.dma_semaphore, #tpu.memory_space<semaphore_mem>>) src(%dma_wait3A_139 : memref<40x128xf32, #tpu.memory_space<vmem>>) dst(%dma_wait3A_136 : memref<40x128xf32, #tpu.memory_space<hbm>>)
        tpu.yield
      }) : () -> ()
    }
    %scan3A_76 = arith.constant 16 : i32
    %barrier3A_77 = arith.constant 0 : index
    tpu.barrier barrier_id(%barrier3A_77)
    %scan3A_78 = arith.constant 0 : i32
    %scan3A_79 = arith.constant 40 : i32
    %scan3A_80 = arith.addi %scan3A_78, %scan3A_79 : i32
    %scan3A_81 = arith.constant 1 : i32
    scf.for %scan3A_114 = %scan3A_78 to %scan3A_80 step %scan3A_81  : i32 {
      %mul3A_115 = arith.constant 1 : i32
      %mul3A_116 = arith.muli %scan3A_114, %mul3A_115 : i32
      %add3A_117 = arith.constant 0 : i32
      %add3A_118 = arith.addi %add3A_117, %mul3A_116 : i32
      %swap3A = arith.index_cast %add3A_118 : i32 to index
      %swap3A_119 = arith.constant 0 : index
      %swap3A_120 = tpu.vector_load %arg15[%swap3A, %swap3A_119] {strides = array<i32>} : memref<40x128xf32, #tpu.memory_space<vmem>>, vector<16xf32>,
      tpu.vector_store %arg15[%swap3A, %swap3A_119], %broadcast_in_dim3A_1 {strides = array<i32>} : memref<40x128xf32, #tpu.memory_space<vmem>>, vector<16xf32>,
      %swap3A_121 = arith.index_cast %add3A_118 : i32 to index
      %swap3A_122 = arith.constant 16 : index
      %swap3A_123 = tpu.vector_load %arg15[%swap3A_121, %swap3A_122] {strides = array<i32>} : memref<40x128xf32, #tpu.memory_space<vmem>>, vector<16xf32>,
      tpu.vector_store %arg15[%swap3A_121, %swap3A_122], %broadcast_in_dim3A_1 {strides = array<i32>} : memref<40x128xf32, #tpu.memory_space<vmem>>, vector<16xf32>,
      %swap3A_124 = arith.index_cast %add3A_118 : i32 to index
      %swap3A_125 = arith.constant 32 : index
      %swap3A_126 = tpu.vector_load %arg15[%swap3A_124, %swap3A_125] {strides = array<i32>} : memref<40x128xf32, #tpu.memory_space<vmem>>, vector<16xf32>,
      tpu.vector_store %arg15[%swap3A_124, %swap3A_125], %broadcast_in_dim3A_1 {strides = array<i32>} : memref<40x128xf32, #tpu.memory_space<vmem>>, vector<16xf32>,
      %swap3A_127 = arith.index_cast %add3A_118 : i32 to index
      %swap3A_128 = arith.constant 48 : index
      %swap3A_129 = tpu.vector_load %arg15[%swap3A_127, %swap3A_128] {strides = array<i32>} : memref<40x128xf32, #tpu.memory_space<vmem>>, vector<16xf32>,
      tpu.vector_store %arg15[%swap3A_127, %swap3A_128], %broadcast_in_dim3A_1 {strides = array<i32>} : memref<40x128xf32, #tpu.memory_space<vmem>>, vector<16xf32>,
      %swap3A_130 = arith.index_cast %add3A_118 : i32 to index
      %swap3A_131 = arith.constant 64 : index
      %swap3A_132 = tpu.vector_load %arg15[%swap3A_130, %swap3A_131] {strides = array<i32>} : memref<40x128xf32, #tpu.memory_space<vmem>>, vector<16xf32>,
      tpu.vector_store %arg15[%swap3A_130, %swap3A_131], %broadcast_in_dim3A_1 {strides = array<i32>} : memref<40x128xf32, #tpu.memory_space<vmem>>, vector<16xf32>,
      %swap3A_133 = arith.index_cast %add3A_118 : i32 to index
      %swap3A_134 = arith.constant 80 : index
      %swap3A_135 = tpu.vector_load %arg15[%swap3A_133, %swap3A_134] {strides = array<i32>} : memref<40x128xf32, #tpu.memory_space<vmem>>, vector<16xf32>,
      tpu.vector_store %arg15[%swap3A_133, %swap3A_134], %broadcast_in_dim3A_1 {strides = array<i32>} : memref<40x128xf32, #tpu.memory_space<vmem>>, vector<16xf32>,
      %swap3A_136 = arith.index_cast %add3A_118 : i32 to index
      %swap3A_137 = arith.constant 96 : index
      %swap3A_138 = tpu.vector_load %arg15[%swap3A_136, %swap3A_137] {strides = array<i32>} : memref<40x128xf32, #tpu.memory_space<vmem>>, vector<16xf32>,
      tpu.vector_store %arg15[%swap3A_136, %swap3A_137], %broadcast_in_dim3A_1 {strides = array<i32>} : memref<40x128xf32, #tpu.memory_space<vmem>>, vector<16xf32>,
      %swap3A_139 = arith.index_cast %add3A_118 : i32 to index
      %swap3A_140 = arith.constant 112 : index
      %swap3A_141 = tpu.vector_load %arg15[%swap3A_139, %swap3A_140] {strides = array<i32>} : memref<40x128xf32, #tpu.memory_space<vmem>>, vector<16xf32>,
      tpu.vector_store %arg15[%swap3A_139, %swap3A_140], %broadcast_in_dim3A_1 {strides = array<i32>} : memref<40x128xf32, #tpu.memory_space<vmem>>, vector<16xf32>,
    }
    %scan3A_82 = arith.constant 40 : i32
    %scan3A_83 = arith.constant 0 : i32
    %scan3A_84 = arith.constant 16 : i32
    %scan3A_85 = arith.addi %scan3A_83, %scan3A_84 : i32
    %scan3A_86 = arith.constant 1 : i32
    scf.for %scan3A_114 = %scan3A_83 to %scan3A_85 step %scan3A_86  : i32 {
      %mul3A_115 = arith.constant 1 : i32
      %mul3A_116 = arith.muli %scan3A_114, %mul3A_115 : i32
      %add3A_117 = arith.constant 0 : i32
      %add3A_118 = arith.addi %add3A_117, %mul3A_116 : i32
      %mul3A_119 = arith.constant 40 : i32
      %mul3A_120 = arith.muli %add3A_118, %mul3A_119 : i32
      %add3A_121 = arith.addi %mul3A_0, %mul3A_120 : i32
      "tpu.region"() ({
        %run_scoped3A = tpu.sem_alloc : memref<!tpu.dma_semaphore, #tpu.memory_space<semaphore_mem>>
        %dma_start3A = arith.constant 0 : i32
        %dma_start3A_122 = arith.constant 0 : i32
        %dma_start3A_123 = tpu.memref_slice %arg15[%dma_start3A, %dma_start3A_122] : memref<40x128xf32, #tpu.memory_space<vmem>> -> memref<40x128xf32, #tpu.memory_space<vmem>>
        %dma_start3A_124 = arith.constant 0 : i32
        %dma_start3A_125 = tpu.memref_slice %arg18[%add3A_121, %dma_start3A_124] : memref<10240x128xf32, #tpu.memory_space<vmem_shared>> -> memref<40x128xf32, #tpu.memory_space<vmem_shared>>
        %dma_start3A_126 = arith.constant 0 : i32
        %dma_start3A_127 = tpu.memref_slice %arg18[%add3A_121, %dma_start3A_126] : memref<10240x128xf32, #tpu.memory_space<vmem_shared>> -> memref<40x128xf32, #tpu.memory_space<vmem_shared>>
        %dma_start3A_128 = arith.constant 0 : i32
        %dma_start3A_129 = arith.constant 0 : i32
        %dma_start3A_130 = tpu.memref_slice %arg15[%dma_start3A_128, %dma_start3A_129] : memref<40x128xf32, #tpu.memory_space<vmem>> -> memref<40x128xf32, #tpu.memory_space<vmem>>
        tpu.enqueue_dma source(%dma_start3A_130 : memref<40x128xf32, #tpu.memory_space<vmem>>) target(%dma_start3A_127 : memref<40x128xf32, #tpu.memory_space<vmem_shared>>) target_semaphore(%run_scoped3A : memref<!tpu.dma_semaphore, #tpu.memory_space<semaphore_mem>>)
        %dma_wait3A = arith.constant 0 : i32
        %dma_wait3A_131 = arith.constant 0 : i32
        %dma_wait3A_132 = tpu.memref_slice %arg15[%dma_wait3A, %dma_wait3A_131] : memref<40x128xf32, #tpu.memory_space<vmem>> -> memref<40x128xf32, #tpu.memory_space<vmem>>
        %dma_wait3A_133 = arith.constant 0 : i32
        %dma_wait3A_134 = tpu.memref_slice %arg18[%add3A_121, %dma_wait3A_133] : memref<10240x128xf32, #tpu.memory_space<vmem_shared>> -> memref<40x128xf32, #tpu.memory_space<vmem_shared>>
        %dma_wait3A_135 = arith.constant 0 : i32
        %dma_wait3A_136 = tpu.memref_slice %arg18[%add3A_121, %dma_wait3A_135] : memref<10240x128xf32, #tpu.memory_space<vmem_shared>> -> memref<40x128xf32, #tpu.memory_space<vmem_shared>>
        %dma_wait3A_137 = arith.constant 0 : i32
        %dma_wait3A_138 = arith.constant 0 : i32
        %dma_wait3A_139 = tpu.memref_slice %arg15[%dma_wait3A_137, %dma_wait3A_138] : memref<40x128xf32, #tpu.memory_space<vmem>> -> memref<40x128xf32, #tpu.memory_space<vmem>>
        tpu.wait_dma2 semaphore(%run_scoped3A : memref<!tpu.dma_semaphore, #tpu.memory_space<semaphore_mem>>) src(%dma_wait3A_139 : memref<40x128xf32, #tpu.memory_space<vmem>>) dst(%dma_wait3A_136 : memref<40x128xf32, #tpu.memory_space<vmem_shared>>)
        tpu.yield
      }) : () -> ()
    }
    %scan3A_87 = arith.constant 16 : i32
    %barrier3A_88 = arith.constant 0 : index
    tpu.barrier barrier_id(%barrier3A_88)
    %sub3A_89 = arith.constant 0 : i32
    %sub3A_90 = arith.subi %add3A_43, %sub3A_89 : i32
    %sub3A_91 = arith.constant 1 : i32
    %sub3A_92 = arith.constant 1 : i32
    %sub3A_93 = arith.subi %sub3A_91, %sub3A_92 : i32
    %add3A_94 = arith.addi %sub3A_90, %sub3A_93 : i32
    %div3A_95 = arith.constant 1 : i32
    %div3A_96 = arith.divsi %add3A_94, %div3A_95 : i32
    %while3A_97 = arith.constant 1 : i32
    %while3A_98 = arith.constant 0 : i32
    %while3A_99 = arith.constant 0 : i32
    %while3A_100 = arith.subi %div3A_96, %while3A_99 : i32
    %while3A_101 = arith.addi %while3A_99, %while3A_100 : i32
    %while3A_102 = arith.constant 1 : i32
    %while3A_103 = arith.divsi %while3A_100, %while3A_102 : i32
    %while3A_104 = arith.muli %while3A_103, %while3A_102 : i32
    %while3A_105 = arith.addi %while3A_99, %while3A_104 : i32
    %while3A_106 = arith.constant 1 : i32
    scf.for %while3A_114 = %while3A_99 to %while3A_105 step %while3A_106  : i32 {
      %mul3A_115 = arith.muli %while3A_114, %while3A_97 : i32
      %add3A_116 = arith.addi %while3A_98, %mul3A_115 : i32
      %mul3A_117 = arith.constant 16 : i32
      %mul3A_118 = arith.muli %add3A_116, %mul3A_117 : i32
      %add3A_119 = arith.addi %arg1, %mul3A_118 : i32
      %mul3A_120 = arith.constant 40 : i32
      %mul3A_121 = arith.muli %add3A_119, %mul3A_120 : i32
      "tpu.region"() ({
        %run_scoped3A = tpu.sem_alloc : memref<!tpu.dma_semaphore, #tpu.memory_space<semaphore_mem>>
        %dma_start3A = tpu.memref_slice %arg2[%mul3A_121] : memref<160000xi32, #tpu.memory_space<hbm>> -> memref<40xi32, #tpu.memory_space<hbm>>
        %dma_start3A_129 = tpu.memref_slice %arg2[%mul3A_121] : memref<160000xi32, #tpu.memory_space<hbm>> -> memref<40xi32, #tpu.memory_space<hbm>>
        tpu.enqueue_dma source(%dma_start3A_129 : memref<40xi32, #tpu.memory_space<hbm>>) target(%arg10 : memref<40xi32, #tpu.memory_space<vmem>>) target_semaphore(%run_scoped3A : memref<!tpu.dma_semaphore, #tpu.memory_space<semaphore_mem>>)
        %dma_wait3A = tpu.memref_slice %arg2[%mul3A_121] : memref<160000xi32, #tpu.memory_space<hbm>> -> memref<40xi32, #tpu.memory_space<hbm>>
        %dma_wait3A_130 = tpu.memref_slice %arg2[%mul3A_121] : memref<160000xi32, #tpu.memory_space<hbm>> -> memref<40xi32, #tpu.memory_space<hbm>>
        tpu.wait_dma2 semaphore(%run_scoped3A : memref<!tpu.dma_semaphore, #tpu.memory_space<semaphore_mem>>) src(%dma_wait3A_130 : memref<40xi32, #tpu.memory_space<hbm>>) dst(%arg10 : memref<40xi32, #tpu.memory_space<vmem>>)
        tpu.yield
      }) : () -> ()
      %mul3A_122 = arith.constant 16 : i32
      %mul3A_123 = arith.muli %mul3A_121, %mul3A_122 : i32
      "tpu.region"() ({
        %run_scoped3A = tpu.sem_alloc : memref<!tpu.dma_semaphore, #tpu.memory_space<semaphore_mem>>
        %dma_start3A = tpu.memref_slice %arg9[%mul3A_123] : memref<2560000xf32, #tpu.memory_space<hbm>> -> memref<640xf32, #tpu.memory_space<hbm>>
        %dma_start3A_129 = tpu.memref_slice %arg9[%mul3A_123] : memref<2560000xf32, #tpu.memory_space<hbm>> -> memref<640xf32, #tpu.memory_space<hbm>>
        tpu.enqueue_dma source(%dma_start3A_129 : memref<640xf32, #tpu.memory_space<hbm>>) target(%arg17 : memref<640xf32, #tpu.memory_space<vmem>>) target_semaphore(%run_scoped3A : memref<!tpu.dma_semaphore, #tpu.memory_space<semaphore_mem>>)
        %dma_wait3A = tpu.memref_slice %arg9[%mul3A_123] : memref<2560000xf32, #tpu.memory_space<hbm>> -> memref<640xf32, #tpu.memory_space<hbm>>
        %dma_wait3A_130 = tpu.memref_slice %arg9[%mul3A_123] : memref<2560000xf32, #tpu.memory_space<hbm>> -> memref<640xf32, #tpu.memory_space<hbm>>
        tpu.wait_dma2 semaphore(%run_scoped3A : memref<!tpu.dma_semaphore, #tpu.memory_space<semaphore_mem>>) src(%dma_wait3A_130 : memref<640xf32, #tpu.memory_space<hbm>>) dst(%arg17 : memref<640xf32, #tpu.memory_space<vmem>>)
        tpu.yield
      }) : () -> ()
      %scan3A_124 = arith.constant 0 : i32
      %scan3A_125 = arith.constant 40 : i32
      %scan3A_126 = arith.addi %scan3A_124, %scan3A_125 : i32
      %scan3A_127 = arith.constant 1 : i32
      scf.for %scan3A_129 = %scan3A_124 to %scan3A_126 step %scan3A_127  : i32 {
        %mul3A_130 = arith.constant 1 : i32
        %mul3A_131 = arith.muli %scan3A_129, %mul3A_130 : i32
        %add3A_132 = arith.constant 0 : i32
        %add3A_133 = arith.addi %add3A_132, %mul3A_131 : i32
        %mul3A_134 = arith.constant 16 : i32
        %mul3A_135 = arith.muli %add3A_133, %mul3A_134 : i32
        %get3A = arith.index_cast %mul3A_135 : i32 to index
        %get3A_136 = tpu.vector_load %arg17[%get3A] {strides = array<i32>} : memref<640xf32, #tpu.memory_space<vmem>>, vector<16xf32>,
        %swap3A = arith.index_cast %add3A_133 : i32 to index
        %swap3A_137 = arith.constant 0 : index
        %swap3A_138 = tpu.vector_load %arg16[%swap3A, %swap3A_137] {strides = array<i32>} : memref<40x128xf32, #tpu.memory_space<vmem>>, vector<16xf32>,
        tpu.vector_store %arg16[%swap3A, %swap3A_137], %get3A_136 {strides = array<i32>} : memref<40x128xf32, #tpu.memory_space<vmem>>, vector<16xf32>,
      }
      %scan3A_128 = arith.constant 40 : i32
      "tpu.region"() ({
        %run_scoped3A = tpu.sem_alloc : memref<!tpu.dma_semaphore, #tpu.memory_space<semaphore_mem>>
        %dma_start3A = arith.constant 0 : i32
        %dma_start3A_129 = arith.constant 0 : i32
        %dma_start3A_130 = tpu.memref_slice %arg18[%dma_start3A, %dma_start3A_129] : memref<10240x128xf32, #tpu.memory_space<vmem_shared>> -> memref<10240x128xf32, #tpu.memory_space<vmem_shared>>
        tpu.enqueue_indirect_dma source(%arg16 : memref<40x128xf32, #tpu.memory_space<vmem>>) target(%dma_start3A_130 : memref<10240x128xf32, #tpu.memory_space<vmem_shared>>) offsets(%arg10 : memref<40xi32, #tpu.memory_space<vmem>>) semaphore(%run_scoped3A : memref<!tpu.dma_semaphore, #tpu.memory_space<semaphore_mem>>) {add = true}
        %dma_wait3A = arith.constant 0 : i32
        %dma_wait3A_131 = arith.constant 0 : i32
        %dma_wait3A_132 = tpu.memref_slice %arg18[%dma_wait3A, %dma_wait3A_131] : memref<10240x128xf32, #tpu.memory_space<vmem_shared>> -> memref<10240x128xf32, #tpu.memory_space<vmem_shared>>
        tpu.wait_indirect_dma semaphore(%run_scoped3A : memref<!tpu.dma_semaphore, #tpu.memory_space<semaphore_mem>>) src(%arg16 : memref<40x128xf32, #tpu.memory_space<vmem>>) dst(%dma_wait3A_132 : memref<10240x128xf32, #tpu.memory_space<vmem_shared>>)
        tpu.yield
      }) : () -> ()
    }
    %while3A_107 = arith.constant 1 : i32
    scf.for %while3A_114 = %while3A_105 to %while3A_101 step %while3A_107  : i32 {
      %mul3A_115 = arith.muli %while3A_114, %while3A_97 : i32
      %add3A_116 = arith.addi %while3A_98, %mul3A_115 : i32
      %mul3A_117 = arith.constant 16 : i32
      %mul3A_118 = arith.muli %add3A_116, %mul3A_117 : i32
      %add3A_119 = arith.addi %arg1, %mul3A_118 : i32
      %mul3A_120 = arith.constant 40 : i32
      %mul3A_121 = arith.muli %add3A_119, %mul3A_120 : i32
      "tpu.region"() ({
        %run_scoped3A = tpu.sem_alloc : memref<!tpu.dma_semaphore, #tpu.memory_space<semaphore_mem>>
        %dma_start3A = tpu.memref_slice %arg2[%mul3A_121] : memref<160000xi32, #tpu.memory_space<hbm>> -> memref<40xi32, #tpu.memory_space<hbm>>
        %dma_start3A_129 = tpu.memref_slice %arg2[%mul3A_121] : memref<160000xi32, #tpu.memory_space<hbm>> -> memref<40xi32, #tpu.memory_space<hbm>>
        tpu.enqueue_dma source(%dma_start3A_129 : memref<40xi32, #tpu.memory_space<hbm>>) target(%arg10 : memref<40xi32, #tpu.memory_space<vmem>>) target_semaphore(%run_scoped3A : memref<!tpu.dma_semaphore, #tpu.memory_space<semaphore_mem>>)
        %dma_wait3A = tpu.memref_slice %arg2[%mul3A_121] : memref<160000xi32, #tpu.memory_space<hbm>> -> memref<40xi32, #tpu.memory_space<hbm>>
        %dma_wait3A_130 = tpu.memref_slice %arg2[%mul3A_121] : memref<160000xi32, #tpu.memory_space<hbm>> -> memref<40xi32, #tpu.memory_space<hbm>>
        tpu.wait_dma2 semaphore(%run_scoped3A : memref<!tpu.dma_semaphore, #tpu.memory_space<semaphore_mem>>) src(%dma_wait3A_130 : memref<40xi32, #tpu.memory_space<hbm>>) dst(%arg10 : memref<40xi32, #tpu.memory_space<vmem>>)
        tpu.yield
      }) : () -> ()
      %mul3A_122 = arith.constant 16 : i32
      %mul3A_123 = arith.muli %mul3A_121, %mul3A_122 : i32
      "tpu.region"() ({
        %run_scoped3A = tpu.sem_alloc : memref<!tpu.dma_semaphore, #tpu.memory_space<semaphore_mem>>
        %dma_start3A = tpu.memref_slice %arg9[%mul3A_123] : memref<2560000xf32, #tpu.memory_space<hbm>> -> memref<640xf32, #tpu.memory_space<hbm>>
        %dma_start3A_129 = tpu.memref_slice %arg9[%mul3A_123] : memref<2560000xf32, #tpu.memory_space<hbm>> -> memref<640xf32, #tpu.memory_space<hbm>>
        tpu.enqueue_dma source(%dma_start3A_129 : memref<640xf32, #tpu.memory_space<hbm>>) target(%arg17 : memref<640xf32, #tpu.memory_space<vmem>>) target_semaphore(%run_scoped3A : memref<!tpu.dma_semaphore, #tpu.memory_space<semaphore_mem>>)
        %dma_wait3A = tpu.memref_slice %arg9[%mul3A_123] : memref<2560000xf32, #tpu.memory_space<hbm>> -> memref<640xf32, #tpu.memory_space<hbm>>
        %dma_wait3A_130 = tpu.memref_slice %arg9[%mul3A_123] : memref<2560000xf32, #tpu.memory_space<hbm>> -> memref<640xf32, #tpu.memory_space<hbm>>
        tpu.wait_dma2 semaphore(%run_scoped3A : memref<!tpu.dma_semaphore, #tpu.memory_space<semaphore_mem>>) src(%dma_wait3A_130 : memref<640xf32, #tpu.memory_space<hbm>>) dst(%arg17 : memref<640xf32, #tpu.memory_space<vmem>>)
        tpu.yield
      }) : () -> ()
      %scan3A_124 = arith.constant 0 : i32
      %scan3A_125 = arith.constant 40 : i32
      %scan3A_126 = arith.addi %scan3A_124, %scan3A_125 : i32
      %scan3A_127 = arith.constant 1 : i32
      scf.for %scan3A_129 = %scan3A_124 to %scan3A_126 step %scan3A_127  : i32 {
        %mul3A_130 = arith.constant 1 : i32
        %mul3A_131 = arith.muli %scan3A_129, %mul3A_130 : i32
        %add3A_132 = arith.constant 0 : i32
        %add3A_133 = arith.addi %add3A_132, %mul3A_131 : i32
        %mul3A_134 = arith.constant 16 : i32
        %mul3A_135 = arith.muli %add3A_133, %mul3A_134 : i32
        %get3A = arith.index_cast %mul3A_135 : i32 to index
        %get3A_136 = tpu.vector_load %arg17[%get3A] {strides = array<i32>} : memref<640xf32, #tpu.memory_space<vmem>>, vector<16xf32>,
        %swap3A = arith.index_cast %add3A_133 : i32 to index
        %swap3A_137 = arith.constant 0 : index
        %swap3A_138 = tpu.vector_load %arg16[%swap3A, %swap3A_137] {strides = array<i32>} : memref<40x128xf32, #tpu.memory_space<vmem>>, vector<16xf32>,
        tpu.vector_store %arg16[%swap3A, %swap3A_137], %get3A_136 {strides = array<i32>} : memref<40x128xf32, #tpu.memory_space<vmem>>, vector<16xf32>,
      }
      %scan3A_128 = arith.constant 40 : i32
      "tpu.region"() ({
        %run_scoped3A = tpu.sem_alloc : memref<!tpu.dma_semaphore, #tpu.memory_space<semaphore_mem>>
        %dma_start3A = arith.constant 0 : i32
        %dma_start3A_129 = arith.constant 0 : i32
        %dma_start3A_130 = tpu.memref_slice %arg18[%dma_start3A, %dma_start3A_129] : memref<10240x128xf32, #tpu.memory_space<vmem_shared>> -> memref<10240x128xf32, #tpu.memory_space<vmem_shared>>
        tpu.enqueue_indirect_dma source(%arg16 : memref<40x128xf32, #tpu.memory_space<vmem>>) target(%dma_start3A_130 : memref<10240x128xf32, #tpu.memory_space<vmem_shared>>) offsets(%arg10 : memref<40xi32, #tpu.memory_space<vmem>>) semaphore(%run_scoped3A : memref<!tpu.dma_semaphore, #tpu.memory_space<semaphore_mem>>) {add = true}
        %dma_wait3A = arith.constant 0 : i32
        %dma_wait3A_131 = arith.constant 0 : i32
        %dma_wait3A_132 = tpu.memref_slice %arg18[%dma_wait3A, %dma_wait3A_131] : memref<10240x128xf32, #tpu.memory_space<vmem_shared>> -> memref<10240x128xf32, #tpu.memory_space<vmem_shared>>
        tpu.wait_indirect_dma semaphore(%run_scoped3A : memref<!tpu.dma_semaphore, #tpu.memory_space<semaphore_mem>>) src(%arg16 : memref<40x128xf32, #tpu.memory_space<vmem>>) dst(%dma_wait3A_132 : memref<10240x128xf32, #tpu.memory_space<vmem_shared>>)
        tpu.yield
      }) : () -> ()
    }
    %barrier3A_108 = arith.constant 0 : index
    tpu.barrier barrier_id(%barrier3A_108)
    %scan3A_109 = arith.constant 0 : i32
    %scan3A_110 = arith.constant 16 : i32
    %scan3A_111 = arith.addi %scan3A_109, %scan3A_110 : i32
    %scan3A_112 = arith.constant 1 : i32
    scf.for %scan3A_114 = %scan3A_109 to %scan3A_111 step %scan3A_112  : i32 {
      %mul3A_115 = arith.constant 1 : i32
      %mul3A_116 = arith.muli %scan3A_114, %mul3A_115 : i32
      %add3A_117 = arith.constant 0 : i32
      %add3A_118 = arith.addi %add3A_117, %mul3A_116 : i32
      %mul3A_119 = arith.constant 40 : i32
      %mul3A_120 = arith.muli %add3A_118, %mul3A_119 : i32
      %add3A_121 = arith.addi %mul3A_0, %mul3A_120 : i32
      "tpu.region"() ({
        %run_scoped3A = tpu.sem_alloc : memref<!tpu.dma_semaphore, #tpu.memory_space<semaphore_mem>>
        %dma_start3A = arith.constant 0 : i32
        %dma_start3A_122 = arith.constant 0 : i32
        %dma_start3A_123 = tpu.memref_slice %arg15[%dma_start3A, %dma_start3A_122] : memref<40x128xf32, #tpu.memory_space<vmem>> -> memref<40x128xf32, #tpu.memory_space<vmem>>
        %dma_start3A_124 = arith.constant 0 : i32
        %dma_start3A_125 = tpu.memref_slice %arg18[%add3A_121, %dma_start3A_124] : memref<10240x128xf32, #tpu.memory_space<vmem_shared>> -> memref<40x128xf32, #tpu.memory_space<vmem_shared>>
        %dma_start3A_126 = arith.constant 0 : i32
        %dma_start3A_127 = arith.constant 0 : i32
        %dma_start3A_128 = tpu.memref_slice %arg15[%dma_start3A_126, %dma_start3A_127] : memref<40x128xf32, #tpu.memory_space<vmem>> -> memref<40x128xf32, #tpu.memory_space<vmem>>
        %dma_start3A_129 = arith.constant 0 : i32
        %dma_start3A_130 = tpu.memref_slice %arg18[%add3A_121, %dma_start3A_129] : memref<10240x128xf32, #tpu.memory_space<vmem_shared>> -> memref<40x128xf32, #tpu.memory_space<vmem_shared>>
        tpu.enqueue_dma source(%dma_start3A_130 : memref<40x128xf32, #tpu.memory_space<vmem_shared>>) target(%dma_start3A_128 : memref<40x128xf32, #tpu.memory_space<vmem>>) target_semaphore(%run_scoped3A : memref<!tpu.dma_semaphore, #tpu.memory_space<semaphore_mem>>)
        %dma_wait3A = arith.constant 0 : i32
        %dma_wait3A_131 = arith.constant 0 : i32
        %dma_wait3A_132 = tpu.memref_slice %arg15[%dma_wait3A, %dma_wait3A_131] : memref<40x128xf32, #tpu.memory_space<vmem>> -> memref<40x128xf32, #tpu.memory_space<vmem>>
        %dma_wait3A_133 = arith.constant 0 : i32
        %dma_wait3A_134 = tpu.memref_slice %arg18[%add3A_121, %dma_wait3A_133] : memref<10240x128xf32, #tpu.memory_space<vmem_shared>> -> memref<40x128xf32, #tpu.memory_space<vmem_shared>>
        %dma_wait3A_135 = arith.constant 0 : i32
        %dma_wait3A_136 = arith.constant 0 : i32
        %dma_wait3A_137 = tpu.memref_slice %arg15[%dma_wait3A_135, %dma_wait3A_136] : memref<40x128xf32, #tpu.memory_space<vmem>> -> memref<40x128xf32, #tpu.memory_space<vmem>>
        %dma_wait3A_138 = arith.constant 0 : i32
        %dma_wait3A_139 = tpu.memref_slice %arg18[%add3A_121, %dma_wait3A_138] : memref<10240x128xf32, #tpu.memory_space<vmem_shared>> -> memref<40x128xf32, #tpu.memory_space<vmem_shared>>
        tpu.wait_dma2 semaphore(%run_scoped3A : memref<!tpu.dma_semaphore, #tpu.memory_space<semaphore_mem>>) src(%dma_wait3A_139 : memref<40x128xf32, #tpu.memory_space<vmem_shared>>) dst(%dma_wait3A_137 : memref<40x128xf32, #tpu.memory_space<vmem>>)
        tpu.yield
      }) : () -> ()
      "tpu.region"() ({
        %run_scoped3A = tpu.sem_alloc : memref<!tpu.dma_semaphore, #tpu.memory_space<semaphore_mem>>
        %dma_start3A = arith.constant 0 : i32
        %dma_start3A_122 = arith.constant 0 : i32
        %dma_start3A_123 = tpu.memref_slice %arg15[%dma_start3A, %dma_start3A_122] : memref<40x128xf32, #tpu.memory_space<vmem>> -> memref<40x128xf32, #tpu.memory_space<vmem>>
        %dma_start3A_124 = arith.constant 0 : i32
        %dma_start3A_125 = tpu.memref_slice %arg8[%add3A_121, %dma_start3A_124] : memref<10240x128xf32, #tpu.memory_space<hbm>> -> memref<40x128xf32, #tpu.memory_space<hbm>>
        %dma_start3A_126 = arith.constant 0 : i32
        %dma_start3A_127 = tpu.memref_slice %arg8[%add3A_121, %dma_start3A_126] : memref<10240x128xf32, #tpu.memory_space<hbm>> -> memref<40x128xf32, #tpu.memory_space<hbm>>
        %dma_start3A_128 = arith.constant 0 : i32
        %dma_start3A_129 = arith.constant 0 : i32
        %dma_start3A_130 = tpu.memref_slice %arg15[%dma_start3A_128, %dma_start3A_129] : memref<40x128xf32, #tpu.memory_space<vmem>> -> memref<40x128xf32, #tpu.memory_space<vmem>>
        tpu.enqueue_dma source(%dma_start3A_130 : memref<40x128xf32, #tpu.memory_space<vmem>>) target(%dma_start3A_127 : memref<40x128xf32, #tpu.memory_space<hbm>>) target_semaphore(%run_scoped3A : memref<!tpu.dma_semaphore, #tpu.memory_space<semaphore_mem>>)
        %dma_wait3A = arith.constant 0 : i32
        %dma_wait3A_131 = arith.constant 0 : i32
        %dma_wait3A_132 = tpu.memref_slice %arg15[%dma_wait3A, %dma_wait3A_131] : memref<40x128xf32, #tpu.memory_space<vmem>> -> memref<40x128xf32, #tpu.memory_space<vmem>>
        %dma_wait3A_133 = arith.constant 0 : i32
        %dma_wait3A_134 = tpu.memref_slice %arg8[%add3A_121, %dma_wait3A_133] : memref<10240x128xf32, #tpu.memory_space<hbm>> -> memref<40x128xf32, #tpu.memory_space<hbm>>
        %dma_wait3A_135 = arith.constant 0 : i32
        %dma_wait3A_136 = tpu.memref_slice %arg8[%add3A_121, %dma_wait3A_135] : memref<10240x128xf32, #tpu.memory_space<hbm>> -> memref<40x128xf32, #tpu.memory_space<hbm>>
        %dma_wait3A_137 = arith.constant 0 : i32
        %dma_wait3A_138 = arith.constant 0 : i32
        %dma_wait3A_139 = tpu.memref_slice %arg15[%dma_wait3A_137, %dma_wait3A_138] : memref<40x128xf32, #tpu.memory_space<vmem>> -> memref<40x128xf32, #tpu.memory_space<vmem>>
        tpu.wait_dma2 semaphore(%run_scoped3A : memref<!tpu.dma_semaphore, #tpu.memory_space<semaphore_mem>>) src(%dma_wait3A_139 : memref<40x128xf32, #tpu.memory_space<vmem>>) dst(%dma_wait3A_136 : memref<40x128xf32, #tpu.memory_space<hbm>>)
        tpu.yield
      }) : () -> ()
    }
    %scan3A_113 = arith.constant 16 : i32
    return
  }
}

module attributes {stable_mosaic.version = 14 : i64} {
  func.func @_proj_body(%arg0: i32, %arg1: memref<1000x1xi32, #tpu.memory_space<vmem>>, %arg2: memref<1000x128xf32, #tpu.memory_space<vmem>>, %arg3: memref<4x128x128xf32, #tpu.memory_space<vmem>>, %arg4: memref<4x128xf32, #tpu.memory_space<vmem>>, %arg5: memref<4x128x128xf32, #tpu.memory_space<vmem>>, %arg6: memref<4x128xf32, #tpu.memory_space<vmem>>, %arg7: memref<4x128x128xf32, #tpu.memory_space<vmem>>, %arg8: memref<4x128xf32, #tpu.memory_space<vmem>>, %arg9: memref<8x128x128xf32, #tpu.memory_space<vmem>>, %arg10: memref<8x128x128xf32, #tpu.memory_space<vmem>>, %arg11: memref<1000x128xf32, #tpu.memory_space<vmem>>, %arg12: memref<8x1000x128xf32, #tpu.memory_space<vmem>>, %arg13: memref<8x1000x128xf32, #tpu.memory_space<vmem>>) attributes {dimension_semantics = [#tpu.dimension_semantics<arbitrary>], iteration_bounds = array<i64: 10>, scalar_prefetch = 0 : i64, scratch_operands = 0 : i64, tpu.core_type = #tpu.core_type<tc>, window_params = [{transform_indices = @transform_0, window_bounds = array<i64: 1000, 1>}, {transform_indices = @transform_1, window_bounds = array<i64: 1000, 128>}, {pipeline_mode = #tpu.pipeline_mode<synchronous>, transform_indices = @transform_2, window_bounds = array<i64: 4, 128, 128>}, {pipeline_mode = #tpu.pipeline_mode<synchronous>, transform_indices = @transform_3, window_bounds = array<i64: 4, 128>}, {pipeline_mode = #tpu.pipeline_mode<synchronous>, transform_indices = @transform_4, window_bounds = array<i64: 4, 128, 128>}, {pipeline_mode = #tpu.pipeline_mode<synchronous>, transform_indices = @transform_5, window_bounds = array<i64: 4, 128>}, {pipeline_mode = #tpu.pipeline_mode<synchronous>, transform_indices = @transform_6, window_bounds = array<i64: 4, 128, 128>}, {pipeline_mode = #tpu.pipeline_mode<synchronous>, transform_indices = @transform_7, window_bounds = array<i64: 4, 128>}, {pipeline_mode = #tpu.pipeline_mode<synchronous>, transform_indices = @transform_8, window_bounds = array<i64: 8, 128, 128>}, {pipeline_mode = #tpu.pipeline_mode<synchronous>, transform_indices = @transform_9, window_bounds = array<i64: 8, 128, 128>}, {transform_indices = @transform_10, window_bounds = array<i64: 1000, 128>}, {transform_indices = @transform_11, window_bounds = array<i64: 8, 1000, 128>}, {transform_indices = @transform_12, window_bounds = array<i64: 8, 1000, 128>}]} {
    %get3A = arith.constant 0 : index
    %get3A_0 = arith.constant 0 : index
    %get3A_1 = vector.load %arg2[%get3A, %get3A_0] : memref<1000x128xf32, #tpu.memory_space<vmem>>, vector<1000x128xf32>
    %get3A_2 = arith.constant 0 : index
    %get3A_3 = arith.constant 0 : index
    %get3A_4 = vector.load %arg1[%get3A_2, %get3A_3] : memref<1000x1xi32, #tpu.memory_space<vmem>>, vector<1000x1xi32>
    %get3A_5 = arith.constant 0 : index
    %get3A_6 = arith.constant 0 : index
    %get3A_7 = arith.constant 0 : index
    %get3A_8 = vector.load %arg3[%get3A_5, %get3A_6, %get3A_7] : memref<4x128x128xf32, #tpu.memory_space<vmem>>, vector<1x128x128xf32>
    %get3A_9 = vector.shape_cast %get3A_8 : vector<1x128x128xf32> to vector<128x128xf32>
    %dot_general3A = arith.constant dense<0.000000e+00> : vector<1000x128xf32>
    %dot_general3A_10 = tpu.matmul %get3A_1, %get3A_9, %dot_general3A {dimension_numbers = #tpu.dot_dimension_numbers<[1], [0], [0], [1], [0, 0, 1, 1], [], []>, transpose_lhs_hint = false} : vector<1000x128xf32>, vector<128x128xf32>, vector<1000x128xf32> -> vector<1000x128xf32>
    %get3A_11 = arith.constant 0 : index
    %get3A_12 = arith.constant 0 : index
    %get3A_13 = vector.load %arg4[%get3A_11, %get3A_12] : memref<4x128xf32, #tpu.memory_space<vmem>>, vector<1x128xf32>
    %get3A_14 = vector.shape_cast %get3A_13 : vector<1x128xf32> to vector<128xf32>
    %broadcast_in_dim3A = vector.shape_cast %get3A_14 : vector<128xf32> to vector<1x128xf32>
    %add3A = vector.broadcast %broadcast_in_dim3A : vector<1x128xf32> to vector<1000x128xf32>
    %add3A_15 = arith.addf %dot_general3A_10, %add3A : vector<1000x128xf32>
    %get3A_16 = arith.constant 1 : index
    %get3A_17 = arith.constant 0 : index
    %get3A_18 = arith.constant 0 : index
    %get3A_19 = vector.load %arg3[%get3A_16, %get3A_17, %get3A_18] : memref<4x128x128xf32, #tpu.memory_space<vmem>>, vector<1x128x128xf32>
    %get3A_20 = vector.shape_cast %get3A_19 : vector<1x128x128xf32> to vector<128x128xf32>
    %dot_general3A_21 = arith.constant dense<0.000000e+00> : vector<1000x128xf32>
    %dot_general3A_22 = tpu.matmul %get3A_1, %get3A_20, %dot_general3A_21 {dimension_numbers = #tpu.dot_dimension_numbers<[1], [0], [0], [1], [0, 0, 1, 1], [], []>, transpose_lhs_hint = false} : vector<1000x128xf32>, vector<128x128xf32>, vector<1000x128xf32> -> vector<1000x128xf32>
    %get3A_23 = arith.constant 1 : index
    %get3A_24 = arith.constant 0 : index
    %get3A_25 = vector.load %arg4[%get3A_23, %get3A_24] : memref<4x128xf32, #tpu.memory_space<vmem>>, vector<1x128xf32>
    %get3A_26 = vector.shape_cast %get3A_25 : vector<1x128xf32> to vector<128xf32>
    %broadcast_in_dim3A_27 = vector.shape_cast %get3A_26 : vector<128xf32> to vector<1x128xf32>
    %add3A_28 = vector.broadcast %broadcast_in_dim3A_27 : vector<1x128xf32> to vector<1000x128xf32>
    %add3A_29 = arith.addf %dot_general3A_22, %add3A_28 : vector<1000x128xf32>
    %eq3A = arith.constant 1 : i32
    %eq3A_30 = vector.broadcast %eq3A : i32 to vector<1000x1xi32>
    %eq3A_31 = arith.cmpi eq, %get3A_4, %eq3A_30 : vector<1000x1xi32>
    %broadcast_in_dim3A_32 = vector.shape_cast %eq3A_31 : vector<1000x1xi1> to vector<1000x1xi1>
    %broadcast_in_dim3A_33 = vector.broadcast %broadcast_in_dim3A_32 : vector<1000x1xi1> to vector<1000x128xi1>
    %select_n3A = arith.select %broadcast_in_dim3A_33, %add3A_29, %add3A_15 : vector<1000x128xi1>, vector<1000x128xf32>
    %get3A_34 = arith.constant 2 : index
    %get3A_35 = arith.constant 0 : index
    %get3A_36 = arith.constant 0 : index
    %get3A_37 = vector.load %arg3[%get3A_34, %get3A_35, %get3A_36] : memref<4x128x128xf32, #tpu.memory_space<vmem>>, vector<1x128x128xf32>
    %get3A_38 = vector.shape_cast %get3A_37 : vector<1x128x128xf32> to vector<128x128xf32>
    %dot_general3A_39 = arith.constant dense<0.000000e+00> : vector<1000x128xf32>
    %dot_general3A_40 = tpu.matmul %get3A_1, %get3A_38, %dot_general3A_39 {dimension_numbers = #tpu.dot_dimension_numbers<[1], [0], [0], [1], [0, 0, 1, 1], [], []>, transpose_lhs_hint = false} : vector<1000x128xf32>, vector<128x128xf32>, vector<1000x128xf32> -> vector<1000x128xf32>
    %get3A_41 = arith.constant 2 : index
    %get3A_42 = arith.constant 0 : index
    %get3A_43 = vector.load %arg4[%get3A_41, %get3A_42] : memref<4x128xf32, #tpu.memory_space<vmem>>, vector<1x128xf32>
    %get3A_44 = vector.shape_cast %get3A_43 : vector<1x128xf32> to vector<128xf32>
    %broadcast_in_dim3A_45 = vector.shape_cast %get3A_44 : vector<128xf32> to vector<1x128xf32>
    %add3A_46 = vector.broadcast %broadcast_in_dim3A_45 : vector<1x128xf32> to vector<1000x128xf32>
    %add3A_47 = arith.addf %dot_general3A_40, %add3A_46 : vector<1000x128xf32>
    %eq3A_48 = arith.constant 2 : i32
    %eq3A_49 = vector.broadcast %eq3A_48 : i32 to vector<1000x1xi32>
    %eq3A_50 = arith.cmpi eq, %get3A_4, %eq3A_49 : vector<1000x1xi32>
    %broadcast_in_dim3A_51 = vector.shape_cast %eq3A_50 : vector<1000x1xi1> to vector<1000x1xi1>
    %broadcast_in_dim3A_52 = vector.broadcast %broadcast_in_dim3A_51 : vector<1000x1xi1> to vector<1000x128xi1>
    %select_n3A_53 = arith.select %broadcast_in_dim3A_52, %add3A_47, %select_n3A : vector<1000x128xi1>, vector<1000x128xf32>
    %get3A_54 = arith.constant 3 : index
    %get3A_55 = arith.constant 0 : index
    %get3A_56 = arith.constant 0 : index
    %get3A_57 = vector.load %arg3[%get3A_54, %get3A_55, %get3A_56] : memref<4x128x128xf32, #tpu.memory_space<vmem>>, vector<1x128x128xf32>
    %get3A_58 = vector.shape_cast %get3A_57 : vector<1x128x128xf32> to vector<128x128xf32>
    %dot_general3A_59 = arith.constant dense<0.000000e+00> : vector<1000x128xf32>
    %dot_general3A_60 = tpu.matmul %get3A_1, %get3A_58, %dot_general3A_59 {dimension_numbers = #tpu.dot_dimension_numbers<[1], [0], [0], [1], [0, 0, 1, 1], [], []>, transpose_lhs_hint = false} : vector<1000x128xf32>, vector<128x128xf32>, vector<1000x128xf32> -> vector<1000x128xf32>
    %get3A_61 = arith.constant 3 : index
    %get3A_62 = arith.constant 0 : index
    %get3A_63 = vector.load %arg4[%get3A_61, %get3A_62] : memref<4x128xf32, #tpu.memory_space<vmem>>, vector<1x128xf32>
    %get3A_64 = vector.shape_cast %get3A_63 : vector<1x128xf32> to vector<128xf32>
    %broadcast_in_dim3A_65 = vector.shape_cast %get3A_64 : vector<128xf32> to vector<1x128xf32>
    %add3A_66 = vector.broadcast %broadcast_in_dim3A_65 : vector<1x128xf32> to vector<1000x128xf32>
    %add3A_67 = arith.addf %dot_general3A_60, %add3A_66 : vector<1000x128xf32>
    %eq3A_68 = arith.constant 3 : i32
    %eq3A_69 = vector.broadcast %eq3A_68 : i32 to vector<1000x1xi32>
    %eq3A_70 = arith.cmpi eq, %get3A_4, %eq3A_69 : vector<1000x1xi32>
    %broadcast_in_dim3A_71 = vector.shape_cast %eq3A_70 : vector<1000x1xi1> to vector<1000x1xi1>
    %broadcast_in_dim3A_72 = vector.broadcast %broadcast_in_dim3A_71 : vector<1000x1xi1> to vector<1000x128xi1>
    %select_n3A_73 = arith.select %broadcast_in_dim3A_72, %add3A_67, %select_n3A_53 : vector<1000x128xi1>, vector<1000x128xf32>
    %get3A_74 = arith.constant 0 : index
    %get3A_75 = arith.constant 0 : index
    %get3A_76 = arith.constant 0 : index
    %get3A_77 = vector.load %arg5[%get3A_74, %get3A_75, %get3A_76] : memref<4x128x128xf32, #tpu.memory_space<vmem>>, vector<1x128x128xf32>
    %get3A_78 = vector.shape_cast %get3A_77 : vector<1x128x128xf32> to vector<128x128xf32>
    %dot_general3A_79 = arith.constant dense<0.000000e+00> : vector<1000x128xf32>
    %dot_general3A_80 = tpu.matmul %get3A_1, %get3A_78, %dot_general3A_79 {dimension_numbers = #tpu.dot_dimension_numbers<[1], [0], [0], [1], [0, 0, 1, 1], [], []>, transpose_lhs_hint = false} : vector<1000x128xf32>, vector<128x128xf32>, vector<1000x128xf32> -> vector<1000x128xf32>
    %get3A_81 = arith.constant 0 : index
    %get3A_82 = arith.constant 0 : index
    %get3A_83 = vector.load %arg6[%get3A_81, %get3A_82] : memref<4x128xf32, #tpu.memory_space<vmem>>, vector<1x128xf32>
    %get3A_84 = vector.shape_cast %get3A_83 : vector<1x128xf32> to vector<128xf32>
    %broadcast_in_dim3A_85 = vector.shape_cast %get3A_84 : vector<128xf32> to vector<1x128xf32>
    %add3A_86 = vector.broadcast %broadcast_in_dim3A_85 : vector<1x128xf32> to vector<1000x128xf32>
    %add3A_87 = arith.addf %dot_general3A_80, %add3A_86 : vector<1000x128xf32>
    %get3A_88 = arith.constant 1 : index
    %get3A_89 = arith.constant 0 : index
    %get3A_90 = arith.constant 0 : index
    %get3A_91 = vector.load %arg5[%get3A_88, %get3A_89, %get3A_90] : memref<4x128x128xf32, #tpu.memory_space<vmem>>, vector<1x128x128xf32>
    %get3A_92 = vector.shape_cast %get3A_91 : vector<1x128x128xf32> to vector<128x128xf32>
    %dot_general3A_93 = arith.constant dense<0.000000e+00> : vector<1000x128xf32>
    %dot_general3A_94 = tpu.matmul %get3A_1, %get3A_92, %dot_general3A_93 {dimension_numbers = #tpu.dot_dimension_numbers<[1], [0], [0], [1], [0, 0, 1, 1], [], []>, transpose_lhs_hint = false} : vector<1000x128xf32>, vector<128x128xf32>, vector<1000x128xf32> -> vector<1000x128xf32>
    %get3A_95 = arith.constant 1 : index
    %get3A_96 = arith.constant 0 : index
    %get3A_97 = vector.load %arg6[%get3A_95, %get3A_96] : memref<4x128xf32, #tpu.memory_space<vmem>>, vector<1x128xf32>
    %get3A_98 = vector.shape_cast %get3A_97 : vector<1x128xf32> to vector<128xf32>
    %broadcast_in_dim3A_99 = vector.shape_cast %get3A_98 : vector<128xf32> to vector<1x128xf32>
    %add3A_100 = vector.broadcast %broadcast_in_dim3A_99 : vector<1x128xf32> to vector<1000x128xf32>
    %add3A_101 = arith.addf %dot_general3A_94, %add3A_100 : vector<1000x128xf32>
    %eq3A_102 = arith.constant 1 : i32
    %eq3A_103 = vector.broadcast %eq3A_102 : i32 to vector<1000x1xi32>
    %eq3A_104 = arith.cmpi eq, %get3A_4, %eq3A_103 : vector<1000x1xi32>
    %broadcast_in_dim3A_105 = vector.shape_cast %eq3A_104 : vector<1000x1xi1> to vector<1000x1xi1>
    %broadcast_in_dim3A_106 = vector.broadcast %broadcast_in_dim3A_105 : vector<1000x1xi1> to vector<1000x128xi1>
    %select_n3A_107 = arith.select %broadcast_in_dim3A_106, %add3A_101, %add3A_87 : vector<1000x128xi1>, vector<1000x128xf32>
    %get3A_108 = arith.constant 2 : index
    %get3A_109 = arith.constant 0 : index
    %get3A_110 = arith.constant 0 : index
    %get3A_111 = vector.load %arg5[%get3A_108, %get3A_109, %get3A_110] : memref<4x128x128xf32, #tpu.memory_space<vmem>>, vector<1x128x128xf32>
    %get3A_112 = vector.shape_cast %get3A_111 : vector<1x128x128xf32> to vector<128x128xf32>
    %dot_general3A_113 = arith.constant dense<0.000000e+00> : vector<1000x128xf32>
    %dot_general3A_114 = tpu.matmul %get3A_1, %get3A_112, %dot_general3A_113 {dimension_numbers = #tpu.dot_dimension_numbers<[1], [0], [0], [1], [0, 0, 1, 1], [], []>, transpose_lhs_hint = false} : vector<1000x128xf32>, vector<128x128xf32>, vector<1000x128xf32> -> vector<1000x128xf32>
    %get3A_115 = arith.constant 2 : index
    %get3A_116 = arith.constant 0 : index
    %get3A_117 = vector.load %arg6[%get3A_115, %get3A_116] : memref<4x128xf32, #tpu.memory_space<vmem>>, vector<1x128xf32>
    %get3A_118 = vector.shape_cast %get3A_117 : vector<1x128xf32> to vector<128xf32>
    %broadcast_in_dim3A_119 = vector.shape_cast %get3A_118 : vector<128xf32> to vector<1x128xf32>
    %add3A_120 = vector.broadcast %broadcast_in_dim3A_119 : vector<1x128xf32> to vector<1000x128xf32>
    %add3A_121 = arith.addf %dot_general3A_114, %add3A_120 : vector<1000x128xf32>
    %eq3A_122 = arith.constant 2 : i32
    %eq3A_123 = vector.broadcast %eq3A_122 : i32 to vector<1000x1xi32>
    %eq3A_124 = arith.cmpi eq, %get3A_4, %eq3A_123 : vector<1000x1xi32>
    %broadcast_in_dim3A_125 = vector.shape_cast %eq3A_124 : vector<1000x1xi1> to vector<1000x1xi1>
    %broadcast_in_dim3A_126 = vector.broadcast %broadcast_in_dim3A_125 : vector<1000x1xi1> to vector<1000x128xi1>
    %select_n3A_127 = arith.select %broadcast_in_dim3A_126, %add3A_121, %select_n3A_107 : vector<1000x128xi1>, vector<1000x128xf32>
    %get3A_128 = arith.constant 3 : index
    %get3A_129 = arith.constant 0 : index
    %get3A_130 = arith.constant 0 : index
    %get3A_131 = vector.load %arg5[%get3A_128, %get3A_129, %get3A_130] : memref<4x128x128xf32, #tpu.memory_space<vmem>>, vector<1x128x128xf32>
    %get3A_132 = vector.shape_cast %get3A_131 : vector<1x128x128xf32> to vector<128x128xf32>
    %dot_general3A_133 = arith.constant dense<0.000000e+00> : vector<1000x128xf32>
    %dot_general3A_134 = tpu.matmul %get3A_1, %get3A_132, %dot_general3A_133 {dimension_numbers = #tpu.dot_dimension_numbers<[1], [0], [0], [1], [0, 0, 1, 1], [], []>, transpose_lhs_hint = false} : vector<1000x128xf32>, vector<128x128xf32>, vector<1000x128xf32> -> vector<1000x128xf32>
    %get3A_135 = arith.constant 3 : index
    %get3A_136 = arith.constant 0 : index
    %get3A_137 = vector.load %arg6[%get3A_135, %get3A_136] : memref<4x128xf32, #tpu.memory_space<vmem>>, vector<1x128xf32>
    %get3A_138 = vector.shape_cast %get3A_137 : vector<1x128xf32> to vector<128xf32>
    %broadcast_in_dim3A_139 = vector.shape_cast %get3A_138 : vector<128xf32> to vector<1x128xf32>
    %add3A_140 = vector.broadcast %broadcast_in_dim3A_139 : vector<1x128xf32> to vector<1000x128xf32>
    %add3A_141 = arith.addf %dot_general3A_134, %add3A_140 : vector<1000x128xf32>
    %eq3A_142 = arith.constant 3 : i32
    %eq3A_143 = vector.broadcast %eq3A_142 : i32 to vector<1000x1xi32>
    %eq3A_144 = arith.cmpi eq, %get3A_4, %eq3A_143 : vector<1000x1xi32>
    %broadcast_in_dim3A_145 = vector.shape_cast %eq3A_144 : vector<1000x1xi1> to vector<1000x1xi1>
    %broadcast_in_dim3A_146 = vector.broadcast %broadcast_in_dim3A_145 : vector<1000x1xi1> to vector<1000x128xi1>
    %select_n3A_147 = arith.select %broadcast_in_dim3A_146, %add3A_141, %select_n3A_127 : vector<1000x128xi1>, vector<1000x128xf32>
    %get3A_148 = arith.constant 0 : index
    %get3A_149 = arith.constant 0 : index
    %get3A_150 = arith.constant 0 : index
    %get3A_151 = vector.load %arg7[%get3A_148, %get3A_149, %get3A_150] : memref<4x128x128xf32, #tpu.memory_space<vmem>>, vector<1x128x128xf32>
    %get3A_152 = vector.shape_cast %get3A_151 : vector<1x128x128xf32> to vector<128x128xf32>
    %dot_general3A_153 = arith.constant dense<0.000000e+00> : vector<1000x128xf32>
    %dot_general3A_154 = tpu.matmul %get3A_1, %get3A_152, %dot_general3A_153 {dimension_numbers = #tpu.dot_dimension_numbers<[1], [0], [0], [1], [0, 0, 1, 1], [], []>, transpose_lhs_hint = false} : vector<1000x128xf32>, vector<128x128xf32>, vector<1000x128xf32> -> vector<1000x128xf32>
    %get3A_155 = arith.constant 0 : index
    %get3A_156 = arith.constant 0 : index
    %get3A_157 = vector.load %arg8[%get3A_155, %get3A_156] : memref<4x128xf32, #tpu.memory_space<vmem>>, vector<1x128xf32>
    %get3A_158 = vector.shape_cast %get3A_157 : vector<1x128xf32> to vector<128xf32>
    %broadcast_in_dim3A_159 = vector.shape_cast %get3A_158 : vector<128xf32> to vector<1x128xf32>
    %add3A_160 = vector.broadcast %broadcast_in_dim3A_159 : vector<1x128xf32> to vector<1000x128xf32>
    %add3A_161 = arith.addf %dot_general3A_154, %add3A_160 : vector<1000x128xf32>
    %get3A_162 = arith.constant 1 : index
    %get3A_163 = arith.constant 0 : index
    %get3A_164 = arith.constant 0 : index
    %get3A_165 = vector.load %arg7[%get3A_162, %get3A_163, %get3A_164] : memref<4x128x128xf32, #tpu.memory_space<vmem>>, vector<1x128x128xf32>
    %get3A_166 = vector.shape_cast %get3A_165 : vector<1x128x128xf32> to vector<128x128xf32>
    %dot_general3A_167 = arith.constant dense<0.000000e+00> : vector<1000x128xf32>
    %dot_general3A_168 = tpu.matmul %get3A_1, %get3A_166, %dot_general3A_167 {dimension_numbers = #tpu.dot_dimension_numbers<[1], [0], [0], [1], [0, 0, 1, 1], [], []>, transpose_lhs_hint = false} : vector<1000x128xf32>, vector<128x128xf32>, vector<1000x128xf32> -> vector<1000x128xf32>
    %get3A_169 = arith.constant 1 : index
    %get3A_170 = arith.constant 0 : index
    %get3A_171 = vector.load %arg8[%get3A_169, %get3A_170] : memref<4x128xf32, #tpu.memory_space<vmem>>, vector<1x128xf32>
    %get3A_172 = vector.shape_cast %get3A_171 : vector<1x128xf32> to vector<128xf32>
    %broadcast_in_dim3A_173 = vector.shape_cast %get3A_172 : vector<128xf32> to vector<1x128xf32>
    %add3A_174 = vector.broadcast %broadcast_in_dim3A_173 : vector<1x128xf32> to vector<1000x128xf32>
    %add3A_175 = arith.addf %dot_general3A_168, %add3A_174 : vector<1000x128xf32>
    %eq3A_176 = arith.constant 1 : i32
    %eq3A_177 = vector.broadcast %eq3A_176 : i32 to vector<1000x1xi32>
    %eq3A_178 = arith.cmpi eq, %get3A_4, %eq3A_177 : vector<1000x1xi32>
    %broadcast_in_dim3A_179 = vector.shape_cast %eq3A_178 : vector<1000x1xi1> to vector<1000x1xi1>
    %broadcast_in_dim3A_180 = vector.broadcast %broadcast_in_dim3A_179 : vector<1000x1xi1> to vector<1000x128xi1>
    %select_n3A_181 = arith.select %broadcast_in_dim3A_180, %add3A_175, %add3A_161 : vector<1000x128xi1>, vector<1000x128xf32>
    %get3A_182 = arith.constant 2 : index
    %get3A_183 = arith.constant 0 : index
    %get3A_184 = arith.constant 0 : index
    %get3A_185 = vector.load %arg7[%get3A_182, %get3A_183, %get3A_184] : memref<4x128x128xf32, #tpu.memory_space<vmem>>, vector<1x128x128xf32>
    %get3A_186 = vector.shape_cast %get3A_185 : vector<1x128x128xf32> to vector<128x128xf32>
    %dot_general3A_187 = arith.constant dense<0.000000e+00> : vector<1000x128xf32>
    %dot_general3A_188 = tpu.matmul %get3A_1, %get3A_186, %dot_general3A_187 {dimension_numbers = #tpu.dot_dimension_numbers<[1], [0], [0], [1], [0, 0, 1, 1], [], []>, transpose_lhs_hint = false} : vector<1000x128xf32>, vector<128x128xf32>, vector<1000x128xf32> -> vector<1000x128xf32>
    %get3A_189 = arith.constant 2 : index
    %get3A_190 = arith.constant 0 : index
    %get3A_191 = vector.load %arg8[%get3A_189, %get3A_190] : memref<4x128xf32, #tpu.memory_space<vmem>>, vector<1x128xf32>
    %get3A_192 = vector.shape_cast %get3A_191 : vector<1x128xf32> to vector<128xf32>
    %broadcast_in_dim3A_193 = vector.shape_cast %get3A_192 : vector<128xf32> to vector<1x128xf32>
    %add3A_194 = vector.broadcast %broadcast_in_dim3A_193 : vector<1x128xf32> to vector<1000x128xf32>
    %add3A_195 = arith.addf %dot_general3A_188, %add3A_194 : vector<1000x128xf32>
    %eq3A_196 = arith.constant 2 : i32
    %eq3A_197 = vector.broadcast %eq3A_196 : i32 to vector<1000x1xi32>
    %eq3A_198 = arith.cmpi eq, %get3A_4, %eq3A_197 : vector<1000x1xi32>
    %broadcast_in_dim3A_199 = vector.shape_cast %eq3A_198 : vector<1000x1xi1> to vector<1000x1xi1>
    %broadcast_in_dim3A_200 = vector.broadcast %broadcast_in_dim3A_199 : vector<1000x1xi1> to vector<1000x128xi1>
    %select_n3A_201 = arith.select %broadcast_in_dim3A_200, %add3A_195, %select_n3A_181 : vector<1000x128xi1>, vector<1000x128xf32>
    %get3A_202 = arith.constant 3 : index
    %get3A_203 = arith.constant 0 : index
    %get3A_204 = arith.constant 0 : index
    %get3A_205 = vector.load %arg7[%get3A_202, %get3A_203, %get3A_204] : memref<4x128x128xf32, #tpu.memory_space<vmem>>, vector<1x128x128xf32>
    %get3A_206 = vector.shape_cast %get3A_205 : vector<1x128x128xf32> to vector<128x128xf32>
    %dot_general3A_207 = arith.constant dense<0.000000e+00> : vector<1000x128xf32>
    %dot_general3A_208 = tpu.matmul %get3A_1, %get3A_206, %dot_general3A_207 {dimension_numbers = #tpu.dot_dimension_numbers<[1], [0], [0], [1], [0, 0, 1, 1], [], []>, transpose_lhs_hint = false} : vector<1000x128xf32>, vector<128x128xf32>, vector<1000x128xf32> -> vector<1000x128xf32>
    %get3A_209 = arith.constant 3 : index
    %get3A_210 = arith.constant 0 : index
    %get3A_211 = vector.load %arg8[%get3A_209, %get3A_210] : memref<4x128xf32, #tpu.memory_space<vmem>>, vector<1x128xf32>
    %get3A_212 = vector.shape_cast %get3A_211 : vector<1x128xf32> to vector<128xf32>
    %broadcast_in_dim3A_213 = vector.shape_cast %get3A_212 : vector<128xf32> to vector<1x128xf32>
    %add3A_214 = vector.broadcast %broadcast_in_dim3A_213 : vector<1x128xf32> to vector<1000x128xf32>
    %add3A_215 = arith.addf %dot_general3A_208, %add3A_214 : vector<1000x128xf32>
    %eq3A_216 = arith.constant 3 : i32
    %eq3A_217 = vector.broadcast %eq3A_216 : i32 to vector<1000x1xi32>
    %eq3A_218 = arith.cmpi eq, %get3A_4, %eq3A_217 : vector<1000x1xi32>
    %broadcast_in_dim3A_219 = vector.shape_cast %eq3A_218 : vector<1000x1xi1> to vector<1000x1xi1>
    %broadcast_in_dim3A_220 = vector.broadcast %broadcast_in_dim3A_219 : vector<1000x1xi1> to vector<1000x128xi1>
    %select_n3A_221 = arith.select %broadcast_in_dim3A_220, %add3A_215, %select_n3A_201 : vector<1000x128xi1>, vector<1000x128xf32>
    %swap3A = arith.constant 0 : index
    %swap3A_222 = arith.constant 0 : index
    %swap3A_223 = vector.load %arg11[%swap3A, %swap3A_222] : memref<1000x128xf32, #tpu.memory_space<vmem>>, vector<1000x128xf32>
    tpu.vector_store %arg11[%swap3A, %swap3A_222], %select_n3A_147 {strides = array<i32>} : memref<1000x128xf32, #tpu.memory_space<vmem>>, vector<1000x128xf32>,
    %get3A_224 = arith.constant 0 : index
    %get3A_225 = arith.constant 0 : index
    %get3A_226 = arith.constant 0 : index
    %get3A_227 = vector.load %arg9[%get3A_224, %get3A_225, %get3A_226] : memref<8x128x128xf32, #tpu.memory_space<vmem>>, vector<1x128x128xf32>
    %get3A_228 = vector.shape_cast %get3A_227 : vector<1x128x128xf32> to vector<128x128xf32>
    %dot_general3A_229 = arith.constant dense<0.000000e+00> : vector<1000x128xf32>
    %dot_general3A_230 = tpu.matmul %select_n3A_73, %get3A_228, %dot_general3A_229 {dimension_numbers = #tpu.dot_dimension_numbers<[1], [0], [0], [1], [0, 0, 1, 1], [], []>, transpose_lhs_hint = false} : vector<1000x128xf32>, vector<128x128xf32>, vector<1000x128xf32> -> vector<1000x128xf32>
    %swap3A_231 = arith.constant 0 : index
    %swap3A_232 = arith.constant 0 : index
    %swap3A_233 = arith.constant 0 : index
    %swap3A_234 = vector.load %arg12[%swap3A_231, %swap3A_232, %swap3A_233] : memref<8x1000x128xf32, #tpu.memory_space<vmem>>, vector<1x1000x128xf32>
    %swap3A_235 = vector.shape_cast %swap3A_234 : vector<1x1000x128xf32> to vector<1000x128xf32>
    %swap3A_236 = vector.shape_cast %dot_general3A_230 : vector<1000x128xf32> to vector<1x1000x128xf32>
    tpu.vector_store %arg12[%swap3A_231, %swap3A_232, %swap3A_233], %swap3A_236 {strides = array<i32>} : memref<8x1000x128xf32, #tpu.memory_space<vmem>>, vector<1x1000x128xf32>,
    %get3A_237 = arith.constant 0 : index
    %get3A_238 = arith.constant 0 : index
    %get3A_239 = arith.constant 0 : index
    %get3A_240 = vector.load %arg10[%get3A_237, %get3A_238, %get3A_239] : memref<8x128x128xf32, #tpu.memory_space<vmem>>, vector<1x128x128xf32>
    %get3A_241 = vector.shape_cast %get3A_240 : vector<1x128x128xf32> to vector<128x128xf32>
    %dot_general3A_242 = arith.constant dense<0.000000e+00> : vector<1000x128xf32>
    %dot_general3A_243 = tpu.matmul %select_n3A_221, %get3A_241, %dot_general3A_242 {dimension_numbers = #tpu.dot_dimension_numbers<[1], [0], [0], [1], [0, 0, 1, 1], [], []>, transpose_lhs_hint = false} : vector<1000x128xf32>, vector<128x128xf32>, vector<1000x128xf32> -> vector<1000x128xf32>
    %swap3A_244 = arith.constant 0 : index
    %swap3A_245 = arith.constant 0 : index
    %swap3A_246 = arith.constant 0 : index
    %swap3A_247 = vector.load %arg13[%swap3A_244, %swap3A_245, %swap3A_246] : memref<8x1000x128xf32, #tpu.memory_space<vmem>>, vector<1x1000x128xf32>
    %swap3A_248 = vector.shape_cast %swap3A_247 : vector<1x1000x128xf32> to vector<1000x128xf32>
    %swap3A_249 = vector.shape_cast %dot_general3A_243 : vector<1000x128xf32> to vector<1x1000x128xf32>
    tpu.vector_store %arg13[%swap3A_244, %swap3A_245, %swap3A_246], %swap3A_249 {strides = array<i32>} : memref<8x1000x128xf32, #tpu.memory_space<vmem>>, vector<1x1000x128xf32>,
    %get3A_250 = arith.constant 1 : index
    %get3A_251 = arith.constant 0 : index
    %get3A_252 = arith.constant 0 : index
    %get3A_253 = vector.load %arg9[%get3A_250, %get3A_251, %get3A_252] : memref<8x128x128xf32, #tpu.memory_space<vmem>>, vector<1x128x128xf32>
    %get3A_254 = vector.shape_cast %get3A_253 : vector<1x128x128xf32> to vector<128x128xf32>
    %dot_general3A_255 = arith.constant dense<0.000000e+00> : vector<1000x128xf32>
    %dot_general3A_256 = tpu.matmul %select_n3A_73, %get3A_254, %dot_general3A_255 {dimension_numbers = #tpu.dot_dimension_numbers<[1], [0], [0], [1], [0, 0, 1, 1], [], []>, transpose_lhs_hint = false} : vector<1000x128xf32>, vector<128x128xf32>, vector<1000x128xf32> -> vector<1000x128xf32>
    %swap3A_257 = arith.constant 1 : index
    %swap3A_258 = arith.constant 0 : index
    %swap3A_259 = arith.constant 0 : index
    %swap3A_260 = vector.load %arg12[%swap3A_257, %swap3A_258, %swap3A_259] : memref<8x1000x128xf32, #tpu.memory_space<vmem>>, vector<1x1000x128xf32>
    %swap3A_261 = vector.shape_cast %swap3A_260 : vector<1x1000x128xf32> to vector<1000x128xf32>
    %swap3A_262 = vector.shape_cast %dot_general3A_256 : vector<1000x128xf32> to vector<1x1000x128xf32>
    tpu.vector_store %arg12[%swap3A_257, %swap3A_258, %swap3A_259], %swap3A_262 {strides = array<i32>} : memref<8x1000x128xf32, #tpu.memory_space<vmem>>, vector<1x1000x128xf32>,
    %get3A_263 = arith.constant 1 : index
    %get3A_264 = arith.constant 0 : index
    %get3A_265 = arith.constant 0 : index
    %get3A_266 = vector.load %arg10[%get3A_263, %get3A_264, %get3A_265] : memref<8x128x128xf32, #tpu.memory_space<vmem>>, vector<1x128x128xf32>
    %get3A_267 = vector.shape_cast %get3A_266 : vector<1x128x128xf32> to vector<128x128xf32>
    %dot_general3A_268 = arith.constant dense<0.000000e+00> : vector<1000x128xf32>
    %dot_general3A_269 = tpu.matmul %select_n3A_221, %get3A_267, %dot_general3A_268 {dimension_numbers = #tpu.dot_dimension_numbers<[1], [0], [0], [1], [0, 0, 1, 1], [], []>, transpose_lhs_hint = false} : vector<1000x128xf32>, vector<128x128xf32>, vector<1000x128xf32> -> vector<1000x128xf32>
    %swap3A_270 = arith.constant 1 : index
    %swap3A_271 = arith.constant 0 : index
    %swap3A_272 = arith.constant 0 : index
    %swap3A_273 = vector.load %arg13[%swap3A_270, %swap3A_271, %swap3A_272] : memref<8x1000x128xf32, #tpu.memory_space<vmem>>, vector<1x1000x128xf32>
    %swap3A_274 = vector.shape_cast %swap3A_273 : vector<1x1000x128xf32> to vector<1000x128xf32>
    %swap3A_275 = vector.shape_cast %dot_general3A_269 : vector<1000x128xf32> to vector<1x1000x128xf32>
    tpu.vector_store %arg13[%swap3A_270, %swap3A_271, %swap3A_272], %swap3A_275 {strides = array<i32>} : memref<8x1000x128xf32, #tpu.memory_space<vmem>>, vector<1x1000x128xf32>,
    %get3A_276 = arith.constant 2 : index
    %get3A_277 = arith.constant 0 : index
    %get3A_278 = arith.constant 0 : index
    %get3A_279 = vector.load %arg9[%get3A_276, %get3A_277, %get3A_278] : memref<8x128x128xf32, #tpu.memory_space<vmem>>, vector<1x128x128xf32>
    %get3A_280 = vector.shape_cast %get3A_279 : vector<1x128x128xf32> to vector<128x128xf32>
    %dot_general3A_281 = arith.constant dense<0.000000e+00> : vector<1000x128xf32>
    %dot_general3A_282 = tpu.matmul %select_n3A_73, %get3A_280, %dot_general3A_281 {dimension_numbers = #tpu.dot_dimension_numbers<[1], [0], [0], [1], [0, 0, 1, 1], [], []>, transpose_lhs_hint = false} : vector<1000x128xf32>, vector<128x128xf32>, vector<1000x128xf32> -> vector<1000x128xf32>
    %swap3A_283 = arith.constant 2 : index
    %swap3A_284 = arith.constant 0 : index
    %swap3A_285 = arith.constant 0 : index
    %swap3A_286 = vector.load %arg12[%swap3A_283, %swap3A_284, %swap3A_285] : memref<8x1000x128xf32, #tpu.memory_space<vmem>>, vector<1x1000x128xf32>
    %swap3A_287 = vector.shape_cast %swap3A_286 : vector<1x1000x128xf32> to vector<1000x128xf32>
    %swap3A_288 = vector.shape_cast %dot_general3A_282 : vector<1000x128xf32> to vector<1x1000x128xf32>
    tpu.vector_store %arg12[%swap3A_283, %swap3A_284, %swap3A_285], %swap3A_288 {strides = array<i32>} : memref<8x1000x128xf32, #tpu.memory_space<vmem>>, vector<1x1000x128xf32>,
    %get3A_289 = arith.constant 2 : index
    %get3A_290 = arith.constant 0 : index
    %get3A_291 = arith.constant 0 : index
    %get3A_292 = vector.load %arg10[%get3A_289, %get3A_290, %get3A_291] : memref<8x128x128xf32, #tpu.memory_space<vmem>>, vector<1x128x128xf32>
    %get3A_293 = vector.shape_cast %get3A_292 : vector<1x128x128xf32> to vector<128x128xf32>
    %dot_general3A_294 = arith.constant dense<0.000000e+00> : vector<1000x128xf32>
    %dot_general3A_295 = tpu.matmul %select_n3A_221, %get3A_293, %dot_general3A_294 {dimension_numbers = #tpu.dot_dimension_numbers<[1], [0], [0], [1], [0, 0, 1, 1], [], []>, transpose_lhs_hint = false} : vector<1000x128xf32>, vector<128x128xf32>, vector<1000x128xf32> -> vector<1000x128xf32>
    %swap3A_296 = arith.constant 2 : index
    %swap3A_297 = arith.constant 0 : index
    %swap3A_298 = arith.constant 0 : index
    %swap3A_299 = vector.load %arg13[%swap3A_296, %swap3A_297, %swap3A_298] : memref<8x1000x128xf32, #tpu.memory_space<vmem>>, vector<1x1000x128xf32>
    %swap3A_300 = vector.shape_cast %swap3A_299 : vector<1x1000x128xf32> to vector<1000x128xf32>
    %swap3A_301 = vector.shape_cast %dot_general3A_295 : vector<1000x128xf32> to vector<1x1000x128xf32>
    tpu.vector_store %arg13[%swap3A_296, %swap3A_297, %swap3A_298], %swap3A_301 {strides = array<i32>} : memref<8x1000x128xf32, #tpu.memory_space<vmem>>, vector<1x1000x128xf32>,
    %get3A_302 = arith.constant 3 : index
    %get3A_303 = arith.constant 0 : index
    %get3A_304 = arith.constant 0 : index
    %get3A_305 = vector.load %arg9[%get3A_302, %get3A_303, %get3A_304] : memref<8x128x128xf32, #tpu.memory_space<vmem>>, vector<1x128x128xf32>
    %get3A_306 = vector.shape_cast %get3A_305 : vector<1x128x128xf32> to vector<128x128xf32>
    %dot_general3A_307 = arith.constant dense<0.000000e+00> : vector<1000x128xf32>
    %dot_general3A_308 = tpu.matmul %select_n3A_73, %get3A_306, %dot_general3A_307 {dimension_numbers = #tpu.dot_dimension_numbers<[1], [0], [0], [1], [0, 0, 1, 1], [], []>, transpose_lhs_hint = false} : vector<1000x128xf32>, vector<128x128xf32>, vector<1000x128xf32> -> vector<1000x128xf32>
    %swap3A_309 = arith.constant 3 : index
    %swap3A_310 = arith.constant 0 : index
    %swap3A_311 = arith.constant 0 : index
    %swap3A_312 = vector.load %arg12[%swap3A_309, %swap3A_310, %swap3A_311] : memref<8x1000x128xf32, #tpu.memory_space<vmem>>, vector<1x1000x128xf32>
    %swap3A_313 = vector.shape_cast %swap3A_312 : vector<1x1000x128xf32> to vector<1000x128xf32>
    %swap3A_314 = vector.shape_cast %dot_general3A_308 : vector<1000x128xf32> to vector<1x1000x128xf32>
    tpu.vector_store %arg12[%swap3A_309, %swap3A_310, %swap3A_311], %swap3A_314 {strides = array<i32>} : memref<8x1000x128xf32, #tpu.memory_space<vmem>>, vector<1x1000x128xf32>,
    %get3A_315 = arith.constant 3 : index
    %get3A_316 = arith.constant 0 : index
    %get3A_317 = arith.constant 0 : index
    %get3A_318 = vector.load %arg10[%get3A_315, %get3A_316, %get3A_317] : memref<8x128x128xf32, #tpu.memory_space<vmem>>, vector<1x128x128xf32>
    %get3A_319 = vector.shape_cast %get3A_318 : vector<1x128x128xf32> to vector<128x128xf32>
    %dot_general3A_320 = arith.constant dense<0.000000e+00> : vector<1000x128xf32>
    %dot_general3A_321 = tpu.matmul %select_n3A_221, %get3A_319, %dot_general3A_320 {dimension_numbers = #tpu.dot_dimension_numbers<[1], [0], [0], [1], [0, 0, 1, 1], [], []>, transpose_lhs_hint = false} : vector<1000x128xf32>, vector<128x128xf32>, vector<1000x128xf32> -> vector<1000x128xf32>
    %swap3A_322 = arith.constant 3 : index
    %swap3A_323 = arith.constant 0 : index
    %swap3A_324 = arith.constant 0 : index
    %swap3A_325 = vector.load %arg13[%swap3A_322, %swap3A_323, %swap3A_324] : memref<8x1000x128xf32, #tpu.memory_space<vmem>>, vector<1x1000x128xf32>
    %swap3A_326 = vector.shape_cast %swap3A_325 : vector<1x1000x128xf32> to vector<1000x128xf32>
    %swap3A_327 = vector.shape_cast %dot_general3A_321 : vector<1000x128xf32> to vector<1x1000x128xf32>
    tpu.vector_store %arg13[%swap3A_322, %swap3A_323, %swap3A_324], %swap3A_327 {strides = array<i32>} : memref<8x1000x128xf32, #tpu.memory_space<vmem>>, vector<1x1000x128xf32>,
    %get3A_328 = arith.constant 4 : index
    %get3A_329 = arith.constant 0 : index
    %get3A_330 = arith.constant 0 : index
    %get3A_331 = vector.load %arg9[%get3A_328, %get3A_329, %get3A_330] : memref<8x128x128xf32, #tpu.memory_space<vmem>>, vector<1x128x128xf32>
    %get3A_332 = vector.shape_cast %get3A_331 : vector<1x128x128xf32> to vector<128x128xf32>
    %dot_general3A_333 = arith.constant dense<0.000000e+00> : vector<1000x128xf32>
    %dot_general3A_334 = tpu.matmul %select_n3A_73, %get3A_332, %dot_general3A_333 {dimension_numbers = #tpu.dot_dimension_numbers<[1], [0], [0], [1], [0, 0, 1, 1], [], []>, transpose_lhs_hint = false} : vector<1000x128xf32>, vector<128x128xf32>, vector<1000x128xf32> -> vector<1000x128xf32>
    %swap3A_335 = arith.constant 4 : index
    %swap3A_336 = arith.constant 0 : index
    %swap3A_337 = arith.constant 0 : index
    %swap3A_338 = vector.load %arg12[%swap3A_335, %swap3A_336, %swap3A_337] : memref<8x1000x128xf32, #tpu.memory_space<vmem>>, vector<1x1000x128xf32>
    %swap3A_339 = vector.shape_cast %swap3A_338 : vector<1x1000x128xf32> to vector<1000x128xf32>
    %swap3A_340 = vector.shape_cast %dot_general3A_334 : vector<1000x128xf32> to vector<1x1000x128xf32>
    tpu.vector_store %arg12[%swap3A_335, %swap3A_336, %swap3A_337], %swap3A_340 {strides = array<i32>} : memref<8x1000x128xf32, #tpu.memory_space<vmem>>, vector<1x1000x128xf32>,
    %get3A_341 = arith.constant 4 : index
    %get3A_342 = arith.constant 0 : index
    %get3A_343 = arith.constant 0 : index
    %get3A_344 = vector.load %arg10[%get3A_341, %get3A_342, %get3A_343] : memref<8x128x128xf32, #tpu.memory_space<vmem>>, vector<1x128x128xf32>
    %get3A_345 = vector.shape_cast %get3A_344 : vector<1x128x128xf32> to vector<128x128xf32>
    %dot_general3A_346 = arith.constant dense<0.000000e+00> : vector<1000x128xf32>
    %dot_general3A_347 = tpu.matmul %select_n3A_221, %get3A_345, %dot_general3A_346 {dimension_numbers = #tpu.dot_dimension_numbers<[1], [0], [0], [1], [0, 0, 1, 1], [], []>, transpose_lhs_hint = false} : vector<1000x128xf32>, vector<128x128xf32>, vector<1000x128xf32> -> vector<1000x128xf32>
    %swap3A_348 = arith.constant 4 : index
    %swap3A_349 = arith.constant 0 : index
    %swap3A_350 = arith.constant 0 : index
    %swap3A_351 = vector.load %arg13[%swap3A_348, %swap3A_349, %swap3A_350] : memref<8x1000x128xf32, #tpu.memory_space<vmem>>, vector<1x1000x128xf32>
    %swap3A_352 = vector.shape_cast %swap3A_351 : vector<1x1000x128xf32> to vector<1000x128xf32>
    %swap3A_353 = vector.shape_cast %dot_general3A_347 : vector<1000x128xf32> to vector<1x1000x128xf32>
    tpu.vector_store %arg13[%swap3A_348, %swap3A_349, %swap3A_350], %swap3A_353 {strides = array<i32>} : memref<8x1000x128xf32, #tpu.memory_space<vmem>>, vector<1x1000x128xf32>,
    %get3A_354 = arith.constant 5 : index
    %get3A_355 = arith.constant 0 : index
    %get3A_356 = arith.constant 0 : index
    %get3A_357 = vector.load %arg9[%get3A_354, %get3A_355, %get3A_356] : memref<8x128x128xf32, #tpu.memory_space<vmem>>, vector<1x128x128xf32>
    %get3A_358 = vector.shape_cast %get3A_357 : vector<1x128x128xf32> to vector<128x128xf32>
    %dot_general3A_359 = arith.constant dense<0.000000e+00> : vector<1000x128xf32>
    %dot_general3A_360 = tpu.matmul %select_n3A_73, %get3A_358, %dot_general3A_359 {dimension_numbers = #tpu.dot_dimension_numbers<[1], [0], [0], [1], [0, 0, 1, 1], [], []>, transpose_lhs_hint = false} : vector<1000x128xf32>, vector<128x128xf32>, vector<1000x128xf32> -> vector<1000x128xf32>
    %swap3A_361 = arith.constant 5 : index
    %swap3A_362 = arith.constant 0 : index
    %swap3A_363 = arith.constant 0 : index
    %swap3A_364 = vector.load %arg12[%swap3A_361, %swap3A_362, %swap3A_363] : memref<8x1000x128xf32, #tpu.memory_space<vmem>>, vector<1x1000x128xf32>
    %swap3A_365 = vector.shape_cast %swap3A_364 : vector<1x1000x128xf32> to vector<1000x128xf32>
    %swap3A_366 = vector.shape_cast %dot_general3A_360 : vector<1000x128xf32> to vector<1x1000x128xf32>
    tpu.vector_store %arg12[%swap3A_361, %swap3A_362, %swap3A_363], %swap3A_366 {strides = array<i32>} : memref<8x1000x128xf32, #tpu.memory_space<vmem>>, vector<1x1000x128xf32>,
    %get3A_367 = arith.constant 5 : index
    %get3A_368 = arith.constant 0 : index
    %get3A_369 = arith.constant 0 : index
    %get3A_370 = vector.load %arg10[%get3A_367, %get3A_368, %get3A_369] : memref<8x128x128xf32, #tpu.memory_space<vmem>>, vector<1x128x128xf32>
    %get3A_371 = vector.shape_cast %get3A_370 : vector<1x128x128xf32> to vector<128x128xf32>
    %dot_general3A_372 = arith.constant dense<0.000000e+00> : vector<1000x128xf32>
    %dot_general3A_373 = tpu.matmul %select_n3A_221, %get3A_371, %dot_general3A_372 {dimension_numbers = #tpu.dot_dimension_numbers<[1], [0], [0], [1], [0, 0, 1, 1], [], []>, transpose_lhs_hint = false} : vector<1000x128xf32>, vector<128x128xf32>, vector<1000x128xf32> -> vector<1000x128xf32>
    %swap3A_374 = arith.constant 5 : index
    %swap3A_375 = arith.constant 0 : index
    %swap3A_376 = arith.constant 0 : index
    %swap3A_377 = vector.load %arg13[%swap3A_374, %swap3A_375, %swap3A_376] : memref<8x1000x128xf32, #tpu.memory_space<vmem>>, vector<1x1000x128xf32>
    %swap3A_378 = vector.shape_cast %swap3A_377 : vector<1x1000x128xf32> to vector<1000x128xf32>
    %swap3A_379 = vector.shape_cast %dot_general3A_373 : vector<1000x128xf32> to vector<1x1000x128xf32>
    tpu.vector_store %arg13[%swap3A_374, %swap3A_375, %swap3A_376], %swap3A_379 {strides = array<i32>} : memref<8x1000x128xf32, #tpu.memory_space<vmem>>, vector<1x1000x128xf32>,
    %get3A_380 = arith.constant 6 : index
    %get3A_381 = arith.constant 0 : index
    %get3A_382 = arith.constant 0 : index
    %get3A_383 = vector.load %arg9[%get3A_380, %get3A_381, %get3A_382] : memref<8x128x128xf32, #tpu.memory_space<vmem>>, vector<1x128x128xf32>
    %get3A_384 = vector.shape_cast %get3A_383 : vector<1x128x128xf32> to vector<128x128xf32>
    %dot_general3A_385 = arith.constant dense<0.000000e+00> : vector<1000x128xf32>
    %dot_general3A_386 = tpu.matmul %select_n3A_73, %get3A_384, %dot_general3A_385 {dimension_numbers = #tpu.dot_dimension_numbers<[1], [0], [0], [1], [0, 0, 1, 1], [], []>, transpose_lhs_hint = false} : vector<1000x128xf32>, vector<128x128xf32>, vector<1000x128xf32> -> vector<1000x128xf32>
    %swap3A_387 = arith.constant 6 : index
    %swap3A_388 = arith.constant 0 : index
    %swap3A_389 = arith.constant 0 : index
    %swap3A_390 = vector.load %arg12[%swap3A_387, %swap3A_388, %swap3A_389] : memref<8x1000x128xf32, #tpu.memory_space<vmem>>, vector<1x1000x128xf32>
    %swap3A_391 = vector.shape_cast %swap3A_390 : vector<1x1000x128xf32> to vector<1000x128xf32>
    %swap3A_392 = vector.shape_cast %dot_general3A_386 : vector<1000x128xf32> to vector<1x1000x128xf32>
    tpu.vector_store %arg12[%swap3A_387, %swap3A_388, %swap3A_389], %swap3A_392 {strides = array<i32>} : memref<8x1000x128xf32, #tpu.memory_space<vmem>>, vector<1x1000x128xf32>,
    %get3A_393 = arith.constant 6 : index
    %get3A_394 = arith.constant 0 : index
    %get3A_395 = arith.constant 0 : index
    %get3A_396 = vector.load %arg10[%get3A_393, %get3A_394, %get3A_395] : memref<8x128x128xf32, #tpu.memory_space<vmem>>, vector<1x128x128xf32>
    %get3A_397 = vector.shape_cast %get3A_396 : vector<1x128x128xf32> to vector<128x128xf32>
    %dot_general3A_398 = arith.constant dense<0.000000e+00> : vector<1000x128xf32>
    %dot_general3A_399 = tpu.matmul %select_n3A_221, %get3A_397, %dot_general3A_398 {dimension_numbers = #tpu.dot_dimension_numbers<[1], [0], [0], [1], [0, 0, 1, 1], [], []>, transpose_lhs_hint = false} : vector<1000x128xf32>, vector<128x128xf32>, vector<1000x128xf32> -> vector<1000x128xf32>
    %swap3A_400 = arith.constant 6 : index
    %swap3A_401 = arith.constant 0 : index
    %swap3A_402 = arith.constant 0 : index
    %swap3A_403 = vector.load %arg13[%swap3A_400, %swap3A_401, %swap3A_402] : memref<8x1000x128xf32, #tpu.memory_space<vmem>>, vector<1x1000x128xf32>
    %swap3A_404 = vector.shape_cast %swap3A_403 : vector<1x1000x128xf32> to vector<1000x128xf32>
    %swap3A_405 = vector.shape_cast %dot_general3A_399 : vector<1000x128xf32> to vector<1x1000x128xf32>
    tpu.vector_store %arg13[%swap3A_400, %swap3A_401, %swap3A_402], %swap3A_405 {strides = array<i32>} : memref<8x1000x128xf32, #tpu.memory_space<vmem>>, vector<1x1000x128xf32>,
    %get3A_406 = arith.constant 7 : index
    %get3A_407 = arith.constant 0 : index
    %get3A_408 = arith.constant 0 : index
    %get3A_409 = vector.load %arg9[%get3A_406, %get3A_407, %get3A_408] : memref<8x128x128xf32, #tpu.memory_space<vmem>>, vector<1x128x128xf32>
    %get3A_410 = vector.shape_cast %get3A_409 : vector<1x128x128xf32> to vector<128x128xf32>
    %dot_general3A_411 = arith.constant dense<0.000000e+00> : vector<1000x128xf32>
    %dot_general3A_412 = tpu.matmul %select_n3A_73, %get3A_410, %dot_general3A_411 {dimension_numbers = #tpu.dot_dimension_numbers<[1], [0], [0], [1], [0, 0, 1, 1], [], []>, transpose_lhs_hint = false} : vector<1000x128xf32>, vector<128x128xf32>, vector<1000x128xf32> -> vector<1000x128xf32>
    %swap3A_413 = arith.constant 7 : index
    %swap3A_414 = arith.constant 0 : index
    %swap3A_415 = arith.constant 0 : index
    %swap3A_416 = vector.load %arg12[%swap3A_413, %swap3A_414, %swap3A_415] : memref<8x1000x128xf32, #tpu.memory_space<vmem>>, vector<1x1000x128xf32>
    %swap3A_417 = vector.shape_cast %swap3A_416 : vector<1x1000x128xf32> to vector<1000x128xf32>
    %swap3A_418 = vector.shape_cast %dot_general3A_412 : vector<1000x128xf32> to vector<1x1000x128xf32>
    tpu.vector_store %arg12[%swap3A_413, %swap3A_414, %swap3A_415], %swap3A_418 {strides = array<i32>} : memref<8x1000x128xf32, #tpu.memory_space<vmem>>, vector<1x1000x128xf32>,
    %get3A_419 = arith.constant 7 : index
    %get3A_420 = arith.constant 0 : index
    %get3A_421 = arith.constant 0 : index
    %get3A_422 = vector.load %arg10[%get3A_419, %get3A_420, %get3A_421] : memref<8x128x128xf32, #tpu.memory_space<vmem>>, vector<1x128x128xf32>
    %get3A_423 = vector.shape_cast %get3A_422 : vector<1x128x128xf32> to vector<128x128xf32>
    %dot_general3A_424 = arith.constant dense<0.000000e+00> : vector<1000x128xf32>
    %dot_general3A_425 = tpu.matmul %select_n3A_221, %get3A_423, %dot_general3A_424 {dimension_numbers = #tpu.dot_dimension_numbers<[1], [0], [0], [1], [0, 0, 1, 1], [], []>, transpose_lhs_hint = false} : vector<1000x128xf32>, vector<128x128xf32>, vector<1000x128xf32> -> vector<1000x128xf32>
    %swap3A_426 = arith.constant 7 : index
    %swap3A_427 = arith.constant 0 : index
    %swap3A_428 = arith.constant 0 : index
    %swap3A_429 = vector.load %arg13[%swap3A_426, %swap3A_427, %swap3A_428] : memref<8x1000x128xf32, #tpu.memory_space<vmem>>, vector<1x1000x128xf32>
    %swap3A_430 = vector.shape_cast %swap3A_429 : vector<1x1000x128xf32> to vector<1000x128xf32>
    %swap3A_431 = vector.shape_cast %dot_general3A_425 : vector<1000x128xf32> to vector<1x1000x128xf32>
    tpu.vector_store %arg13[%swap3A_426, %swap3A_427, %swap3A_428], %swap3A_431 {strides = array<i32>} : memref<8x1000x128xf32, #tpu.memory_space<vmem>>, vector<1x1000x128xf32>,
    return
  }
  func.func @transform_0(%arg0: i32) -> (i32, i32) {
    %c0_i32 = arith.constant 0 : i32
    %c0_i32_0 = arith.constant 0 : i32
    return %arg0, %c0_i32 : i32, i32
  }
  func.func @transform_1(%arg0: i32) -> (i32, i32) {
    %c0_i32 = arith.constant 0 : i32
    %c0_i32_0 = arith.constant 0 : i32
    return %arg0, %c0_i32 : i32, i32
  }
  func.func @transform_2(%arg0: i32) -> (i32, i32, i32) {
    %c0_i32 = arith.constant 0 : i32
    %c0_i32_0 = arith.constant 0 : i32
    %c0_i32_1 = arith.constant 0 : i32
    %c0_i32_2 = arith.constant 0 : i32
    return %c0_i32, %c0_i32_0, %c0_i32_1 : i32, i32, i32
  }
  func.func @transform_3(%arg0: i32) -> (i32, i32) {
    %c0_i32 = arith.constant 0 : i32
    %c0_i32_0 = arith.constant 0 : i32
    %c0_i32_1 = arith.constant 0 : i32
    return %c0_i32, %c0_i32_0 : i32, i32
  }
  func.func @transform_4(%arg0: i32) -> (i32, i32, i32) {
    %c0_i32 = arith.constant 0 : i32
    %c0_i32_0 = arith.constant 0 : i32
    %c0_i32_1 = arith.constant 0 : i32
    %c0_i32_2 = arith.constant 0 : i32
    return %c0_i32, %c0_i32_0, %c0_i32_1 : i32, i32, i32
  }
  func.func @transform_5(%arg0: i32) -> (i32, i32) {
    %c0_i32 = arith.constant 0 : i32
    %c0_i32_0 = arith.constant 0 : i32
    %c0_i32_1 = arith.constant 0 : i32
    return %c0_i32, %c0_i32_0 : i32, i32
  }
  func.func @transform_6(%arg0: i32) -> (i32, i32, i32) {
    %c0_i32 = arith.constant 0 : i32
    %c0_i32_0 = arith.constant 0 : i32
    %c0_i32_1 = arith.constant 0 : i32
    %c0_i32_2 = arith.constant 0 : i32
    return %c0_i32, %c0_i32_0, %c0_i32_1 : i32, i32, i32
  }
  func.func @transform_7(%arg0: i32) -> (i32, i32) {
    %c0_i32 = arith.constant 0 : i32
    %c0_i32_0 = arith.constant 0 : i32
    %c0_i32_1 = arith.constant 0 : i32
    return %c0_i32, %c0_i32_0 : i32, i32
  }
  func.func @transform_8(%arg0: i32) -> (i32, i32, i32) {
    %c0_i32 = arith.constant 0 : i32
    %c0_i32_0 = arith.constant 0 : i32
    %c0_i32_1 = arith.constant 0 : i32
    %c0_i32_2 = arith.constant 0 : i32
    return %c0_i32, %c0_i32_0, %c0_i32_1 : i32, i32, i32
  }
  func.func @transform_9(%arg0: i32) -> (i32, i32, i32) {
    %c0_i32 = arith.constant 0 : i32
    %c0_i32_0 = arith.constant 0 : i32
    %c0_i32_1 = arith.constant 0 : i32
    %c0_i32_2 = arith.constant 0 : i32
    return %c0_i32, %c0_i32_0, %c0_i32_1 : i32, i32, i32
  }
  func.func @transform_10(%arg0: i32) -> (i32, i32) {
    %c0_i32 = arith.constant 0 : i32
    %c0_i32_0 = arith.constant 0 : i32
    return %arg0, %c0_i32 : i32, i32
  }
  func.func @transform_11(%arg0: i32) -> (i32, i32, i32) {
    %c0_i32 = arith.constant 0 : i32
    %c0_i32_0 = arith.constant 0 : i32
    %c0_i32_1 = arith.constant 0 : i32
    return %c0_i32, %arg0, %c0_i32_0 : i32, i32, i32
  }
  func.func @transform_12(%arg0: i32) -> (i32, i32, i32) {
    %c0_i32 = arith.constant 0 : i32
    %c0_i32_0 = arith.constant 0 : i32
    %c0_i32_1 = arith.constant 0 : i32
    return %c0_i32, %arg0, %c0_i32_0 : i32, i32, i32
  }
}

module attributes {stable_mosaic.version = 14 : i64} {
  func.func @_update_body(%arg0: i32, %arg1: memref<1000x1xi32, #tpu.memory_space<vmem>>, %arg2: memref<1000x128xf32, #tpu.memory_space<vmem>>, %arg3: memref<1000x128xf32, #tpu.memory_space<vmem>>, %arg4: memref<1000x16xf32, #tpu.memory_space<vmem>>, %arg5: memref<4x128x128xf32, #tpu.memory_space<vmem>>, %arg6: memref<4x128xf32, #tpu.memory_space<vmem>>, %arg7: memref<4x128xf32, #tpu.memory_space<vmem>>, %arg8: memref<4x128xf32, #tpu.memory_space<vmem>>, %arg9: memref<4x128xf32, #tpu.memory_space<vmem>>, %arg10: memref<16x128xf32, #tpu.memory_space<vmem>>, %arg11: memref<1000x128xf32, #tpu.memory_space<vmem>>) attributes {dimension_semantics = [#tpu.dimension_semantics<arbitrary>], iteration_bounds = array<i64: 10>, scalar_prefetch = 0 : i64, scratch_operands = 0 : i64, tpu.core_type = #tpu.core_type<tc>, window_params = [{transform_indices = @transform_0, window_bounds = array<i64: 1000, 1>}, {transform_indices = @transform_1, window_bounds = array<i64: 1000, 128>}, {transform_indices = @transform_2, window_bounds = array<i64: 1000, 128>}, {transform_indices = @transform_3, window_bounds = array<i64: 1000, 16>}, {pipeline_mode = #tpu.pipeline_mode<synchronous>, transform_indices = @transform_4, window_bounds = array<i64: 4, 128, 128>}, {pipeline_mode = #tpu.pipeline_mode<synchronous>, transform_indices = @transform_5, window_bounds = array<i64: 4, 128>}, {pipeline_mode = #tpu.pipeline_mode<synchronous>, transform_indices = @transform_6, window_bounds = array<i64: 4, 128>}, {pipeline_mode = #tpu.pipeline_mode<synchronous>, transform_indices = @transform_7, window_bounds = array<i64: 4, 128>}, {pipeline_mode = #tpu.pipeline_mode<synchronous>, transform_indices = @transform_8, window_bounds = array<i64: 4, 128>}, {pipeline_mode = #tpu.pipeline_mode<synchronous>, transform_indices = @transform_9, window_bounds = array<i64: 16, 128>}, {transform_indices = @transform_10, window_bounds = array<i64: 1000, 128>}]} {
    %get3A = arith.constant 0 : index
    %get3A_0 = arith.constant 0 : index
    %get3A_1 = vector.load %arg2[%get3A, %get3A_0] : memref<1000x128xf32, #tpu.memory_space<vmem>>, vector<1000x128xf32>
    %get3A_2 = arith.constant 0 : index
    %get3A_3 = arith.constant 0 : index
    %get3A_4 = vector.load %arg1[%get3A_2, %get3A_3] : memref<1000x1xi32, #tpu.memory_space<vmem>>, vector<1000x1xi32>
    %get3A_5 = arith.constant 0 : index
    %get3A_6 = arith.constant 0 : index
    %get3A_7 = vector.load %arg3[%get3A_5, %get3A_6] : memref<1000x128xf32, #tpu.memory_space<vmem>>, vector<1000x128xf32>
    %get3A_8 = arith.constant 0 : index
    %get3A_9 = arith.constant 0 : index
    %get3A_10 = vector.load %arg4[%get3A_8, %get3A_9] : memref<1000x16xf32, #tpu.memory_space<vmem>>, vector<1000x16xf32>
    %get3A_11 = arith.constant 0 : index
    %get3A_12 = arith.constant 0 : index
    %get3A_13 = vector.load %arg10[%get3A_11, %get3A_12] : memref<16x128xf32, #tpu.memory_space<vmem>>, vector<16x128xf32>
    %dot_general3A = arith.constant dense<0.000000e+00> : vector<1000x128xf32>
    %dot_general3A_14 = tpu.matmul %get3A_10, %get3A_13, %dot_general3A {dimension_numbers = #tpu.dot_dimension_numbers<[1], [0], [0], [1], [0, 0, 1, 1], [], []>, transpose_lhs_hint = false} : vector<1000x16xf32>, vector<16x128xf32>, vector<1000x128xf32> -> vector<1000x128xf32>
    %add3A = arith.constant 1.000000e-16 : f32
    %add3A_15 = vector.broadcast %add3A : f32 to vector<1000x128xf32>
    %add3A_16 = arith.addf %dot_general3A_14, %add3A_15 : vector<1000x128xf32>
    %div3A = arith.divf %get3A_7, %add3A_16 : vector<1000x128xf32>
    %mul3A = arith.constant 5.000000e-01 : f32
    %mul3A_17 = vector.broadcast %mul3A : f32 to vector<1000x128xf32>
    %mul3A_18 = arith.mulf %mul3A_17, %div3A : vector<1000x128xf32>
    %mul3A_19 = arith.constant 0.707106769 : f32
    %mul3A_20 = vector.broadcast %mul3A_19 : f32 to vector<1000x128xf32>
    %mul3A_21 = arith.mulf %div3A, %mul3A_20 : vector<1000x128xf32>
    %erf3A = math.erf %mul3A_21 : vector<1000x128xf32>
    %add3A_22 = arith.constant 1.000000e+00 : f32
    %add3A_23 = vector.broadcast %add3A_22 : f32 to vector<1000x128xf32>
    %add3A_24 = arith.addf %add3A_23, %erf3A : vector<1000x128xf32>
    %mul3A_25 = arith.mulf %mul3A_18, %add3A_24 : vector<1000x128xf32>
    %get3A_26 = arith.constant 0 : index
    %get3A_27 = arith.constant 0 : index
    %get3A_28 = arith.constant 0 : index
    %get3A_29 = vector.load %arg5[%get3A_26, %get3A_27, %get3A_28] : memref<4x128x128xf32, #tpu.memory_space<vmem>>, vector<1x128x128xf32>
    %get3A_30 = vector.shape_cast %get3A_29 : vector<1x128x128xf32> to vector<128x128xf32>
    %dot_general3A_31 = arith.constant dense<0.000000e+00> : vector<1000x128xf32>
    %dot_general3A_32 = tpu.matmul %mul3A_25, %get3A_30, %dot_general3A_31 {dimension_numbers = #tpu.dot_dimension_numbers<[1], [0], [0], [1], [0, 0, 1, 1], [], []>, transpose_lhs_hint = false} : vector<1000x128xf32>, vector<128x128xf32>, vector<1000x128xf32> -> vector<1000x128xf32>
    %get3A_33 = arith.constant 0 : index
    %get3A_34 = arith.constant 0 : index
    %get3A_35 = vector.load %arg6[%get3A_33, %get3A_34] : memref<4x128xf32, #tpu.memory_space<vmem>>, vector<1x128xf32>
    %get3A_36 = vector.shape_cast %get3A_35 : vector<1x128xf32> to vector<128xf32>
    %broadcast_in_dim3A = vector.shape_cast %get3A_36 : vector<128xf32> to vector<1x128xf32>
    %add3A_37 = vector.broadcast %broadcast_in_dim3A : vector<1x128xf32> to vector<1000x128xf32>
    %add3A_38 = arith.addf %dot_general3A_32, %add3A_37 : vector<1000x128xf32>
    %get3A_39 = arith.constant 1 : index
    %get3A_40 = arith.constant 0 : index
    %get3A_41 = arith.constant 0 : index
    %get3A_42 = vector.load %arg5[%get3A_39, %get3A_40, %get3A_41] : memref<4x128x128xf32, #tpu.memory_space<vmem>>, vector<1x128x128xf32>
    %get3A_43 = vector.shape_cast %get3A_42 : vector<1x128x128xf32> to vector<128x128xf32>
    %dot_general3A_44 = arith.constant dense<0.000000e+00> : vector<1000x128xf32>
    %dot_general3A_45 = tpu.matmul %mul3A_25, %get3A_43, %dot_general3A_44 {dimension_numbers = #tpu.dot_dimension_numbers<[1], [0], [0], [1], [0, 0, 1, 1], [], []>, transpose_lhs_hint = false} : vector<1000x128xf32>, vector<128x128xf32>, vector<1000x128xf32> -> vector<1000x128xf32>
    %get3A_46 = arith.constant 1 : index
    %get3A_47 = arith.constant 0 : index
    %get3A_48 = vector.load %arg6[%get3A_46, %get3A_47] : memref<4x128xf32, #tpu.memory_space<vmem>>, vector<1x128xf32>
    %get3A_49 = vector.shape_cast %get3A_48 : vector<1x128xf32> to vector<128xf32>
    %broadcast_in_dim3A_50 = vector.shape_cast %get3A_49 : vector<128xf32> to vector<1x128xf32>
    %add3A_51 = vector.broadcast %broadcast_in_dim3A_50 : vector<1x128xf32> to vector<1000x128xf32>
    %add3A_52 = arith.addf %dot_general3A_45, %add3A_51 : vector<1000x128xf32>
    %eq3A = arith.constant 1 : i32
    %eq3A_53 = vector.broadcast %eq3A : i32 to vector<1000x1xi32>
    %eq3A_54 = arith.cmpi eq, %get3A_4, %eq3A_53 : vector<1000x1xi32>
    %broadcast_in_dim3A_55 = vector.shape_cast %eq3A_54 : vector<1000x1xi1> to vector<1000x1xi1>
    %broadcast_in_dim3A_56 = vector.broadcast %broadcast_in_dim3A_55 : vector<1000x1xi1> to vector<1000x128xi1>
    %select_n3A = arith.select %broadcast_in_dim3A_56, %add3A_52, %add3A_38 : vector<1000x128xi1>, vector<1000x128xf32>
    %get3A_57 = arith.constant 2 : index
    %get3A_58 = arith.constant 0 : index
    %get3A_59 = arith.constant 0 : index
    %get3A_60 = vector.load %arg5[%get3A_57, %get3A_58, %get3A_59] : memref<4x128x128xf32, #tpu.memory_space<vmem>>, vector<1x128x128xf32>
    %get3A_61 = vector.shape_cast %get3A_60 : vector<1x128x128xf32> to vector<128x128xf32>
    %dot_general3A_62 = arith.constant dense<0.000000e+00> : vector<1000x128xf32>
    %dot_general3A_63 = tpu.matmul %mul3A_25, %get3A_61, %dot_general3A_62 {dimension_numbers = #tpu.dot_dimension_numbers<[1], [0], [0], [1], [0, 0, 1, 1], [], []>, transpose_lhs_hint = false} : vector<1000x128xf32>, vector<128x128xf32>, vector<1000x128xf32> -> vector<1000x128xf32>
    %get3A_64 = arith.constant 2 : index
    %get3A_65 = arith.constant 0 : index
    %get3A_66 = vector.load %arg6[%get3A_64, %get3A_65] : memref<4x128xf32, #tpu.memory_space<vmem>>, vector<1x128xf32>
    %get3A_67 = vector.shape_cast %get3A_66 : vector<1x128xf32> to vector<128xf32>
    %broadcast_in_dim3A_68 = vector.shape_cast %get3A_67 : vector<128xf32> to vector<1x128xf32>
    %add3A_69 = vector.broadcast %broadcast_in_dim3A_68 : vector<1x128xf32> to vector<1000x128xf32>
    %add3A_70 = arith.addf %dot_general3A_63, %add3A_69 : vector<1000x128xf32>
    %eq3A_71 = arith.constant 2 : i32
    %eq3A_72 = vector.broadcast %eq3A_71 : i32 to vector<1000x1xi32>
    %eq3A_73 = arith.cmpi eq, %get3A_4, %eq3A_72 : vector<1000x1xi32>
    %broadcast_in_dim3A_74 = vector.shape_cast %eq3A_73 : vector<1000x1xi1> to vector<1000x1xi1>
    %broadcast_in_dim3A_75 = vector.broadcast %broadcast_in_dim3A_74 : vector<1000x1xi1> to vector<1000x128xi1>
    %select_n3A_76 = arith.select %broadcast_in_dim3A_75, %add3A_70, %select_n3A : vector<1000x128xi1>, vector<1000x128xf32>
    %get3A_77 = arith.constant 3 : index
    %get3A_78 = arith.constant 0 : index
    %get3A_79 = arith.constant 0 : index
    %get3A_80 = vector.load %arg5[%get3A_77, %get3A_78, %get3A_79] : memref<4x128x128xf32, #tpu.memory_space<vmem>>, vector<1x128x128xf32>
    %get3A_81 = vector.shape_cast %get3A_80 : vector<1x128x128xf32> to vector<128x128xf32>
    %dot_general3A_82 = arith.constant dense<0.000000e+00> : vector<1000x128xf32>
    %dot_general3A_83 = tpu.matmul %mul3A_25, %get3A_81, %dot_general3A_82 {dimension_numbers = #tpu.dot_dimension_numbers<[1], [0], [0], [1], [0, 0, 1, 1], [], []>, transpose_lhs_hint = false} : vector<1000x128xf32>, vector<128x128xf32>, vector<1000x128xf32> -> vector<1000x128xf32>
    %get3A_84 = arith.constant 3 : index
    %get3A_85 = arith.constant 0 : index
    %get3A_86 = vector.load %arg6[%get3A_84, %get3A_85] : memref<4x128xf32, #tpu.memory_space<vmem>>, vector<1x128xf32>
    %get3A_87 = vector.shape_cast %get3A_86 : vector<1x128xf32> to vector<128xf32>
    %broadcast_in_dim3A_88 = vector.shape_cast %get3A_87 : vector<128xf32> to vector<1x128xf32>
    %add3A_89 = vector.broadcast %broadcast_in_dim3A_88 : vector<1x128xf32> to vector<1000x128xf32>
    %add3A_90 = arith.addf %dot_general3A_83, %add3A_89 : vector<1000x128xf32>
    %eq3A_91 = arith.constant 3 : i32
    %eq3A_92 = vector.broadcast %eq3A_91 : i32 to vector<1000x1xi32>
    %eq3A_93 = arith.cmpi eq, %get3A_4, %eq3A_92 : vector<1000x1xi32>
    %broadcast_in_dim3A_94 = vector.shape_cast %eq3A_93 : vector<1000x1xi1> to vector<1000x1xi1>
    %broadcast_in_dim3A_95 = vector.broadcast %broadcast_in_dim3A_94 : vector<1000x1xi1> to vector<1000x128xi1>
    %select_n3A_96 = arith.select %broadcast_in_dim3A_95, %add3A_90, %select_n3A_76 : vector<1000x128xi1>, vector<1000x128xf32>
    %get3A_97 = arith.constant 0 : index
    %get3A_98 = arith.constant 0 : index
    %get3A_99 = vector.load %arg9[%get3A_97, %get3A_98] : memref<4x128xf32, #tpu.memory_space<vmem>>, vector<1x128xf32>
    %get3A_100 = vector.shape_cast %get3A_99 : vector<1x128xf32> to vector<128xf32>
    %broadcast_in_dim3A_101 = vector.shape_cast %get3A_100 : vector<128xf32> to vector<1x128xf32>
    %broadcast_in_dim3A_102 = vector.shape_cast %broadcast_in_dim3A_101 : vector<1x128xf32> to vector<1x128xf32>
    %broadcast_in_dim3A_103 = vector.broadcast %broadcast_in_dim3A_102 : vector<1x128xf32> to vector<1000x128xf32>
    %eq3A_104 = arith.constant 1 : i32
    %eq3A_105 = vector.broadcast %eq3A_104 : i32 to vector<1000x1xi32>
    %eq3A_106 = arith.cmpi eq, %get3A_4, %eq3A_105 : vector<1000x1xi32>
    %get3A_107 = arith.constant 1 : index
    %get3A_108 = arith.constant 0 : index
    %get3A_109 = vector.load %arg9[%get3A_107, %get3A_108] : memref<4x128xf32, #tpu.memory_space<vmem>>, vector<1x128xf32>
    %get3A_110 = vector.shape_cast %get3A_109 : vector<1x128xf32> to vector<128xf32>
    %broadcast_in_dim3A_111 = vector.shape_cast %get3A_110 : vector<128xf32> to vector<1x128xf32>
    %broadcast_in_dim3A_112 = vector.shape_cast %broadcast_in_dim3A_111 : vector<1x128xf32> to vector<1x128xf32>
    %broadcast_in_dim3A_113 = vector.broadcast %broadcast_in_dim3A_112 : vector<1x128xf32> to vector<1000x128xf32>
    %broadcast_in_dim3A_114 = vector.shape_cast %eq3A_106 : vector<1000x1xi1> to vector<1000x1xi1>
    %broadcast_in_dim3A_115 = vector.broadcast %broadcast_in_dim3A_114 : vector<1000x1xi1> to vector<1000x128xi1>
    %select_n3A_116 = arith.select %broadcast_in_dim3A_115, %broadcast_in_dim3A_113, %broadcast_in_dim3A_103 : vector<1000x128xi1>, vector<1000x128xf32>
    %eq3A_117 = arith.constant 2 : i32
    %eq3A_118 = vector.broadcast %eq3A_117 : i32 to vector<1000x1xi32>
    %eq3A_119 = arith.cmpi eq, %get3A_4, %eq3A_118 : vector<1000x1xi32>
    %get3A_120 = arith.constant 2 : index
    %get3A_121 = arith.constant 0 : index
    %get3A_122 = vector.load %arg9[%get3A_120, %get3A_121] : memref<4x128xf32, #tpu.memory_space<vmem>>, vector<1x128xf32>
    %get3A_123 = vector.shape_cast %get3A_122 : vector<1x128xf32> to vector<128xf32>
    %broadcast_in_dim3A_124 = vector.shape_cast %get3A_123 : vector<128xf32> to vector<1x128xf32>
    %broadcast_in_dim3A_125 = vector.shape_cast %broadcast_in_dim3A_124 : vector<1x128xf32> to vector<1x128xf32>
    %broadcast_in_dim3A_126 = vector.broadcast %broadcast_in_dim3A_125 : vector<1x128xf32> to vector<1000x128xf32>
    %broadcast_in_dim3A_127 = vector.shape_cast %eq3A_119 : vector<1000x1xi1> to vector<1000x1xi1>
    %broadcast_in_dim3A_128 = vector.broadcast %broadcast_in_dim3A_127 : vector<1000x1xi1> to vector<1000x128xi1>
    %select_n3A_129 = arith.select %broadcast_in_dim3A_128, %broadcast_in_dim3A_126, %select_n3A_116 : vector<1000x128xi1>, vector<1000x128xf32>
    %eq3A_130 = arith.constant 3 : i32
    %eq3A_131 = vector.broadcast %eq3A_130 : i32 to vector<1000x1xi32>
    %eq3A_132 = arith.cmpi eq, %get3A_4, %eq3A_131 : vector<1000x1xi32>
    %get3A_133 = arith.constant 3 : index
    %get3A_134 = arith.constant 0 : index
    %get3A_135 = vector.load %arg9[%get3A_133, %get3A_134] : memref<4x128xf32, #tpu.memory_space<vmem>>, vector<1x128xf32>
    %get3A_136 = vector.shape_cast %get3A_135 : vector<1x128xf32> to vector<128xf32>
    %broadcast_in_dim3A_137 = vector.shape_cast %get3A_136 : vector<128xf32> to vector<1x128xf32>
    %broadcast_in_dim3A_138 = vector.shape_cast %broadcast_in_dim3A_137 : vector<1x128xf32> to vector<1x128xf32>
    %broadcast_in_dim3A_139 = vector.broadcast %broadcast_in_dim3A_138 : vector<1x128xf32> to vector<1000x128xf32>
    %broadcast_in_dim3A_140 = vector.shape_cast %eq3A_132 : vector<1000x1xi1> to vector<1000x1xi1>
    %broadcast_in_dim3A_141 = vector.broadcast %broadcast_in_dim3A_140 : vector<1000x1xi1> to vector<1000x128xi1>
    %select_n3A_142 = arith.select %broadcast_in_dim3A_141, %broadcast_in_dim3A_139, %select_n3A_129 : vector<1000x128xi1>, vector<1000x128xf32>
    %get3A_143 = arith.constant 0 : index
    %get3A_144 = arith.constant 0 : index
    %get3A_145 = vector.load %arg7[%get3A_143, %get3A_144] : memref<4x128xf32, #tpu.memory_space<vmem>>, vector<1x128xf32>
    %get3A_146 = vector.shape_cast %get3A_145 : vector<1x128xf32> to vector<128xf32>
    %broadcast_in_dim3A_147 = vector.shape_cast %get3A_146 : vector<128xf32> to vector<1x128xf32>
    %broadcast_in_dim3A_148 = vector.shape_cast %broadcast_in_dim3A_147 : vector<1x128xf32> to vector<1x128xf32>
    %broadcast_in_dim3A_149 = vector.broadcast %broadcast_in_dim3A_148 : vector<1x128xf32> to vector<1000x128xf32>
    %eq3A_150 = arith.constant 1 : i32
    %eq3A_151 = vector.broadcast %eq3A_150 : i32 to vector<1000x1xi32>
    %eq3A_152 = arith.cmpi eq, %get3A_4, %eq3A_151 : vector<1000x1xi32>
    %get3A_153 = arith.constant 1 : index
    %get3A_154 = arith.constant 0 : index
    %get3A_155 = vector.load %arg7[%get3A_153, %get3A_154] : memref<4x128xf32, #tpu.memory_space<vmem>>, vector<1x128xf32>
    %get3A_156 = vector.shape_cast %get3A_155 : vector<1x128xf32> to vector<128xf32>
    %broadcast_in_dim3A_157 = vector.shape_cast %get3A_156 : vector<128xf32> to vector<1x128xf32>
    %broadcast_in_dim3A_158 = vector.shape_cast %broadcast_in_dim3A_157 : vector<1x128xf32> to vector<1x128xf32>
    %broadcast_in_dim3A_159 = vector.broadcast %broadcast_in_dim3A_158 : vector<1x128xf32> to vector<1000x128xf32>
    %broadcast_in_dim3A_160 = vector.shape_cast %eq3A_152 : vector<1000x1xi1> to vector<1000x1xi1>
    %broadcast_in_dim3A_161 = vector.broadcast %broadcast_in_dim3A_160 : vector<1000x1xi1> to vector<1000x128xi1>
    %select_n3A_162 = arith.select %broadcast_in_dim3A_161, %broadcast_in_dim3A_159, %broadcast_in_dim3A_149 : vector<1000x128xi1>, vector<1000x128xf32>
    %eq3A_163 = arith.constant 2 : i32
    %eq3A_164 = vector.broadcast %eq3A_163 : i32 to vector<1000x1xi32>
    %eq3A_165 = arith.cmpi eq, %get3A_4, %eq3A_164 : vector<1000x1xi32>
    %get3A_166 = arith.constant 2 : index
    %get3A_167 = arith.constant 0 : index
    %get3A_168 = vector.load %arg7[%get3A_166, %get3A_167] : memref<4x128xf32, #tpu.memory_space<vmem>>, vector<1x128xf32>
    %get3A_169 = vector.shape_cast %get3A_168 : vector<1x128xf32> to vector<128xf32>
    %broadcast_in_dim3A_170 = vector.shape_cast %get3A_169 : vector<128xf32> to vector<1x128xf32>
    %broadcast_in_dim3A_171 = vector.shape_cast %broadcast_in_dim3A_170 : vector<1x128xf32> to vector<1x128xf32>
    %broadcast_in_dim3A_172 = vector.broadcast %broadcast_in_dim3A_171 : vector<1x128xf32> to vector<1000x128xf32>
    %broadcast_in_dim3A_173 = vector.shape_cast %eq3A_165 : vector<1000x1xi1> to vector<1000x1xi1>
    %broadcast_in_dim3A_174 = vector.broadcast %broadcast_in_dim3A_173 : vector<1000x1xi1> to vector<1000x128xi1>
    %select_n3A_175 = arith.select %broadcast_in_dim3A_174, %broadcast_in_dim3A_172, %select_n3A_162 : vector<1000x128xi1>, vector<1000x128xf32>
    %eq3A_176 = arith.constant 3 : i32
    %eq3A_177 = vector.broadcast %eq3A_176 : i32 to vector<1000x1xi32>
    %eq3A_178 = arith.cmpi eq, %get3A_4, %eq3A_177 : vector<1000x1xi32>
    %get3A_179 = arith.constant 3 : index
    %get3A_180 = arith.constant 0 : index
    %get3A_181 = vector.load %arg7[%get3A_179, %get3A_180] : memref<4x128xf32, #tpu.memory_space<vmem>>, vector<1x128xf32>
    %get3A_182 = vector.shape_cast %get3A_181 : vector<1x128xf32> to vector<128xf32>
    %broadcast_in_dim3A_183 = vector.shape_cast %get3A_182 : vector<128xf32> to vector<1x128xf32>
    %broadcast_in_dim3A_184 = vector.shape_cast %broadcast_in_dim3A_183 : vector<1x128xf32> to vector<1x128xf32>
    %broadcast_in_dim3A_185 = vector.broadcast %broadcast_in_dim3A_184 : vector<1x128xf32> to vector<1000x128xf32>
    %broadcast_in_dim3A_186 = vector.shape_cast %eq3A_178 : vector<1000x1xi1> to vector<1000x1xi1>
    %broadcast_in_dim3A_187 = vector.broadcast %broadcast_in_dim3A_186 : vector<1000x1xi1> to vector<1000x128xi1>
    %select_n3A_188 = arith.select %broadcast_in_dim3A_187, %broadcast_in_dim3A_185, %select_n3A_175 : vector<1000x128xi1>, vector<1000x128xf32>
    %get3A_189 = arith.constant 0 : index
    %get3A_190 = arith.constant 0 : index
    %get3A_191 = vector.load %arg8[%get3A_189, %get3A_190] : memref<4x128xf32, #tpu.memory_space<vmem>>, vector<1x128xf32>
    %get3A_192 = vector.shape_cast %get3A_191 : vector<1x128xf32> to vector<128xf32>
    %broadcast_in_dim3A_193 = vector.shape_cast %get3A_192 : vector<128xf32> to vector<1x128xf32>
    %broadcast_in_dim3A_194 = vector.shape_cast %broadcast_in_dim3A_193 : vector<1x128xf32> to vector<1x128xf32>
    %broadcast_in_dim3A_195 = vector.broadcast %broadcast_in_dim3A_194 : vector<1x128xf32> to vector<1000x128xf32>
    %eq3A_196 = arith.constant 1 : i32
    %eq3A_197 = vector.broadcast %eq3A_196 : i32 to vector<1000x1xi32>
    %eq3A_198 = arith.cmpi eq, %get3A_4, %eq3A_197 : vector<1000x1xi32>
    %get3A_199 = arith.constant 1 : index
    %get3A_200 = arith.constant 0 : index
    %get3A_201 = vector.load %arg8[%get3A_199, %get3A_200] : memref<4x128xf32, #tpu.memory_space<vmem>>, vector<1x128xf32>
    %get3A_202 = vector.shape_cast %get3A_201 : vector<1x128xf32> to vector<128xf32>
    %broadcast_in_dim3A_203 = vector.shape_cast %get3A_202 : vector<128xf32> to vector<1x128xf32>
    %broadcast_in_dim3A_204 = vector.shape_cast %broadcast_in_dim3A_203 : vector<1x128xf32> to vector<1x128xf32>
    %broadcast_in_dim3A_205 = vector.broadcast %broadcast_in_dim3A_204 : vector<1x128xf32> to vector<1000x128xf32>
    %broadcast_in_dim3A_206 = vector.shape_cast %eq3A_198 : vector<1000x1xi1> to vector<1000x1xi1>
    %broadcast_in_dim3A_207 = vector.broadcast %broadcast_in_dim3A_206 : vector<1000x1xi1> to vector<1000x128xi1>
    %select_n3A_208 = arith.select %broadcast_in_dim3A_207, %broadcast_in_dim3A_205, %broadcast_in_dim3A_195 : vector<1000x128xi1>, vector<1000x128xf32>
    %eq3A_209 = arith.constant 2 : i32
    %eq3A_210 = vector.broadcast %eq3A_209 : i32 to vector<1000x1xi32>
    %eq3A_211 = arith.cmpi eq, %get3A_4, %eq3A_210 : vector<1000x1xi32>
    %get3A_212 = arith.constant 2 : index
    %get3A_213 = arith.constant 0 : index
    %get3A_214 = vector.load %arg8[%get3A_212, %get3A_213] : memref<4x128xf32, #tpu.memory_space<vmem>>, vector<1x128xf32>
    %get3A_215 = vector.shape_cast %get3A_214 : vector<1x128xf32> to vector<128xf32>
    %broadcast_in_dim3A_216 = vector.shape_cast %get3A_215 : vector<128xf32> to vector<1x128xf32>
    %broadcast_in_dim3A_217 = vector.shape_cast %broadcast_in_dim3A_216 : vector<1x128xf32> to vector<1x128xf32>
    %broadcast_in_dim3A_218 = vector.broadcast %broadcast_in_dim3A_217 : vector<1x128xf32> to vector<1000x128xf32>
    %broadcast_in_dim3A_219 = vector.shape_cast %eq3A_211 : vector<1000x1xi1> to vector<1000x1xi1>
    %broadcast_in_dim3A_220 = vector.broadcast %broadcast_in_dim3A_219 : vector<1000x1xi1> to vector<1000x128xi1>
    %select_n3A_221 = arith.select %broadcast_in_dim3A_220, %broadcast_in_dim3A_218, %select_n3A_208 : vector<1000x128xi1>, vector<1000x128xf32>
    %eq3A_222 = arith.constant 3 : i32
    %eq3A_223 = vector.broadcast %eq3A_222 : i32 to vector<1000x1xi32>
    %eq3A_224 = arith.cmpi eq, %get3A_4, %eq3A_223 : vector<1000x1xi32>
    %get3A_225 = arith.constant 3 : index
    %get3A_226 = arith.constant 0 : index
    %get3A_227 = vector.load %arg8[%get3A_225, %get3A_226] : memref<4x128xf32, #tpu.memory_space<vmem>>, vector<1x128xf32>
    %get3A_228 = vector.shape_cast %get3A_227 : vector<1x128xf32> to vector<128xf32>
    %broadcast_in_dim3A_229 = vector.shape_cast %get3A_228 : vector<128xf32> to vector<1x128xf32>
    %broadcast_in_dim3A_230 = vector.shape_cast %broadcast_in_dim3A_229 : vector<1x128xf32> to vector<1x128xf32>
    %broadcast_in_dim3A_231 = vector.broadcast %broadcast_in_dim3A_230 : vector<1x128xf32> to vector<1000x128xf32>
    %broadcast_in_dim3A_232 = vector.shape_cast %eq3A_224 : vector<1000x1xi1> to vector<1000x1xi1>
    %broadcast_in_dim3A_233 = vector.broadcast %broadcast_in_dim3A_232 : vector<1000x1xi1> to vector<1000x128xi1>
    %select_n3A_234 = arith.select %broadcast_in_dim3A_233, %broadcast_in_dim3A_231, %select_n3A_221 : vector<1000x128xi1>, vector<1000x128xf32>
    %mul3A_235 = arith.mulf %select_n3A_96, %select_n3A_142 : vector<1000x128xf32>
    %sub3A = arith.constant 1.000000e+00 : f32
    %sub3A_236 = vector.broadcast %sub3A : f32 to vector<1000x128xf32>
    %sub3A_237 = arith.subf %sub3A_236, %select_n3A_142 : vector<1000x128xf32>
    %mul3A_238 = arith.mulf %get3A_1, %sub3A_237 : vector<1000x128xf32>
    %add3A_239 = arith.addf %mul3A_235, %mul3A_238 : vector<1000x128xf32>
    %reduce_sum3A = arith.constant dense<0.000000e+00> : vector<1000xf32>
    %reduce_sum3A_240 = vector.multi_reduction <add>, %add3A_239, %reduce_sum3A [1] : vector<1000x128xf32> to vector<1000xf32>
    %broadcast_in_dim3A_241 = vector.shape_cast %reduce_sum3A_240 : vector<1000xf32> to vector<1000x1xf32>
    %div3A_242 = arith.constant 1.280000e+02 : f32
    %div3A_243 = vector.broadcast %div3A_242 : f32 to vector<1000x1xf32>
    %div3A_244 = arith.divf %broadcast_in_dim3A_241, %div3A_243 : vector<1000x1xf32>
    %sub3A_245 = vector.broadcast %div3A_244 : vector<1000x1xf32> to vector<1000x128xf32>
    %sub3A_246 = arith.subf %add3A_239, %sub3A_245 : vector<1000x128xf32>
    %mul3A_247 = arith.mulf %sub3A_246, %sub3A_246 : vector<1000x128xf32>
    %reduce_sum3A_248 = arith.constant dense<0.000000e+00> : vector<1000xf32>
    %reduce_sum3A_249 = vector.multi_reduction <add>, %mul3A_247, %reduce_sum3A_248 [1] : vector<1000x128xf32> to vector<1000xf32>
    %broadcast_in_dim3A_250 = vector.shape_cast %reduce_sum3A_249 : vector<1000xf32> to vector<1000x1xf32>
    %div3A_251 = arith.constant 1.280000e+02 : f32
    %div3A_252 = vector.broadcast %div3A_251 : f32 to vector<1000x1xf32>
    %div3A_253 = arith.divf %broadcast_in_dim3A_250, %div3A_252 : vector<1000x1xf32>
    %add3A_254 = arith.constant 9.99999974E-6 : f32
    %add3A_255 = vector.broadcast %add3A_254 : f32 to vector<1000x1xf32>
    %add3A_256 = arith.addf %div3A_253, %add3A_255 : vector<1000x1xf32>
    %rsqrt3A = math.rsqrt %add3A_256 : vector<1000x1xf32>
    %mul3A_257 = vector.broadcast %rsqrt3A : vector<1000x1xf32> to vector<1000x128xf32>
    %mul3A_258 = arith.mulf %sub3A_246, %mul3A_257 : vector<1000x128xf32>
    %mul3A_259 = arith.mulf %mul3A_258, %select_n3A_188 : vector<1000x128xf32>
    %add3A_260 = arith.addf %mul3A_259, %select_n3A_234 : vector<1000x128xf32>
    %swap3A = arith.constant 0 : index
    %swap3A_261 = arith.constant 0 : index
    %swap3A_262 = vector.load %arg11[%swap3A, %swap3A_261] : memref<1000x128xf32, #tpu.memory_space<vmem>>, vector<1000x128xf32>
    tpu.vector_store %arg11[%swap3A, %swap3A_261], %add3A_260 {strides = array<i32>} : memref<1000x128xf32, #tpu.memory_space<vmem>>, vector<1000x128xf32>,
    return
  }
  func.func @transform_0(%arg0: i32) -> (i32, i32) {
    %c0_i32 = arith.constant 0 : i32
    %c0_i32_0 = arith.constant 0 : i32
    return %arg0, %c0_i32 : i32, i32
  }
  func.func @transform_1(%arg0: i32) -> (i32, i32) {
    %c0_i32 = arith.constant 0 : i32
    %c0_i32_0 = arith.constant 0 : i32
    return %arg0, %c0_i32 : i32, i32
  }
  func.func @transform_2(%arg0: i32) -> (i32, i32) {
    %c0_i32 = arith.constant 0 : i32
    %c0_i32_0 = arith.constant 0 : i32
    return %arg0, %c0_i32 : i32, i32
  }
  func.func @transform_3(%arg0: i32) -> (i32, i32) {
    %c0_i32 = arith.constant 0 : i32
    %c0_i32_0 = arith.constant 0 : i32
    return %arg0, %c0_i32 : i32, i32
  }
  func.func @transform_4(%arg0: i32) -> (i32, i32, i32) {
    %c0_i32 = arith.constant 0 : i32
    %c0_i32_0 = arith.constant 0 : i32
    %c0_i32_1 = arith.constant 0 : i32
    %c0_i32_2 = arith.constant 0 : i32
    return %c0_i32, %c0_i32_0, %c0_i32_1 : i32, i32, i32
  }
  func.func @transform_5(%arg0: i32) -> (i32, i32) {
    %c0_i32 = arith.constant 0 : i32
    %c0_i32_0 = arith.constant 0 : i32
    %c0_i32_1 = arith.constant 0 : i32
    return %c0_i32, %c0_i32_0 : i32, i32
  }
  func.func @transform_6(%arg0: i32) -> (i32, i32) {
    %c0_i32 = arith.constant 0 : i32
    %c0_i32_0 = arith.constant 0 : i32
    %c0_i32_1 = arith.constant 0 : i32
    return %c0_i32, %c0_i32_0 : i32, i32
  }
  func.func @transform_7(%arg0: i32) -> (i32, i32) {
    %c0_i32 = arith.constant 0 : i32
    %c0_i32_0 = arith.constant 0 : i32
    %c0_i32_1 = arith.constant 0 : i32
    return %c0_i32, %c0_i32_0 : i32, i32
  }
  func.func @transform_8(%arg0: i32) -> (i32, i32) {
    %c0_i32 = arith.constant 0 : i32
    %c0_i32_0 = arith.constant 0 : i32
    %c0_i32_1 = arith.constant 0 : i32
    return %c0_i32, %c0_i32_0 : i32, i32
  }
  func.func @transform_9(%arg0: i32) -> (i32, i32) {
    %c0_i32 = arith.constant 0 : i32
    %c0_i32_0 = arith.constant 0 : i32
    %c0_i32_1 = arith.constant 0 : i32
    return %c0_i32, %c0_i32_0 : i32, i32
  }
  func.func @transform_10(%arg0: i32) -> (i32, i32) {
    %c0_i32 = arith.constant 0 : i32
    %c0_i32_0 = arith.constant 0 : i32
    return %arg0, %c0_i32 : i32, i32
  }
}

</mosaic_0001>

<sc_bundles>
// kernel: kernel.5.cloned.1.call-start
scs
__scs_entry_jumppad:
0x0: {  	(pc) =	sbr.rel $0x88, $3  }
0x1: {  	(tag) =	ssettag $0x0;
	lr =	simm.s32 $0x1  }
0x2: {  	[smem:$0x3F8F] =	sst lr;
	_ =	strace $0xD0000000  }
0x3: {  	_ = 	snop  }
0x4: {  	_ = 	snop  }
0x5: {  	_ = 	snop  }
0x6: {  	_ = 	snop  }
0x7: {  	_ = 	snop  }
__scs_overlays_trampoline_lowered:
0x8: {  	[smem:$0x3F9E] =	sst s0  }
0x9: {  	[smem:$0x3F9F] =	sst s1  }
0xa: {  	[smem:$0x3FA0] =	sst s2  }
0xb: {  	[smem:$0x3FA1] =	sst s3  }
0xc: {  	[smem:$0x3FA2] =	sst s4  }
0xd: {  	[smem:$0x3FA3] =	sst s5  }
0xe: {  	[smem:$0x3FA4] =	sst s6  }
0xf: {  	[smem:$0x3FA5] =	sst s7  }
0x10: {  	[smem:$0x3FA6] =	sst s8  }
0x11: {  	[smem:$0x3FA7] =	sst s9;
	s0 =	simm.s32 @!p0 $0x0  }
0x12: {  	s1 =	sld [smem:$0x3F8D];
	s0 =	simm.s32 @p0 $0x1  }
0x13: {  	[smem:$0x3FA8] =	sst s0;
	s0 =	simm.s32 @!p1 $0x0  }
0x14: {  	s2 =	sld [smem:$0x3F8C];
	s0 =	simm.s32 @p1 $0x1  }
0x15: {  	[smem:$0x3FA9] =	sst s0;
	s0 =	simm.s32 @!p2 $0x0  }
0x16: {  	s3 =	sld [smem:$0x3FDB];
	s0 =	simm.s32 @p2 $0x1  }
0x17: {  	s4 =	simm.s32 $0x1BF5;
	[smem:$0x3FAB] =	sst s0  }
0x18: {  	s0 =	sld [smem:$0x3F8E];
	_ =	swait.ge [sflag:s4], $0x0  }
0x19: {  	s7 =	sld [smem:$0x3F8F]  }
0x1a: {  	s8 =	sadd.s32 $0xFFFFE003, lr  }
0x1b: {  	s9 =	sadd.s32 $0xFFFFFEF7, lr;
	s5 =	simm.s32 $0xFFFFFFFF;
	p2 =	slt.u32 s8, $0xFFFFF086  }
0x1c: {  	p1 =	slt.u32 s9, $0xF7A;
	s5 =	simm.s32 @!p2 $0x0  }
0x1d: {  	s5 =	simm.s32 @p1 $0x1;
	p0 =	seq.s32 s7, s2  }
0x1e: {  	s7 =	smul.u32 @!p0 $0xF7A, s2;
	p2 =	seq.s32 @!p0 s5, $0x0  }
0x1f: {  	s9 =	smul.u32 $0xF7A, s1;
	s8 =	simm.s32 @!p0 $0x1BF5;
	p2 =	por !p2, p0  }
0x20: {  	[sflag:s8] =	ssyncset.s32 @!p0 $0xFFFFF086;
	s6 =	sadd.s32 @!p0 s3, s7;
	s7 =	simm.s32 @!p0 $0x108  }
0x21: {  	s3 =	sadd.s32 s3, s9;
	s6 =	sadd.s32 @!p0 $0x88, s6;
	s7 =	simm.s32 @p2 $0x1082  }
0x22: {  	[simem:s7], [sflag:s8] =	dma.local @!p0 [hbm:s6], $0xF7A  }
0x23: {  	s9 =	sor.u32 $0xD0000000, s2;
	s6 =	simm.s32 $0x108;
	_ =	swait.ge @!p0 [sflag:s8], $0x0  }
0x24: {  	s3 =	sadd.s32 $0x88, s3;
	s6 =	simm.s32 @!p1 $0x1082;
	[sflag:s4] =	ssyncset.s32 $0xFFFFF086  }
0x25: {  	[simem:s6], [sflag:s4] =	dma.local [hbm:s3], $0xF7A  }
0x26: {  	[smem:$0x3F8F] =	sst s1;
	(tag) =	ssettag s2;
	_ =	strace s9  }
0x27: {  	s1 =	sld [smem:$0x3F9F]  }
0x28: {  	s2 =	sld [smem:$0x3FA0]  }
0x29: {  	s4 =	sld [smem:$0x3FA2]  }
0x2a: {  	p0 =	seq.s32 s5, $0x0;
	s5 =	sld [smem:$0x3FA3]  }
0x2b: {  	s6 =	sld [smem:$0x3FA4]  }
0x2c: {  	s7 =	sld [smem:$0x3FA5]  }
0x2d: {  	s3 =	simm.s32 $0x108;
	s8 =	sld [smem:$0x3FA6]  }
0x2e: {  	s3 =	simm.s32 @!p0 $0x1082;
	s9 =	sld [smem:$0x3FA7]  }
0x2f: {  	lr =	sadd.s32 s0, s3;
	s0 =	sld [smem:$0x3F9E]  }
0x30: {  	s3 =	sld [smem:$0x3FA1]  }
0x31: {  	[smem:$0x3FAA] =	sst s10  }
0x32: {  	s10 =	sld [smem:$0x3FA8];
	_ =	sdelay $0x3  }
0x33: {  	p0 =	seq.s32 s10, $0x1;
	s10 =	sld [smem:$0x3FAA];
	_ =	sdelay $0x3  }
0x34: {  	[smem:$0x3FAA] =	sst s10  }
0x35: {  	s10 =	sld [smem:$0x3FA9];
	_ =	sdelay $0x3  }
0x36: {  	p1 =	seq.s32 s10, $0x1;
	s10 =	sld [smem:$0x3FAA];
	_ =	sdelay $0x3  }
0x37: {  	[smem:$0x3FAA] =	sst s10  }
0x38: {  	s10 =	sld [smem:$0x3FAB]  }
0x39: {  	_ = 	snop;
	(pc) =	sbr.ind lr, $3  }
0x3a: {  	_ = 	snop  }
0x3b: {  	_ = 	snop  }
0x3c: {  	p2 =	seq.s32 s10, $0x1;
	s10 =	sld [smem:$0x3FAA]  }
0x3d: {  	_ =	shalt  }
0x3e: {  	_ =	shalt  }
0x3f: {  	_ =	shalt  }
0x40: {  	_ =	shalt  }
0x41: {  	_ =	shalt  }
0x42: {  	_ =	shalt  }
0x43: {  	_ =	shalt  }
0x44: {  	_ =	shalt  }
0x45: {  	_ =	shalt  }
0x46: {  	_ =	shalt  }
0x47: {  	_ =	shalt  }
0x48: {  	_ =	shalt  }
0x49: {  	_ =	shalt  }
0x4a: {  	_ =	shalt  }
0x4b: {  	_ =	shalt  }
0x4c: {  	_ =	shalt  }
0x4d: {  	_ =	shalt  }
0x4e: {  	_ =	shalt  }
0x4f: {  	_ =	shalt  }
0x50: {  	_ =	shalt  }
0x51: {  	_ =	shalt  }
0x52: {  	_ =	shalt  }
0x53: {  	_ =	shalt  }
0x54: {  	_ =	shalt  }
0x55: {  	_ =	shalt  }
0x56: {  	_ =	shalt  }
0x57: {  	_ =	shalt  }
0x58: {  	_ =	shalt  }
0x59: {  	_ =	shalt  }
0x5a: {  	_ =	shalt  }
0x5b: {  	_ =	shalt  }
0x5c: {  	_ =	shalt  }
0x5d: {  	_ =	shalt  }
0x5e: {  	_ =	shalt  }
0x5f: {  	_ =	shalt  }
0x60: {  	_ =	shalt  }
0x61: {  	_ =	shalt  }
0x62: {  	_ =	shalt  }
0x63: {  	_ =	shalt  }
0x64: {  	_ =	shalt  }
0x65: {  	_ =	shalt  }
0x66: {  	_ =	shalt  }
0x67: {  	_ =	shalt  }
0x68: {  	_ =	shalt  }
0x69: {  	_ =	shalt  }
0x6a: {  	_ =	shalt  }
0x6b: {  	_ =	shalt  }
0x6c: {  	_ =	shalt  }
0x6d: {  	_ =	shalt  }
0x6e: {  	_ =	shalt  }
0x6f: {  	_ =	shalt  }
0x70: {  	_ =	shalt  }
0x71: {  	_ =	shalt  }
0x72: {  	_ =	shalt  }
0x73: {  	_ =	shalt  }
0x74: {  	_ =	shalt  }
0x75: {  	_ =	shalt  }
0x76: {  	_ =	shalt  }
0x77: {  	_ =	shalt  }
0x78: {  	_ =	shalt  }
0x79: {  	_ =	shalt  }
0x7a: {  	_ =	shalt  }
0x7b: {  	_ =	shalt  }
0x7c: {  	_ =	shalt  }
0x7d: {  	_ =	shalt  }
0x7e: {  	_ =	shalt  }
0x7f: {  	_ =	shalt  }
0x80: {  	_ =	shalt  }
0x81: {  	_ =	shalt  }
0x82: {  	_ =	shalt  }
0x83: {  	_ =	shalt  }
0x84: {  	_ =	shalt  }
0x85: {  	_ =	shalt  }
0x86: {  	_ =	shalt  }
0x87: {  	_ =	shalt  }
.Lfunc_end0:
.L_simem_size_0:
called_computation_lowered:
.L_overlay_start_0:
0x88: {  	s0 =	sld [smem:$0x3FD9]  }
0x89: {  	s1 =	sld [smem:$0x3FFE];
	_ =	sdelay $0x3  }
0x8a: {  	s0 =	sadd.s32 s1, s0  }
0x8b: {  	[smem:$0x3FB6] =	sst s0  }
0x8c: {  	_ = 	snop  }
0x8d: {  	s0 =	sld [smem:$0x3FD0];
	(tm) =	ssettm $0x1  }
0x8e: {  	s16 =	sld [smem:$0x3FFB];
	_ =	sdelay $0x3  }
0x8f: {  	_ =	strace s16  }
0x90: {  	s1 =	sld [smem:$0x3FFC];
	_ =	sdelay $0x3  }
0x91: {  	_ =	strace s1  }
0x92: {  	s1 =	sld [smem:$0x3FFD];
	_ =	sdelay $0x3  }
0x93: {  	_ =	strace s1  }
0x94: {  	_ =	strace $0x8FFFFFFF  }
0x95: {  	s17 =	sld [smem:$0x3FDB];
	_ =	sdelay $0x1  }
0x96: {  	s2 =	simm.s32 $_scs_section_size  }
0x97: {  	s3 =	simm.s32 $_size__tile_overlayer_lowered;
	s4 =	simm.s32 $_tile_overlayer_lowered  }
0x98: {  	s20 =	simm.s32 $0x1BFF;
	s19 =	sshll.u32 s4, $0x1;
	s1 =	sadd.s32 s2, s17  }
0x99: {  	s5 =	simm.s32 $0x0;
	s18 =	sshll.u32 s3, $0x1;
	s3 =	sadd.s32 s19, s1  }
0x9a: {  	[timem:s5], [sflag:s20] =	dma.local [hbm:s3], s18  }
0x9b: {  	_ =	swait.ge [sflag:s20], s18  }
0x9c: {  	s2 =	ssub.s32 $0x0, s18;
	[sflag:s20] =	ssyncset.done $0x0  }
0x9d: {  	[sflag:s20] =	ssyncadd.s32 s2;
	_ =	sdelay $0x1  }
0x9e: {  	s21 =	simm.s32 $0x1B8B  }
0x9f: {  	_ =	swait.ge [sflag:s21], $0x1  }
0xa0: {  	[sflag:s21] =	ssyncset.done $0x0  }
0xa1: {  	s23 =	simm.s32 $0x1B8E;
	s22 =	sld [smem:$0x3FFE];
	[sflag:s21] =	ssyncadd.s32 $0xFFFFFFFF  }
0xa2: {  	s24 =	simm.s32 $execute0_lowered;
	[smem:$0x3FD2] =	sst s23  }
0xa3: {  	s3 =	sshll.u32 s24, $0x1;
	_ =	strace $0x80000046;
	[dreg:$0x1] =	wrdreg $0xFFFFFFFF  }
0xa4: {  	s25 =	simm.s32 $_size_execute0_lowered;
	s1 =	sadd.s32 s1, s3;
	[dreg:$0x0] =	wrdreg $0x0  }
0xa5: {  	s3 =	sshll.u32 s25, $0x1;
	[dreg:$0x2] =	wrdreg s1  }
0xa6: {  	[dreg:$0x3] =	wrdreg s3  }
0xa7: {  	[dreg:$0x4] =	wrdreg $0xC0  }
0xa8: {  	_ =	task [dreg:s5], $0x5FFFF  }
0xa9: {  	[dreg:$0x1] =	wrdreg $0xFFFFFFFF  }
0xaa: {  	[dreg:$0x0] =	wrdreg $0x60  }
0xab: {  	[dreg:$0x2] =	wrdreg s22  }
0xac: {  	[dreg:$0x3] =	wrdreg s0  }
0xad: {  	[dreg:$0x4] =	wrdreg $0x67800  }
0xae: {  	[dreg:$0x5] =	wrdreg $0x9  }
0xaf: {  	_ =	task.clear_ibuf [dreg:s5], $0x6FFFF;
	_ =	strace $0x90000046  }
0xb0: {  	s26 =	simm.s32 $0x9;
	_ =	strace $0x80000048  }
0xb1: {  	_ =	swait.ge [sflag:s26], $0x1  }
0xb2: {  	[sflag:s26] =	ssyncadd.s32 $0xFFFFFFFF  }
0xb3: {  	_ =	strace $0x90000048  }
0xb4: {  	_ =	sfence  }
0xb5: {  	s28 =	sld [smem:$0x0];
	_ =	sdelay $0x1  }
0xb6: {  	s29 =	srdreg.scid  }
0xb7: {  	s30 =	sshll.u32 s29, $0xD;
	s31 =	sshrl.u32 s29, $0x2  }
0xb8: {  	s2 =	sand.u32 $0x4000, s30;
	s1 =	sand.u32 $0x1, s29;
	s0 =	sadd.s32 s31, s28  }
0xb9: {  	s1 =	sor.u32 s2, s1;
	s0 =	sshll.u32 s0, $0x11  }
0xba: {  	s0 =	sor.u32 s0, s1  }
0xbb: {  	s0 =	sadd.s32 $0x8F2B, s0  }
0xbc: {  	[sflag:s0] =	ssyncadd.remote.s32 $0x1  }
0xbd: {  	_ =	sfence.sel $0xFFFF  }
0xbe: {  	[dreg:$0x0] =	wrdreg $0xFFFFFFFF;
	(pc) =	sbr.abs _section_cstart, $3  }
0xbf: {  	[dreg:$0x1] =	wrdreg $0xFFFFFFFF  }
0xc0: {  	_ =	task.clear_ibuf [dreg:s5], $0x2FFFF;
	_ =	strace $0x9FFFFFFF  }
0xc1: {  	(tm) =	ssettm $0x7FFFFFFF  }
tec
execute0_lowered:
.L_overlay_start_1:
0x0: {  	(tag) =	ssettag $0x1  }
0x1: {  	s0 =	rddreg [dreg:$0x0]  }
0x2: {  	s16 =	rddreg [dreg:$0x1];
	s1 =	simm.s32 $0x0  }
0x3: {  	s3 =	simm.s32 $0x200;
	[smem:$0x7FF] =	sst s1;
	s4 =	sadd.s32 $0x2C00, s0  }
0x4: {  	s25 =	sadd.s32 $0x7C00, s0;
	s26 =	sadd.s32 $0xCC00, s0;
	s28 =	sadd.s32 $0x145400, s0  }
0x5: {  	s2 =	rddreg [dreg:$0x2];
	s30 =	sadd.s32 $0x2CBE00, s0;
	s31 =	sadd.s32 $0x2F3E00, s0  }
0x6: {  	s5 =	sadd.s32 $0x27DC00, s0;
	_ =	strace $0x80000047;
	[dreg:$0xe] =	wrdreg s30  }
0x7: {  	v0 =	vimm.f32 $0.0e+00;
	s1 =	stileid.u32;
	s0 =	simm.s32 $0x0;
	[dreg:$0x4] =	wrdreg s31  }
.LBB2_1:
0x8: {  	p0 =	sne.s32 s3, $0x4E00;
	[tilespmem:s0+$0x5170] =	vst v0  }
0x9: {  	[tilespmem:s0+$0x3D00] =	vst v0  }
0xa: {  	[tilespmem:s0+$0x5100] =	vst v0  }
0xb: {  	[tilespmem:s0+$0x3D10] =	vst v0  }
0xc: {  	[tilespmem:s0+$0x5110] =	vst v0  }
0xd: {  	[tilespmem:s0+$0x3D20] =	vst v0  }
0xe: {  	[tilespmem:s0+$0x5120] =	vst v0  }
0xf: {  	[tilespmem:s0+$0x3D30] =	vst v0  }
0x10: {  	[tilespmem:s0+$0x5130] =	vst v0  }
0x11: {  	[tilespmem:s0+$0x3D40] =	vst v0  }
0x12: {  	[tilespmem:s0+$0x5140] =	vst v0  }
.Ltmp0:
0x13: {  	[tilespmem:s0+$0x3D50] =	vst v0;
	(pc) =	sbr.rel @p0 .LBB2_1-.Ltmp0, $4  }
0x14: {  	[tilespmem:s0+$0x5150] =	vst v0  }
0x15: {  	[tilespmem:s0+$0x3D60] =	vst v0  }
0x16: {  	[tilespmem:s0+$0x5160] =	vst v0  }
0x17: {  	[tilespmem:s0+$0x3D70] =	vst v0;
	s0 =	sshra.s32 s3, $0x2;
	s3 =	sadd.s32 $0x200, s3  }
0x18: {  	[tilespmem:s0+$0x5170] =	vst v0  }
0x19: {  	[tilespmem:s0+$0x3D00] =	vst v0  }
0x1a: {  	[tilespmem:s0+$0x5100] =	vst v0  }
0x1b: {  	[tilespmem:s0+$0x3D10] =	vst v0  }
0x1c: {  	[tilespmem:s0+$0x5110] =	vst v0  }
0x1d: {  	[tilespmem:s0+$0x3D20] =	vst v0  }
0x1e: {  	[tilespmem:s0+$0x5120] =	vst v0  }
0x1f: {  	[tilespmem:s0+$0x3D30] =	vst v0  }
0x20: {  	[tilespmem:s0+$0x5130] =	vst v0  }
0x21: {  	[tilespmem:s0+$0x3D40] =	vst v0  }
0x22: {  	[tilespmem:s0+$0x5140] =	vst v0  }
0x23: {  	[tilespmem:s0+$0x3D50] =	vst v0  }
0x24: {  	[tilespmem:s0+$0x5150] =	vst v0;
	s3 =	smul.u32 $0x50000, s1  }
0x25: {  	[tilespmem:s0+$0x3D60] =	vst v0  }
0x26: {  	[tilespmem:s0+$0x5160] =	vst v0;
	s29 =	simm.s32 $0x3D00;
	s3 =	sshrl.u32 s3, $0x2  }
0x27: {  	[tilespmem:s0+$0x3D70] =	vst v0;
	s30 =	simm.s32 $0x2;
	[dreg:$0x5] =	wrdreg s3;
	s7 =	sadd.s32 s3, s2  }
0x28: {  	[spmem:s7] =	stream.linear.scatter [tilespmem:s29], [sflag:$0x2], $0x1400, $0x38;
	[tilespmem:$0x1A780] =	vst v63  }
0x29: {  	_ =	swait.ge [sflag:s30], $0x1400  }
0x2a: {  	s17 =	sadd.s32 $0x1400, s7;
	[sflag:s30] =	ssyncset.done $0x0  }
0x2b: {  	[dreg:$0x6] =	wrdreg s17;
	[sflag:s30] =	ssyncadd.s32 $0xFFFFEC00  }
0x2c: {  	[spmem:s17] =	stream.linear.scatter [tilespmem:s29], [sflag:$0x2], $0x1400, $0x38;
	[tilespmem:$0x1A780] =	vst v63  }
0x2d: {  	_ =	swait.ge [sflag:s30], $0x1400  }
0x2e: {  	s18 =	sadd.s32 $0x2800, s7;
	[sflag:s30] =	ssyncset.done $0x0  }
0x2f: {  	[dreg:$0x7] =	wrdreg s18;
	[sflag:s30] =	ssyncadd.s32 $0xFFFFEC00  }
0x30: {  	[spmem:s18] =	stream.linear.scatter [tilespmem:s29], [sflag:$0x2], $0x1400, $0x38;
	[tilespmem:$0x1A780] =	vst v63  }
0x31: {  	_ =	swait.ge [sflag:s30], $0x1400  }
0x32: {  	s19 =	sadd.s32 $0x3C00, s7;
	[sflag:s30] =	ssyncset.done $0x0  }
0x33: {  	[dreg:$0x8] =	wrdreg s19;
	[sflag:s30] =	ssyncadd.s32 $0xFFFFEC00  }
0x34: {  	[spmem:s19] =	stream.linear.scatter [tilespmem:s29], [sflag:$0x2], $0x1400, $0x38;
	[tilespmem:$0x1A780] =	vst v63  }
0x35: {  	_ =	swait.ge [sflag:s30], $0x1400  }
0x36: {  	s20 =	sadd.s32 $0x5000, s7;
	[sflag:s30] =	ssyncset.done $0x0  }
0x37: {  	[dreg:$0x9] =	wrdreg s20;
	[sflag:s30] =	ssyncadd.s32 $0xFFFFEC00  }
0x38: {  	[spmem:s20] =	stream.linear.scatter [tilespmem:s29], [sflag:$0x2], $0x1400, $0x38;
	[tilespmem:$0x1A780] =	vst v63  }
0x39: {  	_ =	swait.ge [sflag:s30], $0x1400  }
0x3a: {  	s21 =	sadd.s32 $0x6400, s7;
	[sflag:s30] =	ssyncset.done $0x0  }
0x3b: {  	[dreg:$0xa] =	wrdreg s21;
	[sflag:s30] =	ssyncadd.s32 $0xFFFFEC00  }
0x3c: {  	[spmem:s21] =	stream.linear.scatter [tilespmem:s29], [sflag:$0x2], $0x1400, $0x38;
	[tilespmem:$0x1A780] =	vst v63  }
0x3d: {  	_ =	swait.ge [sflag:s30], $0x1400  }
0x3e: {  	s22 =	sadd.s32 $0x7800, s7;
	[sflag:s30] =	ssyncset.done $0x0  }
0x3f: {  	[dreg:$0xb] =	wrdreg s22;
	[sflag:s30] =	ssyncadd.s32 $0xFFFFEC00  }
0x40: {  	[spmem:s22] =	stream.linear.scatter [tilespmem:s29], [sflag:$0x2], $0x1400, $0x38;
	[tilespmem:$0x1A780] =	vst v63  }
0x41: {  	_ =	swait.ge [sflag:s30], $0x1400  }
0x42: {  	s23 =	sadd.s32 $0x8C00, s7;
	[sflag:s30] =	ssyncset.done $0x0  }
0x43: {  	[dreg:$0xc] =	wrdreg s23;
	[sflag:s30] =	ssyncadd.s32 $0xFFFFEC00  }
0x44: {  	[spmem:s23] =	stream.linear.scatter [tilespmem:s29], [sflag:$0x2], $0x1400, $0x38;
	[tilespmem:$0x1A780] =	vst v63  }
0x45: {  	_ =	swait.ge [sflag:s30], $0x1400  }
0x46: {  	s24 =	sadd.s32 $0xA000, s7;
	[sflag:s30] =	ssyncset.done $0x0  }
0x47: {  	[dreg:$0xd] =	wrdreg s24;
	[sflag:s30] =	ssyncadd.s32 $0xFFFFEC00  }
0x48: {  	[spmem:s24] =	stream.linear.scatter [tilespmem:s29], [sflag:$0x2], $0x1400, $0x38;
	[tilespmem:$0x1A780] =	vst v63  }
0x49: {  	_ =	swait.ge [sflag:s30], $0x1400  }
0x4a: {  	[sflag:s30] =	ssyncset.done $0x0  }
0x4b: {  	s17 =	sadd.s32 $0xB400, s7;
	[sflag:s30] =	ssyncadd.s32 $0xFFFFEC00  }
0x4c: {  	[spmem:s17] =	stream.linear.scatter [tilespmem:s29], [sflag:$0x2], $0x1400, $0x38;
	[tilespmem:$0x1A780] =	vst v63  }
0x4d: {  	_ =	swait.ge [sflag:s30], $0x1400  }
0x4e: {  	[sflag:s30] =	ssyncset.done $0x0  }
0x4f: {  	s18 =	sadd.s32 $0xC800, s7;
	[sflag:s30] =	ssyncadd.s32 $0xFFFFEC00  }
0x50: {  	[spmem:s18] =	stream.linear.scatter [tilespmem:s29], [sflag:$0x2], $0x1400, $0x38;
	[tilespmem:$0x1A780] =	vst v63  }
0x51: {  	_ =	swait.ge [sflag:s30], $0x1400  }
0x52: {  	[sflag:s30] =	ssyncset.done $0x0  }
0x53: {  	s20 =	sadd.s32 $0xDC00, s7;
	[sflag:s30] =	ssyncadd.s32 $0xFFFFEC00  }
0x54: {  	[spmem:s20] =	stream.linear.scatter [tilespmem:s29], [sflag:$0x2], $0x1400, $0x38;
	[tilespmem:$0x1A780] =	vst v63  }
0x55: {  	_ =	swait.ge [sflag:s30], $0x1400  }
0x56: {  	[sflag:s30] =	ssyncset.done $0x0  }
0x57: {  	s21 =	sadd.s32 $0xF000, s7;
	[sflag:s30] =	ssyncadd.s32 $0xFFFFEC00  }
0x58: {  	[spmem:s21] =	stream.linear.scatter [tilespmem:s29], [sflag:$0x2], $0x1400, $0x38;
	[tilespmem:$0x1A780] =	vst v63  }
0x59: {  	_ =	swait.ge [sflag:s30], $0x1400  }
0x5a: {  	[sflag:s30] =	ssyncset.done $0x0  }
0x5b: {  	s22 =	sadd.s32 $0x10400, s7;
	[sflag:s30] =	ssyncadd.s32 $0xFFFFEC00  }
0x5c: {  	[spmem:s22] =	stream.linear.scatter [tilespmem:s29], [sflag:$0x2], $0x1400, $0x38;
	[tilespmem:$0x1A780] =	vst v63  }
0x5d: {  	_ =	swait.ge [sflag:s30], $0x1400  }
0x5e: {  	[sflag:s30] =	ssyncset.done $0x0  }
0x5f: {  	s23 =	sadd.s32 $0x11800, s7;
	[sflag:s30] =	ssyncadd.s32 $0xFFFFEC00  }
0x60: {  	[spmem:s23] =	stream.linear.scatter [tilespmem:s29], [sflag:$0x2], $0x1400, $0x38;
	[tilespmem:$0x1A780] =	vst v63  }
0x61: {  	_ =	swait.ge [sflag:s30], $0x1400  }
0x62: {  	[sflag:s30] =	ssyncset.done $0x0  }
0x63: {  	s31 =	simm.s32 $0x0;
	s24 =	sadd.s32 $0x12C00, s7;
	[sflag:s30] =	ssyncadd.s32 $0xFFFFEC00  }
0x64: {  	[spmem:s24] =	stream.linear.scatter [tilespmem:s29], [sflag:$0x2], $0x1400, $0x38;
	[tilespmem:$0x1A780] =	vst v63  }
0x65: {  	s0 =	simm.s32 $0x80;
	s6 =	simm.s32 $0x1500;
	_ =	swait.ge [sflag:s30], $0x1400  }
0x66: {  	vm0 =	vmmov $0x1;
	vm1 =	vcmask $0x320;
	s8 =	simm.s32 $0x2900;
	s9 =	simm.s32 $0x1;
	[sflag:s30] =	ssyncset.done $0x0  }
0x67: {  	vm2 =	vcmask $0x720;
	vm3 =	vcmask $0xB20;
	vm4 =	vcmask $0xF20;
	s10 =	simm.s32 $0x6500;
	s11 =	simm.s32 $0x0;
	[sflag:s30] =	ssyncadd.s32 $0xFFFFEC00  }
0x68: {  	vm5 =	vcmask $0x1320;
	vm6 =	vcmask $0x1720;
	vm7 =	vcmask $0x1B20;
	s3 =	simm.s32 $0x28;
	s19 =	simm.s32 $0x100;
	[bflag:$0x0] =	sbarrier.arrive $0xFFFF  }
.LBB2_3:
0x69: {  	s12 =	sshll.u32 s11, $0x4  }
0x6a: {  	s12 =	sor.u32 s1, s12  }
0x6b: {  	s13 =	smul.u32 $0x5, s12;
	_ =	sdelay $0x1  }
0x6c: {  	s14 =	sadd.s32 s4, s13  }
0x6d: {  	[tilespmem:s31], [sflag:$0x2] =	stream.linear.gather [hbm4b:s14+s31], $0x28, $0x38;
	[tilespmem:$0x1A780] =	vst v63  }
0x6e: {  	_ =	swait.ge [sflag:s30], $0x28  }
0x6f: {  	[sflag:s30] =	ssyncset.done $0x0  }
0x70: {  	s13 =	sadd.s32 s25, s13;
	[sflag:s30] =	ssyncadd.s32 $0xFFFFFFD8  }
0x71: {  	[tilespmem:s0], [sflag:$0x2] =	stream.linear.gather [hbm4b:s13+s31], $0x28, $0x38;
	[tilespmem:$0x1A780] =	vst v63  }
0x72: {  	_ =	swait.ge [sflag:s30], $0x28  }
0x73: {  	[sflag:s30] =	ssyncset.done $0x0  }
0x74: {  	[sflag:s30] =	ssyncadd.s32 $0xFFFFFFD8  }
0x75: {  	[tilespmem:s19], [sflag:$0x1] =	stream.indirect.gather [hbm4b:s16+s3], $0x80, s31, s3, $0xb8;
	[tilespmem:$0x1A780] =	vst v63  }
0x76: {  	_ = 	snop  }
0x77: {  	[tilespmem:s6], [sflag:$0x1] =	stream.indirect.gather [hbm4b:s26+s3], $0x80, s0, s3, $0xb8;
	[tilespmem:$0x1A780] =	vst v63  }
0x78: {  	_ = 	snop  }
0x79: {  	[tilespmem:s8], [sflag:$0x1] =	stream.indirect.gather [hbm4b:s28+s3], $0x80, s0, s3, $0xb8;
	[tilespmem:$0x1A780] =	vst v63  }
0x7a: {  	_ =	swait.ge [sflag:s9], $0x1400  }
0x7b: {  	[sflag:s9] =	ssyncset.done $0x0  }
0x7c: {  	[sflag:s9] =	ssyncadd.s32 $0xFFFFEC00  }
0x7d: {  	_ =	swait.ge [sflag:s9], $0x1400  }
0x7e: {  	[sflag:s9] =	ssyncset.done $0x0  }
0x7f: {  	[sflag:s9] =	ssyncadd.s32 $0xFFFFEC00  }
0x80: {  	_ =	swait.ge [sflag:s9], $0x1400  }
0x81: {  	[sflag:s9] =	ssyncset.done $0x0  }
0x82: {  	s14 =	simm.s32 $0x0;
	s13 =	simm.s32 $0x6500;
	[sflag:s9] =	ssyncadd.s32 $0xFFFFEC00  }
.LBB2_4:
0x83: {  	s15 =	sshra.s32 s14, $0x2  }
0x84: {  	v0 =	vld [tilespmem:s15+$0x100]  }
0x85: {  	v1 =	vld [tilespmem:s15+$0x1500]  }
0x86: {  	v2 =	vld [tilespmem:s15+$0x110]  }
0x87: {  	v3 =	vld [tilespmem:s15+$0x1510]  }
0x88: {  	v4 =	vld [tilespmem:s15+$0x120]  }
0x89: {  	v5 =	vld [tilespmem:s15+$0x1520]  }
0x8a: {  	v6 =	vld [tilespmem:s15+$0x130]  }
0x8b: {  	v7 =	vld [tilespmem:s15+$0x1530]  }
0x8c: {  	v8 =	vld [tilespmem:s15+$0x140]  }
0x8d: {  	v9 =	vld [tilespmem:s15+$0x1540]  }
0x8e: {  	v10 =	vld [tilespmem:s15+$0x150]  }
0x8f: {  	v20 =	vld [tilespmem:s15+$0x1550];
	v0 =	vmul.f32 v1, v0  }
0x90: {  	v21 =	vld [tilespmem:s15+$0x160];
	v2 =	vmul.f32 v3, v2  }
0x91: {  	v23 =	vld [tilespmem:s15+$0x1560];
	v22 =	vmul.f32 v5, v4;
	(xrf2) =	vadd.scan.msk.f32 $0xffff, v0  }
0x92: {  	v25 =	vld [tilespmem:s15+$0x170];
	v24 =	vmul.f32 v7, v6;
	(xrf2) =	vadd.scan.msk.f32 $0xffff, v2  }
0x93: {  	v26 =	vld [tilespmem:s15+$0x1570];
	(xrf2) =	vadd.scan.msk.f32 $0xffff, v22  }
0x94: {  	v27 =	vmul.f32 v9, v8;
	(xrf2) =	vadd.scan.msk.f32 $0xffff, v24  }
0x95: {  	v1 =	vmul.f32 v20, v10  }
0x96: {  	(xrf2) =	vadd.scan.msk.f32 $0xffff, v27  }
0x97: {  	v28 =	vmul.f32 v23, v21;
	(xrf2) =	vadd.scan.msk.f32 $0xffff, v1  }
0x98: {  	v0 =	vmul.f32 v26, v25  }
0x99: {  	(xrf2) =	vadd.scan.msk.f32 $0xffff, v28  }
0x9a: {  	(xrf2) =	vadd.scan.msk.f32 $0xffff, v0  }
0x9b: {  	v29, _, _ =	vpop (xrf2)  }
0x9c: {  	v30, _, _ =	vpop (xrf2);
	v0 =	vmul.f32 $1.442695020e+00, v29  }
0x9d: {  	v31, _, _ =	vpop (xrf2);
	v1 =	vmul.f32 $1.442695020e+00, v30  }
0x9e: {  	v32, _, _ =	vpop (xrf2);
	v0 =	vbroadcast v0, $0xF;
	v2 =	vmul.f32 $1.442695020e+00, v31  }
0x9f: {  	v1 =	vbroadcast v1, $0xF;
	v3 =	vmul.f32 $1.442695020e+00, v32  }
0xa0: {  	v34, _, _ =	vpop (xrf2);
	(erf) = vpow2.f32 v0;
	v33 =	vbroadcast v2, $0xF  }
0xa1: {  	v36, _, _ =	vpop (xrf2);
	v37 =	vmul.f32 $1.442695020e+00, v34;
	(erf) = vpow2.f32 v1  }
0xa2: {  	v35 =	vbroadcast v3, $0xF;
	v39 =	vmul.f32 $1.442695020e+00, v36  }
0xa3: {  	v38, _, _ =	vpop (xrf2);
	(erf) = vpow2.f32 v33;
	v0 =	vbroadcast v37, $0xF  }
0xa4: {  	v2 =	vmul.f32 $1.442695020e+00, v38;
	v40, _, _ =	vpop (xrf2);
	(erf) = vpow2.f32 v35  }
0xa5: {  	v1 =	vbroadcast v39, $0xF;
	v3 =	vmul.f32 $1.442695020e+00, v40  }
0xa6: {  	(erf) = vpow2.f32 v0;
	v41 =	vbroadcast v2, $0xF  }
0xa7: {  	v42 =	vld [tilespmem:s15+$0x2900];
	(erf) = vpow2.f32 v1;
	v43 =	vbroadcast v3, $0xF  }
0xa8: {  	v44 =	vld [tilespmem:s15+$0x2910];
	(erf) = vpow2.f32 v41  }
0xa9: {  	v45 =	vld [tilespmem:s15+$0x2920];
	(erf) = vpow2.f32 v43  }
0xaa: {  	v46 =	vld [tilespmem:s15+$0x2930]  }
0xab: {  	v48 =	vld [tilespmem:s15+$0x2940];
	v47 =	vpop (erf)  }
0xac: {  	v50 =	vld [tilespmem:s15+$0x2950];
	v49 =	vpop (erf);
	v2 =	vmul.f32 v47, v42  }
0xad: {  	v52 =	vld [tilespmem:s15+$0x2960];
	v51 =	vpop (erf);
	v3 =	vmul.f32 v49, v44  }
0xae: {  	v55 =	vld [tilespmem:s15+$0x2970];
	v54 =	vnsel vm0, $0x0, v47;
	v53 =	vpop (erf);
	[tilespmem:s15+$0x3D00] =	vst v2;
	v0 =	vmul.f32 v51, v45  }
0xaf: {  	v2 =	vsel vm1, v54, v49;
	v11 =	vpop (erf);
	[tilespmem:s15+$0x3D10] =	vst v3;
	v1 =	vmul.f32 v53, v46  }
0xb0: {  	v57 =	vsel vm2, v2, v51;
	v56 =	vpop (erf);
	[tilespmem:s15+$0x3D20] =	vst v0;
	v58 =	vmul.f32 v11, v48  }
0xb1: {  	p0 =	sne.s32 s14, $0x4E00;
	v0 =	vsel vm3, v57, v53;
	v59 =	vpop (erf);
	[tilespmem:s15+$0x3D30] =	vst v1;
	v60 =	vmul.f32 v56, v50  }
.Ltmp1:
0xb2: {  	v0 =	vsel vm4, v0, v11;
	[tilespmem:s15+$0x3D40] =	vst v58;
	v61 =	vmul.f32 v59, v52;
	v62 =	vpop (erf);
	(pc) =	sbr.rel @p0 .LBB2_4-.Ltmp1, $4  }
0xb3: {  	v0 =	vsel vm5, v0, v56;
	[tilespmem:s15+$0x3D50] =	vst v60;
	v63 =	vmul.f32 v62, v55  }
0xb4: {  	v0 =	vsel vm6, v0, v59;
	[tilespmem:s15+$0x3D60] =	vst v61  }
0xb5: {  	v0 =	vsel vm7, v0, v62;
	[tilespmem:s15+$0x3D70] =	vst v63  }
0xb6: {  	s14 =	sadd.s32 $0x200, s14;
	[tilespmem:s13+$0x0] =	vst v0;
	s13 =	sadd.s32 $0x10, s13  }
0xb7: {  	[spmem:s2] =	stream.indirect.scatter.add.f32 [tilespmem:s29], [sflag:$0x2], $0x80, s31, s3, $0xb8;
	[tilespmem:$0x1A780] =	vst v63  }
0xb8: {  	s12 =	smul.u32 $0x50, s12;
	s11 =	sadd.s32 $0x1, s11;
	_ =	swait.ge [sflag:s30], $0x1400  }
0xb9: {  	p0 =	sne.s32 s11, $0xFA;
	[sflag:s30] =	ssyncset.done $0x0  }
.Ltmp2:
0xba: {  	s12 =	sadd.s32 s5, s12;
	[sflag:s30] =	ssyncadd.s32 $0xFFFFEC00;
	(pc) =	sbr.rel @p0 .LBB2_3-.Ltmp2, $4  }
0xbb: {  	[hbm4b:s12+s31] =	stream.linear.scatter [tilespmem:s10], [sflag:$0x2], $0x280, $0x38;
	[tilespmem:$0x1A780] =	vst v63  }
0xbc: {  	_ =	swait.ge [sflag:s30], $0x280  }
0xbd: {  	[sflag:s30] =	ssyncset.done $0x0  }
0xbe: {  	[sflag:s30] =	ssyncadd.s32 $0xFFFFFD80  }
0xbf: {  	[bflag:$0x0] =	sbarrier.arrive $0xFFFF;
	s3 =	simm.s32 $0x3D00;
	s0 =	simm.s32 $0x2  }
0xc0: {  	[tilespmem:s3], [sflag:$0x2] =	stream.linear.gather [spmem:s7], $0x1400, $0x38;
	[tilespmem:$0x1A780] =	vst v63  }
0xc1: {  	s16 =	smul.u32 $0x2800, s1;
	_ =	swait.ge [sflag:s0], $0x1400  }
0xc2: {  	s6 =	rddreg [dreg:$0xe]  }
0xc3: {  	[sflag:s0] =	ssyncset.done $0x0;
	s6 =	sadd.s32 s16, s6  }
0xc4: {  	s8 =	simm.s32 $0x0;
	[sflag:s0] =	ssyncadd.s32 $0xFFFFEC00;
	s9 =	sadd.s32 $0x0, s6  }
0xc5: {  	[hbm4b:s9+s8] =	stream.linear.scatter [tilespmem:s3], [sflag:$0x2], $0x1400, $0x38;
	[tilespmem:$0x1A780] =	vst v63  }
0xc6: {  	_ =	swait.ge [sflag:s0], $0x1400  }
0xc7: {  	s10 =	smov.u32 s7;
	s9 =	simm.s32 $0x280;
	[sflag:s0] =	ssyncset.done $0x0  }
.LBB2_7:
0xc8: {  	p0 =	sne.s32 s9, $0x2580;
	[sflag:s0] =	ssyncadd.s32 $0xFFFFEC00;
	s10 =	sadd.s32 $0x1400, s10  }
0xc9: {  	[tilespmem:s3], [sflag:$0x2] =	stream.linear.gather [spmem:s10], $0x1400, $0x38;
	[tilespmem:$0x1A780] =	vst v63  }
0xca: {  	s11 =	smov.u32 s9;
	s9 =	sadd.s32 $0x280, s9;
	_ =	swait.ge [sflag:s0], $0x1400  }
.Ltmp3:
0xcb: {  	[sflag:s0] =	ssyncset.done $0x0;
	(pc) =	sbr.rel @p0 .LBB2_7-.Ltmp3, $4  }
0xcc: {  	s11 =	sadd.s32 s11, s6;
	[sflag:s0] =	ssyncadd.s32 $0xFFFFEC00  }
0xcd: {  	[hbm4b:s11+s8] =	stream.linear.scatter [tilespmem:s3], [sflag:$0x2], $0x1400, $0x38;
	[tilespmem:$0x1A780] =	vst v63  }
0xce: {  	_ =	swait.ge [sflag:s0], $0x1400  }
0xcf: {  	[sflag:s0] =	ssyncset.done $0x0  }
0xd0: {  	[sflag:s0] =	ssyncadd.s32 $0xFFFFEC00  }
0xd1: {  	v0 =	vimm.f32 $0.0e+00;
	s0 =	simm.s32 $0x0;
	s3 =	simm.s32 $0x200;
	[bflag:$0x0] =	sbarrier.arrive $0xFFFF  }
.LBB2_9:
0xd2: {  	p0 =	seq.s32 s3, $0x4E00;
	[tilespmem:s0+$0x3D70] =	vst v0  }
0xd3: {  	[tilespmem:s0+$0x3D00] =	vst v0  }
0xd4: {  	[tilespmem:s0+$0x3D10] =	vst v0  }
.Ltmp4:
0xd5: {  	[tilespmem:s0+$0x3D20] =	vst v0;
	(pc) =	sbr.rel @!p0 .LBB2_9-.Ltmp4, $4  }
0xd6: {  	[tilespmem:s0+$0x3D30] =	vst v0  }
0xd7: {  	[tilespmem:s0+$0x3D40] =	vst v0  }
0xd8: {  	[tilespmem:s0+$0x3D50] =	vst v0  }
0xd9: {  	[tilespmem:s0+$0x3D60] =	vst v0;
	s0 =	sshra.s32 s3, $0x2;
	s3 =	sadd.s32 $0x200, s3  }
0xda: {  	[tilespmem:s0+$0x3D70] =	vst v0  }
0xdb: {  	[tilespmem:s0+$0x3D00] =	vst v0  }
0xdc: {  	[tilespmem:s0+$0x3D10] =	vst v0  }
0xdd: {  	[tilespmem:s0+$0x3D20] =	vst v0  }
0xde: {  	[tilespmem:s0+$0x3D30] =	vst v0  }
0xdf: {  	[tilespmem:s0+$0x3D40] =	vst v0  }
0xe0: {  	[tilespmem:s0+$0x3D50] =	vst v0  }
0xe1: {  	[tilespmem:s0+$0x3D60] =	vst v0;
	s3 =	simm.s32 $0x3D00;
	s0 =	simm.s32 $0x2  }
0xe2: {  	[spmem:s7] =	stream.linear.scatter [tilespmem:s3], [sflag:$0x2], $0x1400, $0x38;
	[tilespmem:$0x1A780] =	vst v63  }
0xe3: {  	_ =	swait.ge [sflag:s0], $0x1400  }
0xe4: {  	[sflag:s0] =	ssyncset.done $0x0  }
0xe5: {  	s6 =	rddreg [dreg:$0x6];
	[sflag:s0] =	ssyncadd.s32 $0xFFFFEC00  }
0xe6: {  	[spmem:s6] =	stream.linear.scatter [tilespmem:s3], [sflag:$0x2], $0x1400, $0x38;
	[tilespmem:$0x1A780] =	vst v63  }
0xe7: {  	_ =	swait.ge [sflag:s0], $0x1400  }
0xe8: {  	[sflag:s0] =	ssyncset.done $0x0  }
0xe9: {  	s19 =	rddreg [dreg:$0x7];
	[sflag:s0] =	ssyncadd.s32 $0xFFFFEC00  }
0xea: {  	[spmem:s19] =	stream.linear.scatter [tilespmem:s3], [sflag:$0x2], $0x1400, $0x38;
	[tilespmem:$0x1A780] =	vst v63  }
0xeb: {  	_ =	swait.ge [sflag:s0], $0x1400  }
0xec: {  	[sflag:s0] =	ssyncset.done $0x0  }
0xed: {  	s25 =	rddreg [dreg:$0x8];
	[sflag:s0] =	ssyncadd.s32 $0xFFFFEC00  }
0xee: {  	[spmem:s25] =	stream.linear.scatter [tilespmem:s3], [sflag:$0x2], $0x1400, $0x38;
	[tilespmem:$0x1A780] =	vst v63  }
0xef: {  	_ =	swait.ge [sflag:s0], $0x1400  }
0xf0: {  	[sflag:s0] =	ssyncset.done $0x0  }
0xf1: {  	s26 =	rddreg [dreg:$0x9];
	[sflag:s0] =	ssyncadd.s32 $0xFFFFEC00  }
0xf2: {  	[spmem:s26] =	stream.linear.scatter [tilespmem:s3], [sflag:$0x2], $0x1400, $0x38;
	[tilespmem:$0x1A780] =	vst v63  }
0xf3: {  	_ =	swait.ge [sflag:s0], $0x1400  }
0xf4: {  	[sflag:s0] =	ssyncset.done $0x0  }
0xf5: {  	s28 =	rddreg [dreg:$0xa];
	[sflag:s0] =	ssyncadd.s32 $0xFFFFEC00  }
0xf6: {  	[spmem:s28] =	stream.linear.scatter [tilespmem:s3], [sflag:$0x2], $0x1400, $0x38;
	[tilespmem:$0x1A780] =	vst v63  }
0xf7: {  	_ =	swait.ge [sflag:s0], $0x1400  }
0xf8: {  	[sflag:s0] =	ssyncset.done $0x0  }
0xf9: {  	s29 =	rddreg [dreg:$0xb];
	[sflag:s0] =	ssyncadd.s32 $0xFFFFEC00  }
0xfa: {  	[spmem:s29] =	stream.linear.scatter [tilespmem:s3], [sflag:$0x2], $0x1400, $0x38;
	[tilespmem:$0x1A780] =	vst v63  }
0xfb: {  	_ =	swait.ge [sflag:s0], $0x1400  }
0xfc: {  	[sflag:s0] =	ssyncset.done $0x0  }
0xfd: {  	s30 =	rddreg [dreg:$0xc];
	[sflag:s0] =	ssyncadd.s32 $0xFFFFEC00  }
0xfe: {  	[spmem:s30] =	stream.linear.scatter [tilespmem:s3], [sflag:$0x2], $0x1400, $0x38;
	[tilespmem:$0x1A780] =	vst v63  }
0xff: {  	_ =	swait.ge [sflag:s0], $0x1400  }
0x100: {  	[sflag:s0] =	ssyncset.done $0x0  }
0x101: {  	s31 =	rddreg [dreg:$0xd];
	[sflag:s0] =	ssyncadd.s32 $0xFFFFEC00  }
0x102: {  	[spmem:s31] =	stream.linear.scatter [tilespmem:s3], [sflag:$0x2], $0x1400, $0x38;
	[tilespmem:$0x1A780] =	vst v63  }
0x103: {  	_ =	swait.ge [sflag:s0], $0x1400  }
0x104: {  	[sflag:s0] =	ssyncset.done $0x0  }
0x105: {  	[sflag:s0] =	ssyncadd.s32 $0xFFFFEC00  }
0x106: {  	[spmem:s17] =	stream.linear.scatter [tilespmem:s3], [sflag:$0x2], $0x1400, $0x38;
	[tilespmem:$0x1A780] =	vst v63  }
0x107: {  	_ =	swait.ge [sflag:s0], $0x1400  }
0x108: {  	[sflag:s0] =	ssyncset.done $0x0  }
0x109: {  	[sflag:s0] =	ssyncadd.s32 $0xFFFFEC00  }
0x10a: {  	[spmem:s18] =	stream.linear.scatter [tilespmem:s3], [sflag:$0x2], $0x1400, $0x38;
	[tilespmem:$0x1A780] =	vst v63  }
0x10b: {  	_ =	swait.ge [sflag:s0], $0x1400  }
0x10c: {  	[sflag:s0] =	ssyncset.done $0x0  }
0x10d: {  	[sflag:s0] =	ssyncadd.s32 $0xFFFFEC00  }
0x10e: {  	[spmem:s20] =	stream.linear.scatter [tilespmem:s3], [sflag:$0x2], $0x1400, $0x38;
	[tilespmem:$0x1A780] =	vst v63  }
0x10f: {  	_ =	swait.ge [sflag:s0], $0x1400  }
0x110: {  	[sflag:s0] =	ssyncset.done $0x0  }
0x111: {  	[sflag:s0] =	ssyncadd.s32 $0xFFFFEC00  }
0x112: {  	[spmem:s21] =	stream.linear.scatter [tilespmem:s3], [sflag:$0x2], $0x1400, $0x38;
	[tilespmem:$0x1A780] =	vst v63  }
0x113: {  	_ =	swait.ge [sflag:s0], $0x1400  }
0x114: {  	[sflag:s0] =	ssyncset.done $0x0  }
0x115: {  	[sflag:s0] =	ssyncadd.s32 $0xFFFFEC00  }
0x116: {  	[spmem:s22] =	stream.linear.scatter [tilespmem:s3], [sflag:$0x2], $0x1400, $0x38;
	[tilespmem:$0x1A780] =	vst v63  }
0x117: {  	_ =	swait.ge [sflag:s0], $0x1400  }
0x118: {  	[sflag:s0] =	ssyncset.done $0x0  }
0x119: {  	[sflag:s0] =	ssyncadd.s32 $0xFFFFEC00  }
0x11a: {  	[spmem:s23] =	stream.linear.scatter [tilespmem:s3], [sflag:$0x2], $0x1400, $0x38;
	[tilespmem:$0x1A780] =	vst v63  }
0x11b: {  	_ =	swait.ge [sflag:s0], $0x1400  }
0x11c: {  	[sflag:s0] =	ssyncset.done $0x0  }
0x11d: {  	[sflag:s0] =	ssyncadd.s32 $0xFFFFEC00  }
0x11e: {  	[spmem:s24] =	stream.linear.scatter [tilespmem:s3], [sflag:$0x2], $0x1400, $0x38;
	[tilespmem:$0x1A780] =	vst v63  }
0x11f: {  	_ =	swait.ge [sflag:s0], $0x1400  }
0x120: {  	s8 =	simm.s32 $0x5100;
	[sflag:s0] =	ssyncset.done $0x0  }
0x121: {  	s9 =	simm.s32 $0x0;
	s7 =	simm.s32 $0x28;
	[sflag:s0] =	ssyncadd.s32 $0xFFFFEC00  }
0x122: {  	s6 =	simm.s32 $0x6500;
	s3 =	simm.s32 $0x0;
	[bflag:$0x0] =	sbarrier.arrive $0xFFFF  }
.LBB2_11:
0x123: {  	s10 =	sshll.u32 s9, $0x4  }
0x124: {  	s10 =	sor.u32 s1, s10  }
0x125: {  	s11 =	smul.u32 $0x5, s10;
	_ =	sdelay $0x1  }
0x126: {  	s11 =	sadd.s32 s4, s11  }
0x127: {  	[tilespmem:s3], [sflag:$0x2] =	stream.linear.gather [hbm4b:s11+s3], $0x28, $0x38;
	[tilespmem:$0x1A780] =	vst v63  }
0x128: {  	s10 =	smul.u32 $0x50, s10;
	_ =	swait.ge [sflag:s0], $0x28  }
0x129: {  	[sflag:s0] =	ssyncset.done $0x0  }
0x12a: {  	s10 =	sadd.s32 s5, s10;
	[sflag:s0] =	ssyncadd.s32 $0xFFFFFFD8  }
0x12b: {  	[tilespmem:s6], [sflag:$0x2] =	stream.linear.gather [hbm4b:s10+s3], $0x280, $0x38;
	[tilespmem:$0x1A780] =	vst v63  }
0x12c: {  	_ =	swait.ge [sflag:s0], $0x280  }
0x12d: {  	[sflag:s0] =	ssyncset.done $0x0  }
0x12e: {  	s31 =	simm.s32 $0x0;
	[sflag:s0] =	ssyncadd.s32 $0xFFFFFD80  }
0x12f: {  	v0 =	vld [tilespmem:s31+$0x6500];
	_ =	sdelay $0x3  }
0x130: {  	s11 =	simm.s32 $0x5100;
	s10 =	simm.s32 $0x40  }
.LBB2_12:
0x131: {  	s12 =	sshra.s32 s10, $0x2;
	p0 =	sne.s32 s10, $0x9C0;
	s10 =	sadd.s32 $0x40, s10;
	[tilespmem:s11+$0x0] =	vst v0  }
.Ltmp5:
0x132: {  	v0 =	vld [tilespmem:s12+$0x6500];
	(pc) =	sbr.rel @p0 .LBB2_12-.Ltmp5, $2  }
0x133: {  	_ =	sdelay $0x2  }
0x134: {  	s11 =	sadd.s32 $0x80, s11  }
0x135: {  	s9 =	sadd.s32 $0x1, s9  }
0x136: {  	p0 =	sne.s32 s9, $0xFA  }
.Ltmp6:
0x137: {  	[tilespmem:s11+$0x0] =	vst v0;
	(pc) =	sbr.rel @p0 .LBB2_11-.Ltmp6, $4  }
0x138: {  	[spmem:s2] =	stream.indirect.scatter.add.f32 [tilespmem:s8], [sflag:$0x2], $0x80, s3, s7, $0xb8;
	[tilespmem:$0x1A780] =	vst v63  }
0x139: {  	_ =	swait.ge [sflag:s0], $0x1400  }
0x13a: {  	[sflag:s0] =	ssyncset.done $0x0  }
0x13b: {  	[sflag:s0] =	ssyncadd.s32 $0xFFFFEC00  }
0x13c: {  	[bflag:$0x0] =	sbarrier.arrive $0xFFFF  }
0x13d: {  	s0 =	rddreg [dreg:$0x5]  }
0x13e: {  	s3 =	simm.s32 $0x3D00;
	s0 =	sadd.s32 s0, s2;
	s2 =	simm.s32 $0x2  }
0x13f: {  	[tilespmem:s3], [sflag:$0x2] =	stream.linear.gather [spmem:s0], $0x1400, $0x38;
	[tilespmem:$0x1A780] =	vst v63  }
0x140: {  	_ =	swait.ge [sflag:s2], $0x1400  }
0x141: {  	s4 =	rddreg [dreg:$0x4]  }
0x142: {  	[sflag:s2] =	ssyncset.done $0x0;
	s4 =	sadd.s32 s16, s4  }
0x143: {  	s5 =	simm.s32 $0x0;
	[sflag:s2] =	ssyncadd.s32 $0xFFFFEC00;
	s6 =	sadd.s32 $0x0, s4  }
0x144: {  	[hbm4b:s6+s5] =	stream.linear.scatter [tilespmem:s3], [sflag:$0x2], $0x1400, $0x38;
	[tilespmem:$0x1A780] =	vst v63  }
0x145: {  	_ =	swait.ge [sflag:s2], $0x1400  }
0x146: {  	s6 =	simm.s32 $0x280;
	[sflag:s2] =	ssyncset.done $0x0  }
.LBB2_15:
0x147: {  	p0 =	sne.s32 s6, $0x2580;
	[sflag:s2] =	ssyncadd.s32 $0xFFFFEC00;
	s0 =	sadd.s32 $0x1400, s0  }
0x148: {  	[tilespmem:s3], [sflag:$0x2] =	stream.linear.gather [spmem:s0], $0x1400, $0x38;
	[tilespmem:$0x1A780] =	vst v63  }
0x149: {  	s7 =	smov.u32 s6;
	s6 =	sadd.s32 $0x280, s6;
	_ =	swait.ge [sflag:s2], $0x1400  }
.Ltmp7:
0x14a: {  	[sflag:s2] =	ssyncset.done $0x0;
	(pc) =	sbr.rel @p0 .LBB2_15-.Ltmp7, $4  }
0x14b: {  	s7 =	sadd.s32 s7, s4;
	[sflag:s2] =	ssyncadd.s32 $0xFFFFEC00  }
0x14c: {  	[hbm4b:s7+s5] =	stream.linear.scatter [tilespmem:s3], [sflag:$0x2], $0x1400, $0x38;
	[tilespmem:$0x1A780] =	vst v63  }
0x14d: {  	_ =	swait.ge [sflag:s2], $0x1400  }
0x14e: {  	[sflag:s2] =	ssyncset.done $0x0  }
0x14f: {  	[sflag:s2] =	ssyncadd.s32 $0xFFFFEC00  }
0x150: {  	_ =	sfence.sel $0x180000  }
0x151: {  	[bflag:$0x0] =	sbarrier.arrive $0xFFFF  }
0x152: {  	_ =	strace $0x90000047  }
0x153: {  	[bflag:$0x2] =	sbarrier.arrive $0xFFFF  }
0x154: {  	p0 =	sne.s32 s1, $0x0;
	s0 =	rddreg [dreg:$0x3]  }
0x155: {  	s0 =	sadd.s32 @!p0 $0x100000, s0  }
0x156: {  	[sflag:s0] =	ssyncadd.tile.s32 @!p0 $0x1;
	_ =	shalt  }
.Lfunc_end2:
_tile_overlayer_lowered:
.L_overlay_start_2:
0x157: {  	(tag) =	ssettag $0x2  }
0x158: {  	s0 =	rddreg [dreg:$0x0];
	s2 =	stileid.u32  }
0x159: {  	s1 =	rddreg [dreg:$0x1];
	p0 =	sne.s32 s2, $0x0  }
0x15a: {  	s3 =	rddreg [dreg:$0x2];
	[bflag:$0x3] =	sbarrier.arrive $0xFFFF;
	s2 =	simm.s32 @!p0 $0x1C02  }
0x15b: {  	[timem:s3], [sflag:s2] =	dma.local @!p0 [hbm:s0], s1  }
0x15c: {  	s0 =	simm.s32 @!p0 $0x2  }
0x15d: {  	_ =	swait.ge @!p0 [sflag:s0], s1  }
0x15e: {  	s1 =	ssub.s32 @!p0 $0x0, s1;
	[sflag:s0] =	ssyncset.done @!p0 $0x0  }
0x15f: {  	[sflag:s0] =	ssyncadd.s32 @!p0 s1  }
0x160: {  	[bflag:$0x3] =	sbarrier.arrive $0xFFFF  }
0x161: {  	_ =	shalt  }

</sc_bundles>
